<compile_context>
chip_gen: v7x
topology: tpu7x:2x2x1
jax: 0.10.2.dev20260603
libtpu: 0.0.44.dev20260713+nightly
codegen_flags: <defaults>
</compile_context>

<pallas_src>
import jax
import jax.numpy as jnp
from jax import lax
from jax.experimental import pallas as pl
from jax.experimental.pallas import tpu as pltpu
from jax.experimental.pallas import tpu_sc as plsc

_B = 512
_L = 256
_M = 8
_P = 9
_PML = _P * _M * _L

_N_SC = 128
_NW = 32
_BPW = _N_SC // _NW
_OPAD = 16

_N_TC = _B - _N_SC
_BB = 128


def _sc_body(samples_hbm, plaq_hbm, er_hbm, ei_hbm, outr_hbm, outi_hbm,
             samp_v, plaq_v, er_v, ei_v, outv_r, outv_i):
    wid = lax.axis_index("s") * 2 + lax.axis_index("c")
    pltpu.sync_copy(samples_hbm.at[pl.ds(wid * jnp.int32(_BPW * _L),
                                         _BPW * _L)], samp_v)
    pltpu.sync_copy(plaq_hbm, plaq_v)
    pltpu.sync_copy(er_hbm, er_v)
    pltpu.sync_copy(ei_hbm, ei_v)

    lane_ids = lax.iota(jnp.int32, 16)

    def b_loop(b, carry):
        res_r, res_i = carry

        def g_loop(g, tot):
            tot_r, tot_i = tot
            g16 = g * jnp.int32(16)
            pat = []
            for p in range(_P):
                idx = plaq_v[pl.ds(jnp.int32(p * _L) + g16, 16)]
                flat = idx + jnp.full((16,), b * jnp.int32(_L), jnp.int32)
                x = plsc.load_gather(samp_v, [flat])
                pat.append(lane_ids + x * jnp.int32(_PML))

            def m_loop(m, tot):
                tot_r, tot_i = tot
                acc_r = None
                acc_i = None
                for p in range(_P):
                    off = (m + jnp.int32(p * _M)) * jnp.int32(_L) + g16
                    eidx = pat[p] + jnp.full((16,), off, jnp.int32)
                    fr = plsc.load_gather(er_v, [eidx])
                    fi = plsc.load_gather(ei_v, [eidx])
                    if acc_r is None:
                        acc_r, acc_i = fr, fi
                    else:
                        acc_r, acc_i = (acc_r * fr - acc_i * fi,
                                        acc_r * fi + acc_i * fr)
                return (tot_r + acc_r, tot_i + acc_i)

            return lax.fori_loop(0, _M, m_loop, (tot_r, tot_i))

        tot_r, tot_i = lax.fori_loop(
            0, _L // 16, g_loop,
            (jnp.zeros((16,), jnp.float32), jnp.zeros((16,), jnp.float32)))
        res_r = jnp.where(lane_ids == b, jnp.sum(tot_r, axis=0), res_r)
        res_i = jnp.where(lane_ids == b, jnp.sum(tot_i, axis=0), res_i)
        return (res_r, res_i)

    res_r, res_i = lax.fori_loop(
        0, _BPW, b_loop,
        (jnp.zeros((16,), jnp.float32), jnp.zeros((16,), jnp.float32)))
    outv_r[...] = res_r
    outv_i[...] = res_i
    pltpu.sync_copy(outv_r, outr_hbm.at[wid])
    pltpu.sync_copy(outv_i, outi_hbm.at[wid])


def _tc_body(s_ref, g_ref, er_ref, ei_ref, or_ref, oi_ref):
    X = jnp.dot(s_ref[...], g_ref[...], preferred_element_type=jnp.float32)
    tot_r = jnp.zeros((_BB, _L), jnp.float32)
    tot_i = jnp.zeros((_BB, _L), jnp.float32)
    for m in range(_M):
        acc_r = None
        acc_i = None
        for p in range(_P):
            x = X[:, p * _L:(p + 1) * _L]
            r0 = er_ref[p * _M + m, :]
            i0 = ei_ref[p * _M + m, :]
            r1 = er_ref[_P * _M + p * _M + m, :]
            i1 = ei_ref[_P * _M + p * _M + m, :]
            fr = r0 + x * (r1 - r0)
            fi = i0 + x * (i1 - i0)
            if acc_r is None:
                acc_r, acc_i = fr, fi
            else:
                acc_r, acc_i = (acc_r * fr - acc_i * fi,
                                acc_r * fi + acc_i * fr)
        tot_r = tot_r + acc_r
        tot_i = tot_i + acc_i
    or_ref[...] = jnp.sum(tot_r, axis=1).reshape(1, 1, _BB)
    oi_ref[...] = jnp.sum(tot_i, axis=1).reshape(1, 1, _BB)


@jax.jit
def _run(samples, epsilon, plaquettes):
    er = jnp.transpose(jnp.real(epsilon).astype(jnp.float32), (0, 3, 2, 1))
    ei = jnp.transpose(jnp.imag(epsilon).astype(jnp.float32), (0, 3, 2, 1))
    er2 = er.reshape(2 * _P * _M, _L)
    ei2 = ei.reshape(2 * _P * _M, _L)
    plaq_pm = plaquettes.T.astype(jnp.int32).reshape(_P * _L)
    samp_i = samples.astype(jnp.int32)

    mesh = plsc.VectorSubcoreMesh(core_axis_name="c", subcore_axis_name="s")
    with jax.enable_x64(False):
        sc_call = pl.kernel(
            _sc_body,
            mesh=mesh,
            compiler_params=pltpu.CompilerParams(needs_layout_passes=False,
                                                 has_side_effects=False),
            out_type=[
                jax.ShapeDtypeStruct((_NW, _OPAD), jnp.float32),
                jax.ShapeDtypeStruct((_NW, _OPAD), jnp.float32),
            ],
            scratch_types=[
                pltpu.VMEM((_BPW * _L,), jnp.int32),
                pltpu.VMEM((_P * _L,), jnp.int32),
                pltpu.VMEM((2 * _PML,), jnp.float32),
                pltpu.VMEM((2 * _PML,), jnp.float32),
                pltpu.VMEM((_OPAD,), jnp.float32),
                pltpu.VMEM((_OPAD,), jnp.float32),
            ],
        )
        sc_r2, sc_i2 = sc_call(samp_i[:_N_SC].reshape(_N_SC * _L),
                               plaq_pm, er.reshape(2 * _PML),
                               ei.reshape(2 * _PML))
    sc_r = sc_r2[:, :_BPW].reshape(_N_SC)
    sc_i = sc_i2[:, :_BPW].reshape(_N_SC)

    G = jax.nn.one_hot(plaq_pm, _L, dtype=jnp.float32, axis=0)
    sf = samples[_N_SC:].astype(jnp.float32)
    grid = _N_TC // _BB
    tc_r3, tc_i3 = pl.pallas_call(
        _tc_body,
        grid=(grid,),
        in_specs=[
            pl.BlockSpec((_BB, _L), lambda i: (i, i * 0)),
            pl.BlockSpec((_L, _P * _L), lambda i: (i * 0, i * 0)),
            pl.BlockSpec((2 * _P * _M, _L), lambda i: (i * 0, i * 0)),
            pl.BlockSpec((2 * _P * _M, _L), lambda i: (i * 0, i * 0)),
        ],
        out_specs=[
            pl.BlockSpec((1, 1, _BB), lambda i: (i, i * 0, i * 0)),
            pl.BlockSpec((1, 1, _BB), lambda i: (i, i * 0, i * 0)),
        ],
        out_shape=[
            jax.ShapeDtypeStruct((grid, 1, _BB), jnp.float32),
            jax.ShapeDtypeStruct((grid, 1, _BB), jnp.float32),
        ],
    )(sf, G, er2, ei2)

    out_r = jnp.concatenate([sc_r, tc_r3.reshape(_N_TC)])
    out_i = jnp.concatenate([sc_i, tc_i3.reshape(_N_TC)])
    return out_r, out_i


def kernel(samples, epsilon, plaquettes):
    out_r, out_i = _run(samples, epsilon, plaquettes)
    return jax.lax.complex(out_r.astype(jnp.float64),
                           out_i.astype(jnp.float64))

# --- scband reference (transcript-rebuilt; emitter-appended) ---
"""Pipeline reference for scband-plaquetteq-gps-73993696575820 (READ-ONLY COPY).

The authoritative reference and input builder live on the scoring server;
editing this copy changes nothing except your own understanding.
"""

import jax, jax.numpy as jnp
import numpy as np
jax.config.update("jax_enable_x64", True)

# VMC-scale qGPS: 16x16 periodic lattice (L=256 sites), spin-1/2 (local_dim=2),
# one 3x3 plaquette per site (n_plaq=256, P=9), bond dim M=8, batch B=512 samples.
B = 512
SIDE = 16
L = SIDE * SIDE
LOCAL_DIM = 2
M = 8
PW = 3
P = PW * PW

def _build_plaquettes():
    plaq = np.zeros((L, P), dtype=np.int64)
    for i in range(SIDE):
        for j in range(SIDE):
            s = i * SIDE + j
            k = 0
            for di in range(PW):
                for dj in range(PW):
                    plaq[s, k] = ((i + di) % SIDE) * SIDE + ((j + dj) % SIDE)
                    k += 1
    return plaq

def setup_inputs(seed: int = 0) -> dict:
    key = jax.random.key(seed)
    k1, k2, k3 = jax.random.split(key, 3)
    # occupancy samples in {0, 1}; to_indices casts to uint8
    samples = jax.random.randint(k1, (B, L), 0, LOCAL_DIM, dtype=jnp.int32)
    # learned epsilon param (local_dim, n_plaq, M, P), complex128.
    # Centered near 1 so products of P=9 factors stay numerically sane.
    eps = (1.0
           + 0.1 * jax.random.normal(k2, (LOCAL_DIM, L, M, P), dtype=jnp.float64)
           + 0.1j * jax.random.normal(k3, (LOCAL_DIM, L, M, P), dtype=jnp.float64))
    epsilon = eps.astype(jnp.complex128)
    plaquettes = jnp.asarray(_build_plaquettes())
    return {"samples": samples, "epsilon": epsilon, "plaquettes": plaquettes}

def reference(samples, epsilon, plaquettes):
    # to_indices: samples.astype(uint8); cast to int32 for gather indices
    indices = samples.astype(jnp.uint8).astype(jnp.int32)

    def evaluate_site_product(sample):  # sample: [1, 1, L]
        def single_plaquette_eval(plaquette_ids, epsi):  # epsi: [LOCAL_DIM, M, P]
            res = jnp.take_along_axis(epsi, sample[:, :, plaquette_ids], axis=0).prod(axis=-1)
            return res.reshape(-1)  # [M]
        return jax.vmap(single_plaquette_eval, in_axes=(0, 1), out_axes=0)(plaquettes, epsilon)  # [n_plaq, M]

    def get_site_prod(sample):  # no_syms: identity symmetry, adds trailing sym axis of size 1
        sym = jnp.expand_dims(sample, -1)  # [1, 1, L, 1]
        return jax.vmap(evaluate_site_product, in_axes=-1, out_axes=-1)(sym)  # [n_plaq, M, 1]

    transformed_samples = jnp.expand_dims(indices, (1, 2))  # [B, 1, 1, L]
    site_product = jax.vmap(get_site_prod)(transformed_samples)  # [B, n_plaq, M, 1]
    # out_transformation: sum over (-3, -2, -1)
    return jnp.sum(site_product, axis=(-3, -2, -1))  # [B] complex128

if __name__ == "__main__":
    import jax
    _d = setup_inputs()
    print(jax.jit(kernel)(*tuple(_d.values())))

</pallas_src>

<mosaic_0001>
#map = affine_map<(d0, d1) -> (0)>
#map1 = affine_map<(d0, d1) -> (0, 0)>
module attributes {stable_mosaic.version = 14 : i64} {
  func.func @_sc_body(%arg0: i32, %arg1: i32, %arg2: memref<32768xi32, #tpu.memory_space<hbm>>, %arg3: memref<2304xi32, #tpu.memory_space<hbm>>, %arg4: memref<36864xf32, #tpu.memory_space<hbm>>, %arg5: memref<36864xf32, #tpu.memory_space<hbm>>, %arg6: memref<32x16xf32, #tpu.memory_space<hbm>>, %arg7: memref<32x16xf32, #tpu.memory_space<hbm>>, %arg8: memref<1024xi32, #tpu.memory_space<vmem>>, %arg9: memref<2304xi32, #tpu.memory_space<vmem>>, %arg10: memref<36864xf32, #tpu.memory_space<vmem>>, %arg11: memref<36864xf32, #tpu.memory_space<vmem>>, %arg12: memref<16xf32, #tpu.memory_space<vmem>>, %arg13: memref<16xf32, #tpu.memory_space<vmem>>) attributes {dimension_semantics = [#tpu.dimension_semantics<core_parallel>, #tpu.dimension_semantics<subcore_parallel>], iteration_bounds = array<i64: 2, 16>, scalar_prefetch = 0 : i64, scratch_operands = 6 : i64, tpu.core_type = #tpu.core_type<sc_vector_subcore>, window_params = [{transform_indices = #map}, {transform_indices = #map}, {transform_indices = #map}, {transform_indices = #map}, {transform_indices = #map1}, {transform_indices = #map1}]} {
    %mul3A = arith.constant 2 : i32
    %mul3A_0 = arith.muli %arg1, %mul3A : i32
    %add3A = arith.addi %mul3A_0, %arg0 : i32
    %mul3A_1 = arith.constant 1024 : i32
    %mul3A_2 = arith.muli %add3A, %mul3A_1 : i32
    "tpu.region"() ({
      %run_scoped3A = tpu.sem_alloc : memref<!tpu.dma_semaphore, #tpu.memory_space<semaphore_mem>>
      %dma_start3A = tpu.memref_slice %arg2[%mul3A_2] : memref<32768xi32, #tpu.memory_space<hbm>> -> memref<1024xi32, #tpu.memory_space<hbm>>
      %dma_start3A_14 = tpu.memref_slice %arg2[%mul3A_2] : memref<32768xi32, #tpu.memory_space<hbm>> -> memref<1024xi32, #tpu.memory_space<hbm>>
      tpu.enqueue_dma source(%dma_start3A_14 : memref<1024xi32, #tpu.memory_space<hbm>>) target(%arg8 : memref<1024xi32, #tpu.memory_space<vmem>>) target_semaphore(%run_scoped3A : memref<!tpu.dma_semaphore, #tpu.memory_space<semaphore_mem>>)
      %dma_wait3A = tpu.memref_slice %arg2[%mul3A_2] : memref<32768xi32, #tpu.memory_space<hbm>> -> memref<1024xi32, #tpu.memory_space<hbm>>
      %dma_wait3A_15 = tpu.memref_slice %arg2[%mul3A_2] : memref<32768xi32, #tpu.memory_space<hbm>> -> memref<1024xi32, #tpu.memory_space<hbm>>
      tpu.wait_dma2 semaphore(%run_scoped3A : memref<!tpu.dma_semaphore, #tpu.memory_space<semaphore_mem>>) src(%dma_wait3A_15 : memref<1024xi32, #tpu.memory_space<hbm>>) dst(%arg8 : memref<1024xi32, #tpu.memory_space<vmem>>)
      tpu.yield
    }) : () -> ()
    "tpu.region"() ({
      %run_scoped3A = tpu.sem_alloc : memref<!tpu.dma_semaphore, #tpu.memory_space<semaphore_mem>>
      tpu.enqueue_dma source(%arg3 : memref<2304xi32, #tpu.memory_space<hbm>>) target(%arg9 : memref<2304xi32, #tpu.memory_space<vmem>>) target_semaphore(%run_scoped3A : memref<!tpu.dma_semaphore, #tpu.memory_space<semaphore_mem>>)
      tpu.wait_dma2 semaphore(%run_scoped3A : memref<!tpu.dma_semaphore, #tpu.memory_space<semaphore_mem>>) src(%arg3 : memref<2304xi32, #tpu.memory_space<hbm>>) dst(%arg9 : memref<2304xi32, #tpu.memory_space<vmem>>)
      tpu.yield
    }) : () -> ()
    "tpu.region"() ({
      %run_scoped3A = tpu.sem_alloc : memref<!tpu.dma_semaphore, #tpu.memory_space<semaphore_mem>>
      tpu.enqueue_dma source(%arg4 : memref<36864xf32, #tpu.memory_space<hbm>>) target(%arg10 : memref<36864xf32, #tpu.memory_space<vmem>>) target_semaphore(%run_scoped3A : memref<!tpu.dma_semaphore, #tpu.memory_space<semaphore_mem>>)
      tpu.wait_dma2 semaphore(%run_scoped3A : memref<!tpu.dma_semaphore, #tpu.memory_space<semaphore_mem>>) src(%arg4 : memref<36864xf32, #tpu.memory_space<hbm>>) dst(%arg10 : memref<36864xf32, #tpu.memory_space<vmem>>)
      tpu.yield
    }) : () -> ()
    "tpu.region"() ({
      %run_scoped3A = tpu.sem_alloc : memref<!tpu.dma_semaphore, #tpu.memory_space<semaphore_mem>>
      tpu.enqueue_dma source(%arg5 : memref<36864xf32, #tpu.memory_space<hbm>>) target(%arg11 : memref<36864xf32, #tpu.memory_space<vmem>>) target_semaphore(%run_scoped3A : memref<!tpu.dma_semaphore, #tpu.memory_space<semaphore_mem>>)
      tpu.wait_dma2 semaphore(%run_scoped3A : memref<!tpu.dma_semaphore, #tpu.memory_space<semaphore_mem>>) src(%arg5 : memref<36864xf32, #tpu.memory_space<hbm>>) dst(%arg11 : memref<36864xf32, #tpu.memory_space<vmem>>)
      tpu.yield
    }) : () -> ()
    %iota3A = tpu.iota {dimensions = array<i32: 0>} : vector<16xi32>
    %broadcast_in_dim3A = arith.constant 0.000000e+00 : f32
    %broadcast_in_dim3A_3 = vector.broadcast %broadcast_in_dim3A : f32 to vector<16xf32>
    %broadcast_in_dim3A_4 = arith.constant 0.000000e+00 : f32
    %broadcast_in_dim3A_5 = vector.broadcast %broadcast_in_dim3A_4 : f32 to vector<16xf32>
    %scan3A = arith.constant 0 : i32
    %scan3A_6 = arith.constant 4 : i32
    %scan3A_7 = arith.addi %scan3A, %scan3A_6 : i32
    %scan3A_8 = arith.constant 1 : i32
    %scan3A_9:2 = scf.for %scan3A_14 = %scan3A to %scan3A_7 step %scan3A_8 iter_args(%scan3A_15 = %broadcast_in_dim3A_3, %scan3A_16 = %broadcast_in_dim3A_5) -> (vector<16xf32>, vector<16xf32>)  : i32 {
      %broadcast_in_dim3A_17 = arith.constant 0.000000e+00 : f32
      %broadcast_in_dim3A_18 = vector.broadcast %broadcast_in_dim3A_17 : f32 to vector<16xf32>
      %broadcast_in_dim3A_19 = arith.constant 0.000000e+00 : f32
      %broadcast_in_dim3A_20 = vector.broadcast %broadcast_in_dim3A_19 : f32 to vector<16xf32>
      %scan3A_21 = arith.constant 0 : i32
      %scan3A_22 = arith.constant 16 : i32
      %scan3A_23 = arith.addi %scan3A_21, %scan3A_22 : i32
      %scan3A_24 = arith.constant 1 : i32
      %scan3A_25:2 = scf.for %scan3A_40 = %scan3A_21 to %scan3A_23 step %scan3A_24 iter_args(%scan3A_41 = %broadcast_in_dim3A_18, %scan3A_42 = %broadcast_in_dim3A_20) -> (vector<16xf32>, vector<16xf32>)  : i32 {
        %mul3A_43 = arith.constant 16 : i32
        %mul3A_44 = arith.muli %scan3A_40, %mul3A_43 : i32
        %add3A_45 = arith.constant 0 : i32
        %add3A_46 = arith.addi %add3A_45, %mul3A_44 : i32
        %get3A = arith.index_cast %add3A_46 : i32 to index
        %get3A_47 = tpu.vector_load %arg9[%get3A] {strides = array<i32>} : memref<2304xi32, #tpu.memory_space<vmem>>, vector<16xi32>,
        %mul3A_48 = arith.constant 256 : i32
        %mul3A_49 = arith.muli %scan3A_14, %mul3A_48 : i32
        %broadcast_in_dim3A_50 = vector.broadcast %mul3A_49 : i32 to vector<16xi32>
        %add3A_51 = arith.addi %get3A_47, %broadcast_in_dim3A_50 : vector<16xi32>
        %gather3A = tpu.vector_load_idx %arg8[%add3A_51] : memref<1024xi32, #tpu.memory_space<vmem>>[vector<16xi32>], vector<16xi32>,
        %mul3A_52 = arith.constant 18432 : i32
        %mul3A_53 = vector.broadcast %mul3A_52 : i32 to vector<16xi32>
        %mul3A_54 = arith.muli %gather3A, %mul3A_53 : vector<16xi32>
        %add3A_55 = arith.addi %iota3A, %mul3A_54 : vector<16xi32>
        %add3A_56 = arith.constant 256 : i32
        %add3A_57 = arith.addi %add3A_56, %mul3A_44 : i32
        %get3A_58 = arith.index_cast %add3A_57 : i32 to index
        %get3A_59 = tpu.vector_load %arg9[%get3A_58] {strides = array<i32>} : memref<2304xi32, #tpu.memory_space<vmem>>, vector<16xi32>,
        %mul3A_60 = arith.constant 256 : i32
        %mul3A_61 = arith.muli %scan3A_14, %mul3A_60 : i32
        %broadcast_in_dim3A_62 = vector.broadcast %mul3A_61 : i32 to vector<16xi32>
        %add3A_63 = arith.addi %get3A_59, %broadcast_in_dim3A_62 : vector<16xi32>
        %gather3A_64 = tpu.vector_load_idx %arg8[%add3A_63] : memref<1024xi32, #tpu.memory_space<vmem>>[vector<16xi32>], vector<16xi32>,
        %mul3A_65 = arith.constant 18432 : i32
        %mul3A_66 = vector.broadcast %mul3A_65 : i32 to vector<16xi32>
        %mul3A_67 = arith.muli %gather3A_64, %mul3A_66 : vector<16xi32>
        %add3A_68 = arith.addi %iota3A, %mul3A_67 : vector<16xi32>
        %add3A_69 = arith.constant 512 : i32
        %add3A_70 = arith.addi %add3A_69, %mul3A_44 : i32
        %get3A_71 = arith.index_cast %add3A_70 : i32 to index
        %get3A_72 = tpu.vector_load %arg9[%get3A_71] {strides = array<i32>} : memref<2304xi32, #tpu.memory_space<vmem>>, vector<16xi32>,
        %mul3A_73 = arith.constant 256 : i32
        %mul3A_74 = arith.muli %scan3A_14, %mul3A_73 : i32
        %broadcast_in_dim3A_75 = vector.broadcast %mul3A_74 : i32 to vector<16xi32>
        %add3A_76 = arith.addi %get3A_72, %broadcast_in_dim3A_75 : vector<16xi32>
        %gather3A_77 = tpu.vector_load_idx %arg8[%add3A_76] : memref<1024xi32, #tpu.memory_space<vmem>>[vector<16xi32>], vector<16xi32>,
        %mul3A_78 = arith.constant 18432 : i32
        %mul3A_79 = vector.broadcast %mul3A_78 : i32 to vector<16xi32>
        %mul3A_80 = arith.muli %gather3A_77, %mul3A_79 : vector<16xi32>
        %add3A_81 = arith.addi %iota3A, %mul3A_80 : vector<16xi32>
        %add3A_82 = arith.constant 768 : i32
        %add3A_83 = arith.addi %add3A_82, %mul3A_44 : i32
        %get3A_84 = arith.index_cast %add3A_83 : i32 to index
        %get3A_85 = tpu.vector_load %arg9[%get3A_84] {strides = array<i32>} : memref<2304xi32, #tpu.memory_space<vmem>>, vector<16xi32>,
        %mul3A_86 = arith.constant 256 : i32
        %mul3A_87 = arith.muli %scan3A_14, %mul3A_86 : i32
        %broadcast_in_dim3A_88 = vector.broadcast %mul3A_87 : i32 to vector<16xi32>
        %add3A_89 = arith.addi %get3A_85, %broadcast_in_dim3A_88 : vector<16xi32>
        %gather3A_90 = tpu.vector_load_idx %arg8[%add3A_89] : memref<1024xi32, #tpu.memory_space<vmem>>[vector<16xi32>], vector<16xi32>,
        %mul3A_91 = arith.constant 18432 : i32
        %mul3A_92 = vector.broadcast %mul3A_91 : i32 to vector<16xi32>
        %mul3A_93 = arith.muli %gather3A_90, %mul3A_92 : vector<16xi32>
        %add3A_94 = arith.addi %iota3A, %mul3A_93 : vector<16xi32>
        %add3A_95 = arith.constant 1024 : i32
        %add3A_96 = arith.addi %add3A_95, %mul3A_44 : i32
        %get3A_97 = arith.index_cast %add3A_96 : i32 to index
        %get3A_98 = tpu.vector_load %arg9[%get3A_97] {strides = array<i32>} : memref<2304xi32, #tpu.memory_space<vmem>>, vector<16xi32>,
        %mul3A_99 = arith.constant 256 : i32
        %mul3A_100 = arith.muli %scan3A_14, %mul3A_99 : i32
        %broadcast_in_dim3A_101 = vector.broadcast %mul3A_100 : i32 to vector<16xi32>
        %add3A_102 = arith.addi %get3A_98, %broadcast_in_dim3A_101 : vector<16xi32>
        %gather3A_103 = tpu.vector_load_idx %arg8[%add3A_102] : memref<1024xi32, #tpu.memory_space<vmem>>[vector<16xi32>], vector<16xi32>,
        %mul3A_104 = arith.constant 18432 : i32
        %mul3A_105 = vector.broadcast %mul3A_104 : i32 to vector<16xi32>
        %mul3A_106 = arith.muli %gather3A_103, %mul3A_105 : vector<16xi32>
        %add3A_107 = arith.addi %iota3A, %mul3A_106 : vector<16xi32>
        %add3A_108 = arith.constant 1280 : i32
        %add3A_109 = arith.addi %add3A_108, %mul3A_44 : i32
        %get3A_110 = arith.index_cast %add3A_109 : i32 to index
        %get3A_111 = tpu.vector_load %arg9[%get3A_110] {strides = array<i32>} : memref<2304xi32, #tpu.memory_space<vmem>>, vector<16xi32>,
        %mul3A_112 = arith.constant 256 : i32
        %mul3A_113 = arith.muli %scan3A_14, %mul3A_112 : i32
        %broadcast_in_dim3A_114 = vector.broadcast %mul3A_113 : i32 to vector<16xi32>
        %add3A_115 = arith.addi %get3A_111, %broadcast_in_dim3A_114 : vector<16xi32>
        %gather3A_116 = tpu.vector_load_idx %arg8[%add3A_115] : memref<1024xi32, #tpu.memory_space<vmem>>[vector<16xi32>], vector<16xi32>,
        %mul3A_117 = arith.constant 18432 : i32
        %mul3A_118 = vector.broadcast %mul3A_117 : i32 to vector<16xi32>
        %mul3A_119 = arith.muli %gather3A_116, %mul3A_118 : vector<16xi32>
        %add3A_120 = arith.addi %iota3A, %mul3A_119 : vector<16xi32>
        %add3A_121 = arith.constant 1536 : i32
        %add3A_122 = arith.addi %add3A_121, %mul3A_44 : i32
        %get3A_123 = arith.index_cast %add3A_122 : i32 to index
        %get3A_124 = tpu.vector_load %arg9[%get3A_123] {strides = array<i32>} : memref<2304xi32, #tpu.memory_space<vmem>>, vector<16xi32>,
        %mul3A_125 = arith.constant 256 : i32
        %mul3A_126 = arith.muli %scan3A_14, %mul3A_125 : i32
        %broadcast_in_dim3A_127 = vector.broadcast %mul3A_126 : i32 to vector<16xi32>
        %add3A_128 = arith.addi %get3A_124, %broadcast_in_dim3A_127 : vector<16xi32>
        %gather3A_129 = tpu.vector_load_idx %arg8[%add3A_128] : memref<1024xi32, #tpu.memory_space<vmem>>[vector<16xi32>], vector<16xi32>,
        %mul3A_130 = arith.constant 18432 : i32
        %mul3A_131 = vector.broadcast %mul3A_130 : i32 to vector<16xi32>
        %mul3A_132 = arith.muli %gather3A_129, %mul3A_131 : vector<16xi32>
        %add3A_133 = arith.addi %iota3A, %mul3A_132 : vector<16xi32>
        %add3A_134 = arith.constant 1792 : i32
        %add3A_135 = arith.addi %add3A_134, %mul3A_44 : i32
        %get3A_136 = arith.index_cast %add3A_135 : i32 to index
        %get3A_137 = tpu.vector_load %arg9[%get3A_136] {strides = array<i32>} : memref<2304xi32, #tpu.memory_space<vmem>>, vector<16xi32>,
        %mul3A_138 = arith.constant 256 : i32
        %mul3A_139 = arith.muli %scan3A_14, %mul3A_138 : i32
        %broadcast_in_dim3A_140 = vector.broadcast %mul3A_139 : i32 to vector<16xi32>
        %add3A_141 = arith.addi %get3A_137, %broadcast_in_dim3A_140 : vector<16xi32>
        %gather3A_142 = tpu.vector_load_idx %arg8[%add3A_141] : memref<1024xi32, #tpu.memory_space<vmem>>[vector<16xi32>], vector<16xi32>,
        %mul3A_143 = arith.constant 18432 : i32
        %mul3A_144 = vector.broadcast %mul3A_143 : i32 to vector<16xi32>
        %mul3A_145 = arith.muli %gather3A_142, %mul3A_144 : vector<16xi32>
        %add3A_146 = arith.addi %iota3A, %mul3A_145 : vector<16xi32>
        %add3A_147 = arith.constant 2048 : i32
        %add3A_148 = arith.addi %add3A_147, %mul3A_44 : i32
        %get3A_149 = arith.index_cast %add3A_148 : i32 to index
        %get3A_150 = tpu.vector_load %arg9[%get3A_149] {strides = array<i32>} : memref<2304xi32, #tpu.memory_space<vmem>>, vector<16xi32>,
        %mul3A_151 = arith.constant 256 : i32
        %mul3A_152 = arith.muli %scan3A_14, %mul3A_151 : i32
        %broadcast_in_dim3A_153 = vector.broadcast %mul3A_152 : i32 to vector<16xi32>
        %add3A_154 = arith.addi %get3A_150, %broadcast_in_dim3A_153 : vector<16xi32>
        %gather3A_155 = tpu.vector_load_idx %arg8[%add3A_154] : memref<1024xi32, #tpu.memory_space<vmem>>[vector<16xi32>], vector<16xi32>,
        %mul3A_156 = arith.constant 18432 : i32
        %mul3A_157 = vector.broadcast %mul3A_156 : i32 to vector<16xi32>
        %mul3A_158 = arith.muli %gather3A_155, %mul3A_157 : vector<16xi32>
        %add3A_159 = arith.addi %iota3A, %mul3A_158 : vector<16xi32>
        %scan3A_160 = arith.constant 0 : i32
        %scan3A_161 = arith.constant 8 : i32
        %scan3A_162 = arith.addi %scan3A_160, %scan3A_161 : i32
        %scan3A_163 = arith.constant 1 : i32
        %scan3A_164:2 = scf.for %scan3A_166 = %scan3A_160 to %scan3A_162 step %scan3A_163 iter_args(%scan3A_167 = %scan3A_41, %scan3A_168 = %scan3A_42) -> (vector<16xf32>, vector<16xf32>)  : i32 {
          %add3A_169 = arith.constant 0 : i32
          %add3A_170 = arith.addi %scan3A_166, %add3A_169 : i32
          %mul3A_171 = arith.constant 256 : i32
          %mul3A_172 = arith.muli %add3A_170, %mul3A_171 : i32
          %add3A_173 = arith.addi %mul3A_172, %mul3A_44 : i32
          %broadcast_in_dim3A_174 = vector.broadcast %add3A_173 : i32 to vector<16xi32>
          %add3A_175 = arith.addi %add3A_55, %broadcast_in_dim3A_174 : vector<16xi32>
          %gather3A_176 = tpu.vector_load_idx %arg10[%add3A_175] : memref<36864xf32, #tpu.memory_space<vmem>>[vector<16xi32>], vector<16xf32>,
          %gather3A_177 = tpu.vector_load_idx %arg11[%add3A_175] : memref<36864xf32, #tpu.memory_space<vmem>>[vector<16xi32>], vector<16xf32>,
          %add3A_178 = arith.constant 8 : i32
          %add3A_179 = arith.addi %scan3A_166, %add3A_178 : i32
          %mul3A_180 = arith.constant 256 : i32
          %mul3A_181 = arith.muli %add3A_179, %mul3A_180 : i32
          %add3A_182 = arith.addi %mul3A_181, %mul3A_44 : i32
          %broadcast_in_dim3A_183 = vector.broadcast %add3A_182 : i32 to vector<16xi32>
          %add3A_184 = arith.addi %add3A_68, %broadcast_in_dim3A_183 : vector<16xi32>
          %gather3A_185 = tpu.vector_load_idx %arg10[%add3A_184] : memref<36864xf32, #tpu.memory_space<vmem>>[vector<16xi32>], vector<16xf32>,
          %gather3A_186 = tpu.vector_load_idx %arg11[%add3A_184] : memref<36864xf32, #tpu.memory_space<vmem>>[vector<16xi32>], vector<16xf32>,
          %mul3A_187 = arith.mulf %gather3A_176, %gather3A_185 : vector<16xf32>
          %mul3A_188 = arith.mulf %gather3A_177, %gather3A_186 : vector<16xf32>
          %sub3A = arith.subf %mul3A_187, %mul3A_188 : vector<16xf32>
          %mul3A_189 = arith.mulf %gather3A_176, %gather3A_186 : vector<16xf32>
          %mul3A_190 = arith.mulf %gather3A_177, %gather3A_185 : vector<16xf32>
          %add3A_191 = arith.addf %mul3A_189, %mul3A_190 : vector<16xf32>
          %add3A_192 = arith.constant 16 : i32
          %add3A_193 = arith.addi %scan3A_166, %add3A_192 : i32
          %mul3A_194 = arith.constant 256 : i32
          %mul3A_195 = arith.muli %add3A_193, %mul3A_194 : i32
          %add3A_196 = arith.addi %mul3A_195, %mul3A_44 : i32
          %broadcast_in_dim3A_197 = vector.broadcast %add3A_196 : i32 to vector<16xi32>
          %add3A_198 = arith.addi %add3A_81, %broadcast_in_dim3A_197 : vector<16xi32>
          %gather3A_199 = tpu.vector_load_idx %arg10[%add3A_198] : memref<36864xf32, #tpu.memory_space<vmem>>[vector<16xi32>], vector<16xf32>,
          %gather3A_200 = tpu.vector_load_idx %arg11[%add3A_198] : memref<36864xf32, #tpu.memory_space<vmem>>[vector<16xi32>], vector<16xf32>,
          %mul3A_201 = arith.mulf %sub3A, %gather3A_199 : vector<16xf32>
          %mul3A_202 = arith.mulf %add3A_191, %gather3A_200 : vector<16xf32>
          %sub3A_203 = arith.subf %mul3A_201, %mul3A_202 : vector<16xf32>
          %mul3A_204 = arith.mulf %sub3A, %gather3A_200 : vector<16xf32>
          %mul3A_205 = arith.mulf %add3A_191, %gather3A_199 : vector<16xf32>
          %add3A_206 = arith.addf %mul3A_204, %mul3A_205 : vector<16xf32>
          %add3A_207 = arith.constant 24 : i32
          %add3A_208 = arith.addi %scan3A_166, %add3A_207 : i32
          %mul3A_209 = arith.constant 256 : i32
          %mul3A_210 = arith.muli %add3A_208, %mul3A_209 : i32
          %add3A_211 = arith.addi %mul3A_210, %mul3A_44 : i32
          %broadcast_in_dim3A_212 = vector.broadcast %add3A_211 : i32 to vector<16xi32>
          %add3A_213 = arith.addi %add3A_94, %broadcast_in_dim3A_212 : vector<16xi32>
          %gather3A_214 = tpu.vector_load_idx %arg10[%add3A_213] : memref<36864xf32, #tpu.memory_space<vmem>>[vector<16xi32>], vector<16xf32>,
          %gather3A_215 = tpu.vector_load_idx %arg11[%add3A_213] : memref<36864xf32, #tpu.memory_space<vmem>>[vector<16xi32>], vector<16xf32>,
          %mul3A_216 = arith.mulf %sub3A_203, %gather3A_214 : vector<16xf32>
          %mul3A_217 = arith.mulf %add3A_206, %gather3A_215 : vector<16xf32>
          %sub3A_218 = arith.subf %mul3A_216, %mul3A_217 : vector<16xf32>
          %mul3A_219 = arith.mulf %sub3A_203, %gather3A_215 : vector<16xf32>
          %mul3A_220 = arith.mulf %add3A_206, %gather3A_214 : vector<16xf32>
          %add3A_221 = arith.addf %mul3A_219, %mul3A_220 : vector<16xf32>
          %add3A_222 = arith.constant 32 : i32
          %add3A_223 = arith.addi %scan3A_166, %add3A_222 : i32
          %mul3A_224 = arith.constant 256 : i32
          %mul3A_225 = arith.muli %add3A_223, %mul3A_224 : i32
          %add3A_226 = arith.addi %mul3A_225, %mul3A_44 : i32
          %broadcast_in_dim3A_227 = vector.broadcast %add3A_226 : i32 to vector<16xi32>
          %add3A_228 = arith.addi %add3A_107, %broadcast_in_dim3A_227 : vector<16xi32>
          %gather3A_229 = tpu.vector_load_idx %arg10[%add3A_228] : memref<36864xf32, #tpu.memory_space<vmem>>[vector<16xi32>], vector<16xf32>,
          %gather3A_230 = tpu.vector_load_idx %arg11[%add3A_228] : memref<36864xf32, #tpu.memory_space<vmem>>[vector<16xi32>], vector<16xf32>,
          %mul3A_231 = arith.mulf %sub3A_218, %gather3A_229 : vector<16xf32>
          %mul3A_232 = arith.mulf %add3A_221, %gather3A_230 : vector<16xf32>
          %sub3A_233 = arith.subf %mul3A_231, %mul3A_232 : vector<16xf32>
          %mul3A_234 = arith.mulf %sub3A_218, %gather3A_230 : vector<16xf32>
          %mul3A_235 = arith.mulf %add3A_221, %gather3A_229 : vector<16xf32>
          %add3A_236 = arith.addf %mul3A_234, %mul3A_235 : vector<16xf32>
          %add3A_237 = arith.constant 40 : i32
          %add3A_238 = arith.addi %scan3A_166, %add3A_237 : i32
          %mul3A_239 = arith.constant 256 : i32
          %mul3A_240 = arith.muli %add3A_238, %mul3A_239 : i32
          %add3A_241 = arith.addi %mul3A_240, %mul3A_44 : i32
          %broadcast_in_dim3A_242 = vector.broadcast %add3A_241 : i32 to vector<16xi32>
          %add3A_243 = arith.addi %add3A_120, %broadcast_in_dim3A_242 : vector<16xi32>
          %gather3A_244 = tpu.vector_load_idx %arg10[%add3A_243] : memref<36864xf32, #tpu.memory_space<vmem>>[vector<16xi32>], vector<16xf32>,
          %gather3A_245 = tpu.vector_load_idx %arg11[%add3A_243] : memref<36864xf32, #tpu.memory_space<vmem>>[vector<16xi32>], vector<16xf32>,
          %mul3A_246 = arith.mulf %sub3A_233, %gather3A_244 : vector<16xf32>
          %mul3A_247 = arith.mulf %add3A_236, %gather3A_245 : vector<16xf32>
          %sub3A_248 = arith.subf %mul3A_246, %mul3A_247 : vector<16xf32>
          %mul3A_249 = arith.mulf %sub3A_233, %gather3A_245 : vector<16xf32>
          %mul3A_250 = arith.mulf %add3A_236, %gather3A_244 : vector<16xf32>
          %add3A_251 = arith.addf %mul3A_249, %mul3A_250 : vector<16xf32>
          %add3A_252 = arith.constant 48 : i32
          %add3A_253 = arith.addi %scan3A_166, %add3A_252 : i32
          %mul3A_254 = arith.constant 256 : i32
          %mul3A_255 = arith.muli %add3A_253, %mul3A_254 : i32
          %add3A_256 = arith.addi %mul3A_255, %mul3A_44 : i32
          %broadcast_in_dim3A_257 = vector.broadcast %add3A_256 : i32 to vector<16xi32>
          %add3A_258 = arith.addi %add3A_133, %broadcast_in_dim3A_257 : vector<16xi32>
          %gather3A_259 = tpu.vector_load_idx %arg10[%add3A_258] : memref<36864xf32, #tpu.memory_space<vmem>>[vector<16xi32>], vector<16xf32>,
          %gather3A_260 = tpu.vector_load_idx %arg11[%add3A_258] : memref<36864xf32, #tpu.memory_space<vmem>>[vector<16xi32>], vector<16xf32>,
          %mul3A_261 = arith.mulf %sub3A_248, %gather3A_259 : vector<16xf32>
          %mul3A_262 = arith.mulf %add3A_251, %gather3A_260 : vector<16xf32>
          %sub3A_263 = arith.subf %mul3A_261, %mul3A_262 : vector<16xf32>
          %mul3A_264 = arith.mulf %sub3A_248, %gather3A_260 : vector<16xf32>
          %mul3A_265 = arith.mulf %add3A_251, %gather3A_259 : vector<16xf32>
          %add3A_266 = arith.addf %mul3A_264, %mul3A_265 : vector<16xf32>
          %add3A_267 = arith.constant 56 : i32
          %add3A_268 = arith.addi %scan3A_166, %add3A_267 : i32
          %mul3A_269 = arith.constant 256 : i32
          %mul3A_270 = arith.muli %add3A_268, %mul3A_269 : i32
          %add3A_271 = arith.addi %mul3A_270, %mul3A_44 : i32
          %broadcast_in_dim3A_272 = vector.broadcast %add3A_271 : i32 to vector<16xi32>
          %add3A_273 = arith.addi %add3A_146, %broadcast_in_dim3A_272 : vector<16xi32>
          %gather3A_274 = tpu.vector_load_idx %arg10[%add3A_273] : memref<36864xf32, #tpu.memory_space<vmem>>[vector<16xi32>], vector<16xf32>,
          %gather3A_275 = tpu.vector_load_idx %arg11[%add3A_273] : memref<36864xf32, #tpu.memory_space<vmem>>[vector<16xi32>], vector<16xf32>,
          %mul3A_276 = arith.mulf %sub3A_263, %gather3A_274 : vector<16xf32>
          %mul3A_277 = arith.mulf %add3A_266, %gather3A_275 : vector<16xf32>
          %sub3A_278 = arith.subf %mul3A_276, %mul3A_277 : vector<16xf32>
          %mul3A_279 = arith.mulf %sub3A_263, %gather3A_275 : vector<16xf32>
          %mul3A_280 = arith.mulf %add3A_266, %gather3A_274 : vector<16xf32>
          %add3A_281 = arith.addf %mul3A_279, %mul3A_280 : vector<16xf32>
          %add3A_282 = arith.constant 64 : i32
          %add3A_283 = arith.addi %scan3A_166, %add3A_282 : i32
          %mul3A_284 = arith.constant 256 : i32
          %mul3A_285 = arith.muli %add3A_283, %mul3A_284 : i32
          %add3A_286 = arith.addi %mul3A_285, %mul3A_44 : i32
          %broadcast_in_dim3A_287 = vector.broadcast %add3A_286 : i32 to vector<16xi32>
          %add3A_288 = arith.addi %add3A_159, %broadcast_in_dim3A_287 : vector<16xi32>
          %gather3A_289 = tpu.vector_load_idx %arg10[%add3A_288] : memref<36864xf32, #tpu.memory_space<vmem>>[vector<16xi32>], vector<16xf32>,
          %gather3A_290 = tpu.vector_load_idx %arg11[%add3A_288] : memref<36864xf32, #tpu.memory_space<vmem>>[vector<16xi32>], vector<16xf32>,
          %mul3A_291 = arith.mulf %sub3A_278, %gather3A_289 : vector<16xf32>
          %mul3A_292 = arith.mulf %add3A_281, %gather3A_290 : vector<16xf32>
          %sub3A_293 = arith.subf %mul3A_291, %mul3A_292 : vector<16xf32>
          %mul3A_294 = arith.mulf %sub3A_278, %gather3A_290 : vector<16xf32>
          %mul3A_295 = arith.mulf %add3A_281, %gather3A_289 : vector<16xf32>
          %add3A_296 = arith.addf %mul3A_294, %mul3A_295 : vector<16xf32>
          %add3A_297 = arith.addf %scan3A_167, %sub3A_293 : vector<16xf32>
          %add3A_298 = arith.addf %scan3A_168, %add3A_296 : vector<16xf32>
          scf.yield %add3A_297, %add3A_298 : vector<16xf32>, vector<16xf32>
        }
        %scan3A_165 = arith.constant 8 : i32
        scf.yield %scan3A_164#0, %scan3A_164#1 : vector<16xf32>, vector<16xf32>
      }
      %scan3A_26 = arith.constant 16 : i32
      %eq3A = vector.broadcast %scan3A_14 : i32 to vector<16xi32>
      %eq3A_27 = arith.cmpi eq, %iota3A, %eq3A : vector<16xi32>
      %reduce_sum3A = arith.constant true
      %reduce_sum3A_28 = vector.broadcast %reduce_sum3A : i1 to vector<16xi1>
      %reduce_sum3A_29 = tpu.scan <sum>, %scan3A_25#0 masked %reduce_sum3A_28 : vector<16xf32>, vector<16xi1> -> vector<16xf32>
      %reduce_sum3A_30 = vector.extract %reduce_sum3A_29[15] : f32 from vector<16xf32>
      %broadcast_in_dim3A_31 = vector.broadcast %reduce_sum3A_30 : f32 to vector<16xf32>
      %select_n3A = arith.select %eq3A_27, %broadcast_in_dim3A_31, %scan3A_15 : vector<16xi1>, vector<16xf32>
      %eq3A_32 = vector.broadcast %scan3A_14 : i32 to vector<16xi32>
      %eq3A_33 = arith.cmpi eq, %iota3A, %eq3A_32 : vector<16xi32>
      %reduce_sum3A_34 = arith.constant true
      %reduce_sum3A_35 = vector.broadcast %reduce_sum3A_34 : i1 to vector<16xi1>
      %reduce_sum3A_36 = tpu.scan <sum>, %scan3A_25#1 masked %reduce_sum3A_35 : vector<16xf32>, vector<16xi1> -> vector<16xf32>
      %reduce_sum3A_37 = vector.extract %reduce_sum3A_36[15] : f32 from vector<16xf32>
      %broadcast_in_dim3A_38 = vector.broadcast %reduce_sum3A_37 : f32 to vector<16xf32>
      %select_n3A_39 = arith.select %eq3A_33, %broadcast_in_dim3A_38, %scan3A_16 : vector<16xi1>, vector<16xf32>
      scf.yield %select_n3A, %select_n3A_39 : vector<16xf32>, vector<16xf32>
    }
    %scan3A_10 = arith.constant 4 : i32
    %swap3A = arith.constant 0 : index
    %swap3A_11 = tpu.vector_load %arg12[%swap3A] {strides = array<i32>} : memref<16xf32, #tpu.memory_space<vmem>>, vector<16xf32>,
    tpu.vector_store %arg12[%swap3A], %scan3A_9#0 {strides = array<i32>} : memref<16xf32, #tpu.memory_space<vmem>>, vector<16xf32>,
    %swap3A_12 = arith.constant 0 : index
    %swap3A_13 = tpu.vector_load %arg13[%swap3A_12] {strides = array<i32>} : memref<16xf32, #tpu.memory_space<vmem>>, vector<16xf32>,
    tpu.vector_store %arg13[%swap3A_12], %scan3A_9#1 {strides = array<i32>} : memref<16xf32, #tpu.memory_space<vmem>>, vector<16xf32>,
    "tpu.region"() ({
      %run_scoped3A = tpu.sem_alloc : memref<!tpu.dma_semaphore, #tpu.memory_space<semaphore_mem>>
      %dma_start3A = arith.constant 0 : i32
      %dma_start3A_14 = tpu.memref_slice %arg6[%add3A, %dma_start3A] : memref<32x16xf32, #tpu.memory_space<hbm>> -> memref<1x16xf32, #tpu.memory_space<hbm>>
      %dma_start3A_15 = tpu.memref_squeeze %dma_start3A_14 : memref<1x16xf32, #tpu.memory_space<hbm>> -> memref<16xf32, #tpu.memory_space<hbm>>
      %dma_start3A_16 = arith.constant 0 : i32
      %dma_start3A_17 = tpu.memref_slice %arg6[%add3A, %dma_start3A_16] : memref<32x16xf32, #tpu.memory_space<hbm>> -> memref<1x16xf32, #tpu.memory_space<hbm>>
      %dma_start3A_18 = tpu.memref_squeeze %dma_start3A_17 : memref<1x16xf32, #tpu.memory_space<hbm>> -> memref<16xf32, #tpu.memory_space<hbm>>
      tpu.enqueue_dma source(%arg12 : memref<16xf32, #tpu.memory_space<vmem>>) target(%dma_start3A_18 : memref<16xf32, #tpu.memory_space<hbm>>) target_semaphore(%run_scoped3A : memref<!tpu.dma_semaphore, #tpu.memory_space<semaphore_mem>>)
      %dma_wait3A = arith.constant 0 : i32
      %dma_wait3A_19 = tpu.memref_slice %arg6[%add3A, %dma_wait3A] : memref<32x16xf32, #tpu.memory_space<hbm>> -> memref<1x16xf32, #tpu.memory_space<hbm>>
      %dma_wait3A_20 = tpu.memref_squeeze %dma_wait3A_19 : memref<1x16xf32, #tpu.memory_space<hbm>> -> memref<16xf32, #tpu.memory_space<hbm>>
      %dma_wait3A_21 = arith.constant 0 : i32
      %dma_wait3A_22 = tpu.memref_slice %arg6[%add3A, %dma_wait3A_21] : memref<32x16xf32, #tpu.memory_space<hbm>> -> memref<1x16xf32, #tpu.memory_space<hbm>>
      %dma_wait3A_23 = tpu.memref_squeeze %dma_wait3A_22 : memref<1x16xf32, #tpu.memory_space<hbm>> -> memref<16xf32, #tpu.memory_space<hbm>>
      tpu.wait_dma2 semaphore(%run_scoped3A : memref<!tpu.dma_semaphore, #tpu.memory_space<semaphore_mem>>) src(%arg12 : memref<16xf32, #tpu.memory_space<vmem>>) dst(%dma_wait3A_23 : memref<16xf32, #tpu.memory_space<hbm>>)
      tpu.yield
    }) : () -> ()
    "tpu.region"() ({
      %run_scoped3A = tpu.sem_alloc : memref<!tpu.dma_semaphore, #tpu.memory_space<semaphore_mem>>
      %dma_start3A = arith.constant 0 : i32
      %dma_start3A_14 = tpu.memref_slice %arg7[%add3A, %dma_start3A] : memref<32x16xf32, #tpu.memory_space<hbm>> -> memref<1x16xf32, #tpu.memory_space<hbm>>
      %dma_start3A_15 = tpu.memref_squeeze %dma_start3A_14 : memref<1x16xf32, #tpu.memory_space<hbm>> -> memref<16xf32, #tpu.memory_space<hbm>>
      %dma_start3A_16 = arith.constant 0 : i32
      %dma_start3A_17 = tpu.memref_slice %arg7[%add3A, %dma_start3A_16] : memref<32x16xf32, #tpu.memory_space<hbm>> -> memref<1x16xf32, #tpu.memory_space<hbm>>
      %dma_start3A_18 = tpu.memref_squeeze %dma_start3A_17 : memref<1x16xf32, #tpu.memory_space<hbm>> -> memref<16xf32, #tpu.memory_space<hbm>>
      tpu.enqueue_dma source(%arg13 : memref<16xf32, #tpu.memory_space<vmem>>) target(%dma_start3A_18 : memref<16xf32, #tpu.memory_space<hbm>>) target_semaphore(%run_scoped3A : memref<!tpu.dma_semaphore, #tpu.memory_space<semaphore_mem>>)
      %dma_wait3A = arith.constant 0 : i32
      %dma_wait3A_19 = tpu.memref_slice %arg7[%add3A, %dma_wait3A] : memref<32x16xf32, #tpu.memory_space<hbm>> -> memref<1x16xf32, #tpu.memory_space<hbm>>
      %dma_wait3A_20 = tpu.memref_squeeze %dma_wait3A_19 : memref<1x16xf32, #tpu.memory_space<hbm>> -> memref<16xf32, #tpu.memory_space<hbm>>
      %dma_wait3A_21 = arith.constant 0 : i32
      %dma_wait3A_22 = tpu.memref_slice %arg7[%add3A, %dma_wait3A_21] : memref<32x16xf32, #tpu.memory_space<hbm>> -> memref<1x16xf32, #tpu.memory_space<hbm>>
      %dma_wait3A_23 = tpu.memref_squeeze %dma_wait3A_22 : memref<1x16xf32, #tpu.memory_space<hbm>> -> memref<16xf32, #tpu.memory_space<hbm>>
      tpu.wait_dma2 semaphore(%run_scoped3A : memref<!tpu.dma_semaphore, #tpu.memory_space<semaphore_mem>>) src(%arg13 : memref<16xf32, #tpu.memory_space<vmem>>) dst(%dma_wait3A_23 : memref<16xf32, #tpu.memory_space<hbm>>)
      tpu.yield
    }) : () -> ()
    return
  }
}

module attributes {stable_mosaic.version = 14 : i64} {
  func.func @_tc_body(%arg0: i32, %arg1: memref<128x256xf32, #tpu.memory_space<vmem>>, %arg2: memref<256x2304xf32, #tpu.memory_space<vmem>>, %arg3: memref<144x256xf32, #tpu.memory_space<vmem>>, %arg4: memref<144x256xf32, #tpu.memory_space<vmem>>, %arg5: memref<1x1x128xf32, #tpu.memory_space<vmem>>, %arg6: memref<1x1x128xf32, #tpu.memory_space<vmem>>) attributes {dimension_semantics = [#tpu.dimension_semantics<arbitrary>], iteration_bounds = array<i64: 3>, scalar_prefetch = 0 : i64, scratch_operands = 0 : i64, tpu.core_type = #tpu.core_type<tc>, window_params = [{transform_indices = @transform_0, window_bounds = array<i64: 128, 256>}, {transform_indices = @transform_1, window_bounds = array<i64: 256, 2304>}, {transform_indices = @transform_2, window_bounds = array<i64: 144, 256>}, {transform_indices = @transform_3, window_bounds = array<i64: 144, 256>}, {transform_indices = @transform_4, window_bounds = array<i64: 1, 1, 128>}, {transform_indices = @transform_5, window_bounds = array<i64: 1, 1, 128>}]} {
    %get3A = arith.constant 0 : index
    %get3A_0 = arith.constant 0 : index
    %get3A_1 = vector.load %arg1[%get3A, %get3A_0] : memref<128x256xf32, #tpu.memory_space<vmem>>, vector<128x256xf32>
    %get3A_2 = arith.constant 0 : index
    %get3A_3 = arith.constant 0 : index
    %get3A_4 = vector.load %arg2[%get3A_2, %get3A_3] : memref<256x2304xf32, #tpu.memory_space<vmem>>, vector<256x2304xf32>
    %dot_general3A = arith.constant dense<0.000000e+00> : vector<128x2304xf32>
    %dot_general3A_5 = tpu.matmul %get3A_1, %get3A_4, %dot_general3A {dimension_numbers = #tpu.dot_dimension_numbers<[1], [0], [0], [1], [0, 0, 1, 1], [], []>, transpose_lhs_hint = false} : vector<128x256xf32>, vector<256x2304xf32>, vector<128x2304xf32> -> vector<128x2304xf32>
    %broadcast_in_dim3A = arith.constant 0.000000e+00 : f32
    %broadcast_in_dim3A_6 = vector.broadcast %broadcast_in_dim3A : f32 to vector<128x256xf32>
    %broadcast_in_dim3A_7 = arith.constant 0.000000e+00 : f32
    %broadcast_in_dim3A_8 = vector.broadcast %broadcast_in_dim3A_7 : f32 to vector<128x256xf32>
    %slice3A = vector.extract_strided_slice %dot_general3A_5 {offsets = [0, 0], sizes = [128, 256], strides = [1, 1]} : vector<128x2304xf32> to vector<128x256xf32>
    %get3A_9 = arith.constant 0 : index
    %get3A_10 = arith.constant 0 : index
    %get3A_11 = vector.load %arg3[%get3A_9, %get3A_10] : memref<144x256xf32, #tpu.memory_space<vmem>>, vector<1x256xf32>
    %get3A_12 = vector.shape_cast %get3A_11 : vector<1x256xf32> to vector<256xf32>
    %get3A_13 = arith.constant 0 : index
    %get3A_14 = arith.constant 0 : index
    %get3A_15 = vector.load %arg4[%get3A_13, %get3A_14] : memref<144x256xf32, #tpu.memory_space<vmem>>, vector<1x256xf32>
    %get3A_16 = vector.shape_cast %get3A_15 : vector<1x256xf32> to vector<256xf32>
    %get3A_17 = arith.constant 72 : index
    %get3A_18 = arith.constant 0 : index
    %get3A_19 = vector.load %arg3[%get3A_17, %get3A_18] : memref<144x256xf32, #tpu.memory_space<vmem>>, vector<1x256xf32>
    %get3A_20 = vector.shape_cast %get3A_19 : vector<1x256xf32> to vector<256xf32>
    %get3A_21 = arith.constant 72 : index
    %get3A_22 = arith.constant 0 : index
    %get3A_23 = vector.load %arg4[%get3A_21, %get3A_22] : memref<144x256xf32, #tpu.memory_space<vmem>>, vector<1x256xf32>
    %get3A_24 = vector.shape_cast %get3A_23 : vector<1x256xf32> to vector<256xf32>
    %sub3A = arith.subf %get3A_20, %get3A_12 : vector<256xf32>
    %broadcast_in_dim3A_25 = vector.shape_cast %sub3A : vector<256xf32> to vector<1x256xf32>
    %mul3A = vector.broadcast %broadcast_in_dim3A_25 : vector<1x256xf32> to vector<128x256xf32>
    %mul3A_26 = arith.mulf %slice3A, %mul3A : vector<128x256xf32>
    %broadcast_in_dim3A_27 = vector.shape_cast %get3A_12 : vector<256xf32> to vector<1x256xf32>
    %add3A = vector.broadcast %broadcast_in_dim3A_27 : vector<1x256xf32> to vector<128x256xf32>
    %add3A_28 = arith.addf %add3A, %mul3A_26 : vector<128x256xf32>
    %sub3A_29 = arith.subf %get3A_24, %get3A_16 : vector<256xf32>
    %broadcast_in_dim3A_30 = vector.shape_cast %sub3A_29 : vector<256xf32> to vector<1x256xf32>
    %mul3A_31 = vector.broadcast %broadcast_in_dim3A_30 : vector<1x256xf32> to vector<128x256xf32>
    %mul3A_32 = arith.mulf %slice3A, %mul3A_31 : vector<128x256xf32>
    %broadcast_in_dim3A_33 = vector.shape_cast %get3A_16 : vector<256xf32> to vector<1x256xf32>
    %add3A_34 = vector.broadcast %broadcast_in_dim3A_33 : vector<1x256xf32> to vector<128x256xf32>
    %add3A_35 = arith.addf %add3A_34, %mul3A_32 : vector<128x256xf32>
    %slice3A_36 = vector.extract_strided_slice %dot_general3A_5 {offsets = [0, 256], sizes = [128, 256], strides = [1, 1]} : vector<128x2304xf32> to vector<128x256xf32>
    %get3A_37 = arith.constant 8 : index
    %get3A_38 = arith.constant 0 : index
    %get3A_39 = vector.load %arg3[%get3A_37, %get3A_38] : memref<144x256xf32, #tpu.memory_space<vmem>>, vector<1x256xf32>
    %get3A_40 = vector.shape_cast %get3A_39 : vector<1x256xf32> to vector<256xf32>
    %get3A_41 = arith.constant 8 : index
    %get3A_42 = arith.constant 0 : index
    %get3A_43 = vector.load %arg4[%get3A_41, %get3A_42] : memref<144x256xf32, #tpu.memory_space<vmem>>, vector<1x256xf32>
    %get3A_44 = vector.shape_cast %get3A_43 : vector<1x256xf32> to vector<256xf32>
    %get3A_45 = arith.constant 80 : index
    %get3A_46 = arith.constant 0 : index
    %get3A_47 = vector.load %arg3[%get3A_45, %get3A_46] : memref<144x256xf32, #tpu.memory_space<vmem>>, vector<1x256xf32>
    %get3A_48 = vector.shape_cast %get3A_47 : vector<1x256xf32> to vector<256xf32>
    %get3A_49 = arith.constant 80 : index
    %get3A_50 = arith.constant 0 : index
    %get3A_51 = vector.load %arg4[%get3A_49, %get3A_50] : memref<144x256xf32, #tpu.memory_space<vmem>>, vector<1x256xf32>
    %get3A_52 = vector.shape_cast %get3A_51 : vector<1x256xf32> to vector<256xf32>
    %sub3A_53 = arith.subf %get3A_48, %get3A_40 : vector<256xf32>
    %broadcast_in_dim3A_54 = vector.shape_cast %sub3A_53 : vector<256xf32> to vector<1x256xf32>
    %mul3A_55 = vector.broadcast %broadcast_in_dim3A_54 : vector<1x256xf32> to vector<128x256xf32>
    %mul3A_56 = arith.mulf %slice3A_36, %mul3A_55 : vector<128x256xf32>
    %broadcast_in_dim3A_57 = vector.shape_cast %get3A_40 : vector<256xf32> to vector<1x256xf32>
    %add3A_58 = vector.broadcast %broadcast_in_dim3A_57 : vector<1x256xf32> to vector<128x256xf32>
    %add3A_59 = arith.addf %add3A_58, %mul3A_56 : vector<128x256xf32>
    %sub3A_60 = arith.subf %get3A_52, %get3A_44 : vector<256xf32>
    %broadcast_in_dim3A_61 = vector.shape_cast %sub3A_60 : vector<256xf32> to vector<1x256xf32>
    %mul3A_62 = vector.broadcast %broadcast_in_dim3A_61 : vector<1x256xf32> to vector<128x256xf32>
    %mul3A_63 = arith.mulf %slice3A_36, %mul3A_62 : vector<128x256xf32>
    %broadcast_in_dim3A_64 = vector.shape_cast %get3A_44 : vector<256xf32> to vector<1x256xf32>
    %add3A_65 = vector.broadcast %broadcast_in_dim3A_64 : vector<1x256xf32> to vector<128x256xf32>
    %add3A_66 = arith.addf %add3A_65, %mul3A_63 : vector<128x256xf32>
    %mul3A_67 = arith.mulf %add3A_28, %add3A_59 : vector<128x256xf32>
    %mul3A_68 = arith.mulf %add3A_35, %add3A_66 : vector<128x256xf32>
    %sub3A_69 = arith.subf %mul3A_67, %mul3A_68 : vector<128x256xf32>
    %mul3A_70 = arith.mulf %add3A_28, %add3A_66 : vector<128x256xf32>
    %mul3A_71 = arith.mulf %add3A_35, %add3A_59 : vector<128x256xf32>
    %add3A_72 = arith.addf %mul3A_70, %mul3A_71 : vector<128x256xf32>
    %slice3A_73 = vector.extract_strided_slice %dot_general3A_5 {offsets = [0, 512], sizes = [128, 256], strides = [1, 1]} : vector<128x2304xf32> to vector<128x256xf32>
    %get3A_74 = arith.constant 16 : index
    %get3A_75 = arith.constant 0 : index
    %get3A_76 = vector.load %arg3[%get3A_74, %get3A_75] : memref<144x256xf32, #tpu.memory_space<vmem>>, vector<1x256xf32>
    %get3A_77 = vector.shape_cast %get3A_76 : vector<1x256xf32> to vector<256xf32>
    %get3A_78 = arith.constant 16 : index
    %get3A_79 = arith.constant 0 : index
    %get3A_80 = vector.load %arg4[%get3A_78, %get3A_79] : memref<144x256xf32, #tpu.memory_space<vmem>>, vector<1x256xf32>
    %get3A_81 = vector.shape_cast %get3A_80 : vector<1x256xf32> to vector<256xf32>
    %get3A_82 = arith.constant 88 : index
    %get3A_83 = arith.constant 0 : index
    %get3A_84 = vector.load %arg3[%get3A_82, %get3A_83] : memref<144x256xf32, #tpu.memory_space<vmem>>, vector<1x256xf32>
    %get3A_85 = vector.shape_cast %get3A_84 : vector<1x256xf32> to vector<256xf32>
    %get3A_86 = arith.constant 88 : index
    %get3A_87 = arith.constant 0 : index
    %get3A_88 = vector.load %arg4[%get3A_86, %get3A_87] : memref<144x256xf32, #tpu.memory_space<vmem>>, vector<1x256xf32>
    %get3A_89 = vector.shape_cast %get3A_88 : vector<1x256xf32> to vector<256xf32>
    %sub3A_90 = arith.subf %get3A_85, %get3A_77 : vector<256xf32>
    %broadcast_in_dim3A_91 = vector.shape_cast %sub3A_90 : vector<256xf32> to vector<1x256xf32>
    %mul3A_92 = vector.broadcast %broadcast_in_dim3A_91 : vector<1x256xf32> to vector<128x256xf32>
    %mul3A_93 = arith.mulf %slice3A_73, %mul3A_92 : vector<128x256xf32>
    %broadcast_in_dim3A_94 = vector.shape_cast %get3A_77 : vector<256xf32> to vector<1x256xf32>
    %add3A_95 = vector.broadcast %broadcast_in_dim3A_94 : vector<1x256xf32> to vector<128x256xf32>
    %add3A_96 = arith.addf %add3A_95, %mul3A_93 : vector<128x256xf32>
    %sub3A_97 = arith.subf %get3A_89, %get3A_81 : vector<256xf32>
    %broadcast_in_dim3A_98 = vector.shape_cast %sub3A_97 : vector<256xf32> to vector<1x256xf32>
    %mul3A_99 = vector.broadcast %broadcast_in_dim3A_98 : vector<1x256xf32> to vector<128x256xf32>
    %mul3A_100 = arith.mulf %slice3A_73, %mul3A_99 : vector<128x256xf32>
    %broadcast_in_dim3A_101 = vector.shape_cast %get3A_81 : vector<256xf32> to vector<1x256xf32>
    %add3A_102 = vector.broadcast %broadcast_in_dim3A_101 : vector<1x256xf32> to vector<128x256xf32>
    %add3A_103 = arith.addf %add3A_102, %mul3A_100 : vector<128x256xf32>
    %mul3A_104 = arith.mulf %sub3A_69, %add3A_96 : vector<128x256xf32>
    %mul3A_105 = arith.mulf %add3A_72, %add3A_103 : vector<128x256xf32>
    %sub3A_106 = arith.subf %mul3A_104, %mul3A_105 : vector<128x256xf32>
    %mul3A_107 = arith.mulf %sub3A_69, %add3A_103 : vector<128x256xf32>
    %mul3A_108 = arith.mulf %add3A_72, %add3A_96 : vector<128x256xf32>
    %add3A_109 = arith.addf %mul3A_107, %mul3A_108 : vector<128x256xf32>
    %slice3A_110 = vector.extract_strided_slice %dot_general3A_5 {offsets = [0, 768], sizes = [128, 256], strides = [1, 1]} : vector<128x2304xf32> to vector<128x256xf32>
    %get3A_111 = arith.constant 24 : index
    %get3A_112 = arith.constant 0 : index
    %get3A_113 = vector.load %arg3[%get3A_111, %get3A_112] : memref<144x256xf32, #tpu.memory_space<vmem>>, vector<1x256xf32>
    %get3A_114 = vector.shape_cast %get3A_113 : vector<1x256xf32> to vector<256xf32>
    %get3A_115 = arith.constant 24 : index
    %get3A_116 = arith.constant 0 : index
    %get3A_117 = vector.load %arg4[%get3A_115, %get3A_116] : memref<144x256xf32, #tpu.memory_space<vmem>>, vector<1x256xf32>
    %get3A_118 = vector.shape_cast %get3A_117 : vector<1x256xf32> to vector<256xf32>
    %get3A_119 = arith.constant 96 : index
    %get3A_120 = arith.constant 0 : index
    %get3A_121 = vector.load %arg3[%get3A_119, %get3A_120] : memref<144x256xf32, #tpu.memory_space<vmem>>, vector<1x256xf32>
    %get3A_122 = vector.shape_cast %get3A_121 : vector<1x256xf32> to vector<256xf32>
    %get3A_123 = arith.constant 96 : index
    %get3A_124 = arith.constant 0 : index
    %get3A_125 = vector.load %arg4[%get3A_123, %get3A_124] : memref<144x256xf32, #tpu.memory_space<vmem>>, vector<1x256xf32>
    %get3A_126 = vector.shape_cast %get3A_125 : vector<1x256xf32> to vector<256xf32>
    %sub3A_127 = arith.subf %get3A_122, %get3A_114 : vector<256xf32>
    %broadcast_in_dim3A_128 = vector.shape_cast %sub3A_127 : vector<256xf32> to vector<1x256xf32>
    %mul3A_129 = vector.broadcast %broadcast_in_dim3A_128 : vector<1x256xf32> to vector<128x256xf32>
    %mul3A_130 = arith.mulf %slice3A_110, %mul3A_129 : vector<128x256xf32>
    %broadcast_in_dim3A_131 = vector.shape_cast %get3A_114 : vector<256xf32> to vector<1x256xf32>
    %add3A_132 = vector.broadcast %broadcast_in_dim3A_131 : vector<1x256xf32> to vector<128x256xf32>
    %add3A_133 = arith.addf %add3A_132, %mul3A_130 : vector<128x256xf32>
    %sub3A_134 = arith.subf %get3A_126, %get3A_118 : vector<256xf32>
    %broadcast_in_dim3A_135 = vector.shape_cast %sub3A_134 : vector<256xf32> to vector<1x256xf32>
    %mul3A_136 = vector.broadcast %broadcast_in_dim3A_135 : vector<1x256xf32> to vector<128x256xf32>
    %mul3A_137 = arith.mulf %slice3A_110, %mul3A_136 : vector<128x256xf32>
    %broadcast_in_dim3A_138 = vector.shape_cast %get3A_118 : vector<256xf32> to vector<1x256xf32>
    %add3A_139 = vector.broadcast %broadcast_in_dim3A_138 : vector<1x256xf32> to vector<128x256xf32>
    %add3A_140 = arith.addf %add3A_139, %mul3A_137 : vector<128x256xf32>
    %mul3A_141 = arith.mulf %sub3A_106, %add3A_133 : vector<128x256xf32>
    %mul3A_142 = arith.mulf %add3A_109, %add3A_140 : vector<128x256xf32>
    %sub3A_143 = arith.subf %mul3A_141, %mul3A_142 : vector<128x256xf32>
    %mul3A_144 = arith.mulf %sub3A_106, %add3A_140 : vector<128x256xf32>
    %mul3A_145 = arith.mulf %add3A_109, %add3A_133 : vector<128x256xf32>
    %add3A_146 = arith.addf %mul3A_144, %mul3A_145 : vector<128x256xf32>
    %slice3A_147 = vector.extract_strided_slice %dot_general3A_5 {offsets = [0, 1024], sizes = [128, 256], strides = [1, 1]} : vector<128x2304xf32> to vector<128x256xf32>
    %get3A_148 = arith.constant 32 : index
    %get3A_149 = arith.constant 0 : index
    %get3A_150 = vector.load %arg3[%get3A_148, %get3A_149] : memref<144x256xf32, #tpu.memory_space<vmem>>, vector<1x256xf32>
    %get3A_151 = vector.shape_cast %get3A_150 : vector<1x256xf32> to vector<256xf32>
    %get3A_152 = arith.constant 32 : index
    %get3A_153 = arith.constant 0 : index
    %get3A_154 = vector.load %arg4[%get3A_152, %get3A_153] : memref<144x256xf32, #tpu.memory_space<vmem>>, vector<1x256xf32>
    %get3A_155 = vector.shape_cast %get3A_154 : vector<1x256xf32> to vector<256xf32>
    %get3A_156 = arith.constant 104 : index
    %get3A_157 = arith.constant 0 : index
    %get3A_158 = vector.load %arg3[%get3A_156, %get3A_157] : memref<144x256xf32, #tpu.memory_space<vmem>>, vector<1x256xf32>
    %get3A_159 = vector.shape_cast %get3A_158 : vector<1x256xf32> to vector<256xf32>
    %get3A_160 = arith.constant 104 : index
    %get3A_161 = arith.constant 0 : index
    %get3A_162 = vector.load %arg4[%get3A_160, %get3A_161] : memref<144x256xf32, #tpu.memory_space<vmem>>, vector<1x256xf32>
    %get3A_163 = vector.shape_cast %get3A_162 : vector<1x256xf32> to vector<256xf32>
    %sub3A_164 = arith.subf %get3A_159, %get3A_151 : vector<256xf32>
    %broadcast_in_dim3A_165 = vector.shape_cast %sub3A_164 : vector<256xf32> to vector<1x256xf32>
    %mul3A_166 = vector.broadcast %broadcast_in_dim3A_165 : vector<1x256xf32> to vector<128x256xf32>
    %mul3A_167 = arith.mulf %slice3A_147, %mul3A_166 : vector<128x256xf32>
    %broadcast_in_dim3A_168 = vector.shape_cast %get3A_151 : vector<256xf32> to vector<1x256xf32>
    %add3A_169 = vector.broadcast %broadcast_in_dim3A_168 : vector<1x256xf32> to vector<128x256xf32>
    %add3A_170 = arith.addf %add3A_169, %mul3A_167 : vector<128x256xf32>
    %sub3A_171 = arith.subf %get3A_163, %get3A_155 : vector<256xf32>
    %broadcast_in_dim3A_172 = vector.shape_cast %sub3A_171 : vector<256xf32> to vector<1x256xf32>
    %mul3A_173 = vector.broadcast %broadcast_in_dim3A_172 : vector<1x256xf32> to vector<128x256xf32>
    %mul3A_174 = arith.mulf %slice3A_147, %mul3A_173 : vector<128x256xf32>
    %broadcast_in_dim3A_175 = vector.shape_cast %get3A_155 : vector<256xf32> to vector<1x256xf32>
    %add3A_176 = vector.broadcast %broadcast_in_dim3A_175 : vector<1x256xf32> to vector<128x256xf32>
    %add3A_177 = arith.addf %add3A_176, %mul3A_174 : vector<128x256xf32>
    %mul3A_178 = arith.mulf %sub3A_143, %add3A_170 : vector<128x256xf32>
    %mul3A_179 = arith.mulf %add3A_146, %add3A_177 : vector<128x256xf32>
    %sub3A_180 = arith.subf %mul3A_178, %mul3A_179 : vector<128x256xf32>
    %mul3A_181 = arith.mulf %sub3A_143, %add3A_177 : vector<128x256xf32>
    %mul3A_182 = arith.mulf %add3A_146, %add3A_170 : vector<128x256xf32>
    %add3A_183 = arith.addf %mul3A_181, %mul3A_182 : vector<128x256xf32>
    %slice3A_184 = vector.extract_strided_slice %dot_general3A_5 {offsets = [0, 1280], sizes = [128, 256], strides = [1, 1]} : vector<128x2304xf32> to vector<128x256xf32>
    %get3A_185 = arith.constant 40 : index
    %get3A_186 = arith.constant 0 : index
    %get3A_187 = vector.load %arg3[%get3A_185, %get3A_186] : memref<144x256xf32, #tpu.memory_space<vmem>>, vector<1x256xf32>
    %get3A_188 = vector.shape_cast %get3A_187 : vector<1x256xf32> to vector<256xf32>
    %get3A_189 = arith.constant 40 : index
    %get3A_190 = arith.constant 0 : index
    %get3A_191 = vector.load %arg4[%get3A_189, %get3A_190] : memref<144x256xf32, #tpu.memory_space<vmem>>, vector<1x256xf32>
    %get3A_192 = vector.shape_cast %get3A_191 : vector<1x256xf32> to vector<256xf32>
    %get3A_193 = arith.constant 112 : index
    %get3A_194 = arith.constant 0 : index
    %get3A_195 = vector.load %arg3[%get3A_193, %get3A_194] : memref<144x256xf32, #tpu.memory_space<vmem>>, vector<1x256xf32>
    %get3A_196 = vector.shape_cast %get3A_195 : vector<1x256xf32> to vector<256xf32>
    %get3A_197 = arith.constant 112 : index
    %get3A_198 = arith.constant 0 : index
    %get3A_199 = vector.load %arg4[%get3A_197, %get3A_198] : memref<144x256xf32, #tpu.memory_space<vmem>>, vector<1x256xf32>
    %get3A_200 = vector.shape_cast %get3A_199 : vector<1x256xf32> to vector<256xf32>
    %sub3A_201 = arith.subf %get3A_196, %get3A_188 : vector<256xf32>
    %broadcast_in_dim3A_202 = vector.shape_cast %sub3A_201 : vector<256xf32> to vector<1x256xf32>
    %mul3A_203 = vector.broadcast %broadcast_in_dim3A_202 : vector<1x256xf32> to vector<128x256xf32>
    %mul3A_204 = arith.mulf %slice3A_184, %mul3A_203 : vector<128x256xf32>
    %broadcast_in_dim3A_205 = vector.shape_cast %get3A_188 : vector<256xf32> to vector<1x256xf32>
    %add3A_206 = vector.broadcast %broadcast_in_dim3A_205 : vector<1x256xf32> to vector<128x256xf32>
    %add3A_207 = arith.addf %add3A_206, %mul3A_204 : vector<128x256xf32>
    %sub3A_208 = arith.subf %get3A_200, %get3A_192 : vector<256xf32>
    %broadcast_in_dim3A_209 = vector.shape_cast %sub3A_208 : vector<256xf32> to vector<1x256xf32>
    %mul3A_210 = vector.broadcast %broadcast_in_dim3A_209 : vector<1x256xf32> to vector<128x256xf32>
    %mul3A_211 = arith.mulf %slice3A_184, %mul3A_210 : vector<128x256xf32>
    %broadcast_in_dim3A_212 = vector.shape_cast %get3A_192 : vector<256xf32> to vector<1x256xf32>
    %add3A_213 = vector.broadcast %broadcast_in_dim3A_212 : vector<1x256xf32> to vector<128x256xf32>
    %add3A_214 = arith.addf %add3A_213, %mul3A_211 : vector<128x256xf32>
    %mul3A_215 = arith.mulf %sub3A_180, %add3A_207 : vector<128x256xf32>
    %mul3A_216 = arith.mulf %add3A_183, %add3A_214 : vector<128x256xf32>
    %sub3A_217 = arith.subf %mul3A_215, %mul3A_216 : vector<128x256xf32>
    %mul3A_218 = arith.mulf %sub3A_180, %add3A_214 : vector<128x256xf32>
    %mul3A_219 = arith.mulf %add3A_183, %add3A_207 : vector<128x256xf32>
    %add3A_220 = arith.addf %mul3A_218, %mul3A_219 : vector<128x256xf32>
    %slice3A_221 = vector.extract_strided_slice %dot_general3A_5 {offsets = [0, 1536], sizes = [128, 256], strides = [1, 1]} : vector<128x2304xf32> to vector<128x256xf32>
    %get3A_222 = arith.constant 48 : index
    %get3A_223 = arith.constant 0 : index
    %get3A_224 = vector.load %arg3[%get3A_222, %get3A_223] : memref<144x256xf32, #tpu.memory_space<vmem>>, vector<1x256xf32>
    %get3A_225 = vector.shape_cast %get3A_224 : vector<1x256xf32> to vector<256xf32>
    %get3A_226 = arith.constant 48 : index
    %get3A_227 = arith.constant 0 : index
    %get3A_228 = vector.load %arg4[%get3A_226, %get3A_227] : memref<144x256xf32, #tpu.memory_space<vmem>>, vector<1x256xf32>
    %get3A_229 = vector.shape_cast %get3A_228 : vector<1x256xf32> to vector<256xf32>
    %get3A_230 = arith.constant 120 : index
    %get3A_231 = arith.constant 0 : index
    %get3A_232 = vector.load %arg3[%get3A_230, %get3A_231] : memref<144x256xf32, #tpu.memory_space<vmem>>, vector<1x256xf32>
    %get3A_233 = vector.shape_cast %get3A_232 : vector<1x256xf32> to vector<256xf32>
    %get3A_234 = arith.constant 120 : index
    %get3A_235 = arith.constant 0 : index
    %get3A_236 = vector.load %arg4[%get3A_234, %get3A_235] : memref<144x256xf32, #tpu.memory_space<vmem>>, vector<1x256xf32>
    %get3A_237 = vector.shape_cast %get3A_236 : vector<1x256xf32> to vector<256xf32>
    %sub3A_238 = arith.subf %get3A_233, %get3A_225 : vector<256xf32>
    %broadcast_in_dim3A_239 = vector.shape_cast %sub3A_238 : vector<256xf32> to vector<1x256xf32>
    %mul3A_240 = vector.broadcast %broadcast_in_dim3A_239 : vector<1x256xf32> to vector<128x256xf32>
    %mul3A_241 = arith.mulf %slice3A_221, %mul3A_240 : vector<128x256xf32>
    %broadcast_in_dim3A_242 = vector.shape_cast %get3A_225 : vector<256xf32> to vector<1x256xf32>
    %add3A_243 = vector.broadcast %broadcast_in_dim3A_242 : vector<1x256xf32> to vector<128x256xf32>
    %add3A_244 = arith.addf %add3A_243, %mul3A_241 : vector<128x256xf32>
    %sub3A_245 = arith.subf %get3A_237, %get3A_229 : vector<256xf32>
    %broadcast_in_dim3A_246 = vector.shape_cast %sub3A_245 : vector<256xf32> to vector<1x256xf32>
    %mul3A_247 = vector.broadcast %broadcast_in_dim3A_246 : vector<1x256xf32> to vector<128x256xf32>
    %mul3A_248 = arith.mulf %slice3A_221, %mul3A_247 : vector<128x256xf32>
    %broadcast_in_dim3A_249 = vector.shape_cast %get3A_229 : vector<256xf32> to vector<1x256xf32>
    %add3A_250 = vector.broadcast %broadcast_in_dim3A_249 : vector<1x256xf32> to vector<128x256xf32>
    %add3A_251 = arith.addf %add3A_250, %mul3A_248 : vector<128x256xf32>
    %mul3A_252 = arith.mulf %sub3A_217, %add3A_244 : vector<128x256xf32>
    %mul3A_253 = arith.mulf %add3A_220, %add3A_251 : vector<128x256xf32>
    %sub3A_254 = arith.subf %mul3A_252, %mul3A_253 : vector<128x256xf32>
    %mul3A_255 = arith.mulf %sub3A_217, %add3A_251 : vector<128x256xf32>
    %mul3A_256 = arith.mulf %add3A_220, %add3A_244 : vector<128x256xf32>
    %add3A_257 = arith.addf %mul3A_255, %mul3A_256 : vector<128x256xf32>
    %slice3A_258 = vector.extract_strided_slice %dot_general3A_5 {offsets = [0, 1792], sizes = [128, 256], strides = [1, 1]} : vector<128x2304xf32> to vector<128x256xf32>
    %get3A_259 = arith.constant 56 : index
    %get3A_260 = arith.constant 0 : index
    %get3A_261 = vector.load %arg3[%get3A_259, %get3A_260] : memref<144x256xf32, #tpu.memory_space<vmem>>, vector<1x256xf32>
    %get3A_262 = vector.shape_cast %get3A_261 : vector<1x256xf32> to vector<256xf32>
    %get3A_263 = arith.constant 56 : index
    %get3A_264 = arith.constant 0 : index
    %get3A_265 = vector.load %arg4[%get3A_263, %get3A_264] : memref<144x256xf32, #tpu.memory_space<vmem>>, vector<1x256xf32>
    %get3A_266 = vector.shape_cast %get3A_265 : vector<1x256xf32> to vector<256xf32>
    %get3A_267 = arith.constant 128 : index
    %get3A_268 = arith.constant 0 : index
    %get3A_269 = vector.load %arg3[%get3A_267, %get3A_268] : memref<144x256xf32, #tpu.memory_space<vmem>>, vector<1x256xf32>
    %get3A_270 = vector.shape_cast %get3A_269 : vector<1x256xf32> to vector<256xf32>
    %get3A_271 = arith.constant 128 : index
    %get3A_272 = arith.constant 0 : index
    %get3A_273 = vector.load %arg4[%get3A_271, %get3A_272] : memref<144x256xf32, #tpu.memory_space<vmem>>, vector<1x256xf32>
    %get3A_274 = vector.shape_cast %get3A_273 : vector<1x256xf32> to vector<256xf32>
    %sub3A_275 = arith.subf %get3A_270, %get3A_262 : vector<256xf32>
    %broadcast_in_dim3A_276 = vector.shape_cast %sub3A_275 : vector<256xf32> to vector<1x256xf32>
    %mul3A_277 = vector.broadcast %broadcast_in_dim3A_276 : vector<1x256xf32> to vector<128x256xf32>
    %mul3A_278 = arith.mulf %slice3A_258, %mul3A_277 : vector<128x256xf32>
    %broadcast_in_dim3A_279 = vector.shape_cast %get3A_262 : vector<256xf32> to vector<1x256xf32>
    %add3A_280 = vector.broadcast %broadcast_in_dim3A_279 : vector<1x256xf32> to vector<128x256xf32>
    %add3A_281 = arith.addf %add3A_280, %mul3A_278 : vector<128x256xf32>
    %sub3A_282 = arith.subf %get3A_274, %get3A_266 : vector<256xf32>
    %broadcast_in_dim3A_283 = vector.shape_cast %sub3A_282 : vector<256xf32> to vector<1x256xf32>
    %mul3A_284 = vector.broadcast %broadcast_in_dim3A_283 : vector<1x256xf32> to vector<128x256xf32>
    %mul3A_285 = arith.mulf %slice3A_258, %mul3A_284 : vector<128x256xf32>
    %broadcast_in_dim3A_286 = vector.shape_cast %get3A_266 : vector<256xf32> to vector<1x256xf32>
    %add3A_287 = vector.broadcast %broadcast_in_dim3A_286 : vector<1x256xf32> to vector<128x256xf32>
    %add3A_288 = arith.addf %add3A_287, %mul3A_285 : vector<128x256xf32>
    %mul3A_289 = arith.mulf %sub3A_254, %add3A_281 : vector<128x256xf32>
    %mul3A_290 = arith.mulf %add3A_257, %add3A_288 : vector<128x256xf32>
    %sub3A_291 = arith.subf %mul3A_289, %mul3A_290 : vector<128x256xf32>
    %mul3A_292 = arith.mulf %sub3A_254, %add3A_288 : vector<128x256xf32>
    %mul3A_293 = arith.mulf %add3A_257, %add3A_281 : vector<128x256xf32>
    %add3A_294 = arith.addf %mul3A_292, %mul3A_293 : vector<128x256xf32>
    %slice3A_295 = vector.extract_strided_slice %dot_general3A_5 {offsets = [0, 2048], sizes = [128, 256], strides = [1, 1]} : vector<128x2304xf32> to vector<128x256xf32>
    %get3A_296 = arith.constant 64 : index
    %get3A_297 = arith.constant 0 : index
    %get3A_298 = vector.load %arg3[%get3A_296, %get3A_297] : memref<144x256xf32, #tpu.memory_space<vmem>>, vector<1x256xf32>
    %get3A_299 = vector.shape_cast %get3A_298 : vector<1x256xf32> to vector<256xf32>
    %get3A_300 = arith.constant 64 : index
    %get3A_301 = arith.constant 0 : index
    %get3A_302 = vector.load %arg4[%get3A_300, %get3A_301] : memref<144x256xf32, #tpu.memory_space<vmem>>, vector<1x256xf32>
    %get3A_303 = vector.shape_cast %get3A_302 : vector<1x256xf32> to vector<256xf32>
    %get3A_304 = arith.constant 136 : index
    %get3A_305 = arith.constant 0 : index
    %get3A_306 = vector.load %arg3[%get3A_304, %get3A_305] : memref<144x256xf32, #tpu.memory_space<vmem>>, vector<1x256xf32>
    %get3A_307 = vector.shape_cast %get3A_306 : vector<1x256xf32> to vector<256xf32>
    %get3A_308 = arith.constant 136 : index
    %get3A_309 = arith.constant 0 : index
    %get3A_310 = vector.load %arg4[%get3A_308, %get3A_309] : memref<144x256xf32, #tpu.memory_space<vmem>>, vector<1x256xf32>
    %get3A_311 = vector.shape_cast %get3A_310 : vector<1x256xf32> to vector<256xf32>
    %sub3A_312 = arith.subf %get3A_307, %get3A_299 : vector<256xf32>
    %broadcast_in_dim3A_313 = vector.shape_cast %sub3A_312 : vector<256xf32> to vector<1x256xf32>
    %mul3A_314 = vector.broadcast %broadcast_in_dim3A_313 : vector<1x256xf32> to vector<128x256xf32>
    %mul3A_315 = arith.mulf %slice3A_295, %mul3A_314 : vector<128x256xf32>
    %broadcast_in_dim3A_316 = vector.shape_cast %get3A_299 : vector<256xf32> to vector<1x256xf32>
    %add3A_317 = vector.broadcast %broadcast_in_dim3A_316 : vector<1x256xf32> to vector<128x256xf32>
    %add3A_318 = arith.addf %add3A_317, %mul3A_315 : vector<128x256xf32>
    %sub3A_319 = arith.subf %get3A_311, %get3A_303 : vector<256xf32>
    %broadcast_in_dim3A_320 = vector.shape_cast %sub3A_319 : vector<256xf32> to vector<1x256xf32>
    %mul3A_321 = vector.broadcast %broadcast_in_dim3A_320 : vector<1x256xf32> to vector<128x256xf32>
    %mul3A_322 = arith.mulf %slice3A_295, %mul3A_321 : vector<128x256xf32>
    %broadcast_in_dim3A_323 = vector.shape_cast %get3A_303 : vector<256xf32> to vector<1x256xf32>
    %add3A_324 = vector.broadcast %broadcast_in_dim3A_323 : vector<1x256xf32> to vector<128x256xf32>
    %add3A_325 = arith.addf %add3A_324, %mul3A_322 : vector<128x256xf32>
    %mul3A_326 = arith.mulf %sub3A_291, %add3A_318 : vector<128x256xf32>
    %mul3A_327 = arith.mulf %add3A_294, %add3A_325 : vector<128x256xf32>
    %sub3A_328 = arith.subf %mul3A_326, %mul3A_327 : vector<128x256xf32>
    %mul3A_329 = arith.mulf %sub3A_291, %add3A_325 : vector<128x256xf32>
    %mul3A_330 = arith.mulf %add3A_294, %add3A_318 : vector<128x256xf32>
    %add3A_331 = arith.addf %mul3A_329, %mul3A_330 : vector<128x256xf32>
    %add3A_332 = arith.addf %broadcast_in_dim3A_6, %sub3A_328 : vector<128x256xf32>
    %add3A_333 = arith.addf %broadcast_in_dim3A_8, %add3A_331 : vector<128x256xf32>
    %slice3A_334 = vector.extract_strided_slice %dot_general3A_5 {offsets = [0, 0], sizes = [128, 256], strides = [1, 1]} : vector<128x2304xf32> to vector<128x256xf32>
    %get3A_335 = arith.constant 1 : index
    %get3A_336 = arith.constant 0 : index
    %get3A_337 = vector.load %arg3[%get3A_335, %get3A_336] : memref<144x256xf32, #tpu.memory_space<vmem>>, vector<1x256xf32>
    %get3A_338 = vector.shape_cast %get3A_337 : vector<1x256xf32> to vector<256xf32>
    %get3A_339 = arith.constant 1 : index
    %get3A_340 = arith.constant 0 : index
    %get3A_341 = vector.load %arg4[%get3A_339, %get3A_340] : memref<144x256xf32, #tpu.memory_space<vmem>>, vector<1x256xf32>
    %get3A_342 = vector.shape_cast %get3A_341 : vector<1x256xf32> to vector<256xf32>
    %get3A_343 = arith.constant 73 : index
    %get3A_344 = arith.constant 0 : index
    %get3A_345 = vector.load %arg3[%get3A_343, %get3A_344] : memref<144x256xf32, #tpu.memory_space<vmem>>, vector<1x256xf32>
    %get3A_346 = vector.shape_cast %get3A_345 : vector<1x256xf32> to vector<256xf32>
    %get3A_347 = arith.constant 73 : index
    %get3A_348 = arith.constant 0 : index
    %get3A_349 = vector.load %arg4[%get3A_347, %get3A_348] : memref<144x256xf32, #tpu.memory_space<vmem>>, vector<1x256xf32>
    %get3A_350 = vector.shape_cast %get3A_349 : vector<1x256xf32> to vector<256xf32>
    %sub3A_351 = arith.subf %get3A_346, %get3A_338 : vector<256xf32>
    %broadcast_in_dim3A_352 = vector.shape_cast %sub3A_351 : vector<256xf32> to vector<1x256xf32>
    %mul3A_353 = vector.broadcast %broadcast_in_dim3A_352 : vector<1x256xf32> to vector<128x256xf32>
    %mul3A_354 = arith.mulf %slice3A_334, %mul3A_353 : vector<128x256xf32>
    %broadcast_in_dim3A_355 = vector.shape_cast %get3A_338 : vector<256xf32> to vector<1x256xf32>
    %add3A_356 = vector.broadcast %broadcast_in_dim3A_355 : vector<1x256xf32> to vector<128x256xf32>
    %add3A_357 = arith.addf %add3A_356, %mul3A_354 : vector<128x256xf32>
    %sub3A_358 = arith.subf %get3A_350, %get3A_342 : vector<256xf32>
    %broadcast_in_dim3A_359 = vector.shape_cast %sub3A_358 : vector<256xf32> to vector<1x256xf32>
    %mul3A_360 = vector.broadcast %broadcast_in_dim3A_359 : vector<1x256xf32> to vector<128x256xf32>
    %mul3A_361 = arith.mulf %slice3A_334, %mul3A_360 : vector<128x256xf32>
    %broadcast_in_dim3A_362 = vector.shape_cast %get3A_342 : vector<256xf32> to vector<1x256xf32>
    %add3A_363 = vector.broadcast %broadcast_in_dim3A_362 : vector<1x256xf32> to vector<128x256xf32>
    %add3A_364 = arith.addf %add3A_363, %mul3A_361 : vector<128x256xf32>
    %slice3A_365 = vector.extract_strided_slice %dot_general3A_5 {offsets = [0, 256], sizes = [128, 256], strides = [1, 1]} : vector<128x2304xf32> to vector<128x256xf32>
    %get3A_366 = arith.constant 9 : index
    %get3A_367 = arith.constant 0 : index
    %get3A_368 = vector.load %arg3[%get3A_366, %get3A_367] : memref<144x256xf32, #tpu.memory_space<vmem>>, vector<1x256xf32>
    %get3A_369 = vector.shape_cast %get3A_368 : vector<1x256xf32> to vector<256xf32>
    %get3A_370 = arith.constant 9 : index
    %get3A_371 = arith.constant 0 : index
    %get3A_372 = vector.load %arg4[%get3A_370, %get3A_371] : memref<144x256xf32, #tpu.memory_space<vmem>>, vector<1x256xf32>
    %get3A_373 = vector.shape_cast %get3A_372 : vector<1x256xf32> to vector<256xf32>
    %get3A_374 = arith.constant 81 : index
    %get3A_375 = arith.constant 0 : index
    %get3A_376 = vector.load %arg3[%get3A_374, %get3A_375] : memref<144x256xf32, #tpu.memory_space<vmem>>, vector<1x256xf32>
    %get3A_377 = vector.shape_cast %get3A_376 : vector<1x256xf32> to vector<256xf32>
    %get3A_378 = arith.constant 81 : index
    %get3A_379 = arith.constant 0 : index
    %get3A_380 = vector.load %arg4[%get3A_378, %get3A_379] : memref<144x256xf32, #tpu.memory_space<vmem>>, vector<1x256xf32>
    %get3A_381 = vector.shape_cast %get3A_380 : vector<1x256xf32> to vector<256xf32>
    %sub3A_382 = arith.subf %get3A_377, %get3A_369 : vector<256xf32>
    %broadcast_in_dim3A_383 = vector.shape_cast %sub3A_382 : vector<256xf32> to vector<1x256xf32>
    %mul3A_384 = vector.broadcast %broadcast_in_dim3A_383 : vector<1x256xf32> to vector<128x256xf32>
    %mul3A_385 = arith.mulf %slice3A_365, %mul3A_384 : vector<128x256xf32>
    %broadcast_in_dim3A_386 = vector.shape_cast %get3A_369 : vector<256xf32> to vector<1x256xf32>
    %add3A_387 = vector.broadcast %broadcast_in_dim3A_386 : vector<1x256xf32> to vector<128x256xf32>
    %add3A_388 = arith.addf %add3A_387, %mul3A_385 : vector<128x256xf32>
    %sub3A_389 = arith.subf %get3A_381, %get3A_373 : vector<256xf32>
    %broadcast_in_dim3A_390 = vector.shape_cast %sub3A_389 : vector<256xf32> to vector<1x256xf32>
    %mul3A_391 = vector.broadcast %broadcast_in_dim3A_390 : vector<1x256xf32> to vector<128x256xf32>
    %mul3A_392 = arith.mulf %slice3A_365, %mul3A_391 : vector<128x256xf32>
    %broadcast_in_dim3A_393 = vector.shape_cast %get3A_373 : vector<256xf32> to vector<1x256xf32>
    %add3A_394 = vector.broadcast %broadcast_in_dim3A_393 : vector<1x256xf32> to vector<128x256xf32>
    %add3A_395 = arith.addf %add3A_394, %mul3A_392 : vector<128x256xf32>
    %mul3A_396 = arith.mulf %add3A_357, %add3A_388 : vector<128x256xf32>
    %mul3A_397 = arith.mulf %add3A_364, %add3A_395 : vector<128x256xf32>
    %sub3A_398 = arith.subf %mul3A_396, %mul3A_397 : vector<128x256xf32>
    %mul3A_399 = arith.mulf %add3A_357, %add3A_395 : vector<128x256xf32>
    %mul3A_400 = arith.mulf %add3A_364, %add3A_388 : vector<128x256xf32>
    %add3A_401 = arith.addf %mul3A_399, %mul3A_400 : vector<128x256xf32>
    %slice3A_402 = vector.extract_strided_slice %dot_general3A_5 {offsets = [0, 512], sizes = [128, 256], strides = [1, 1]} : vector<128x2304xf32> to vector<128x256xf32>
    %get3A_403 = arith.constant 17 : index
    %get3A_404 = arith.constant 0 : index
    %get3A_405 = vector.load %arg3[%get3A_403, %get3A_404] : memref<144x256xf32, #tpu.memory_space<vmem>>, vector<1x256xf32>
    %get3A_406 = vector.shape_cast %get3A_405 : vector<1x256xf32> to vector<256xf32>
    %get3A_407 = arith.constant 17 : index
    %get3A_408 = arith.constant 0 : index
    %get3A_409 = vector.load %arg4[%get3A_407, %get3A_408] : memref<144x256xf32, #tpu.memory_space<vmem>>, vector<1x256xf32>
    %get3A_410 = vector.shape_cast %get3A_409 : vector<1x256xf32> to vector<256xf32>
    %get3A_411 = arith.constant 89 : index
    %get3A_412 = arith.constant 0 : index
    %get3A_413 = vector.load %arg3[%get3A_411, %get3A_412] : memref<144x256xf32, #tpu.memory_space<vmem>>, vector<1x256xf32>
    %get3A_414 = vector.shape_cast %get3A_413 : vector<1x256xf32> to vector<256xf32>
    %get3A_415 = arith.constant 89 : index
    %get3A_416 = arith.constant 0 : index
    %get3A_417 = vector.load %arg4[%get3A_415, %get3A_416] : memref<144x256xf32, #tpu.memory_space<vmem>>, vector<1x256xf32>
    %get3A_418 = vector.shape_cast %get3A_417 : vector<1x256xf32> to vector<256xf32>
    %sub3A_419 = arith.subf %get3A_414, %get3A_406 : vector<256xf32>
    %broadcast_in_dim3A_420 = vector.shape_cast %sub3A_419 : vector<256xf32> to vector<1x256xf32>
    %mul3A_421 = vector.broadcast %broadcast_in_dim3A_420 : vector<1x256xf32> to vector<128x256xf32>
    %mul3A_422 = arith.mulf %slice3A_402, %mul3A_421 : vector<128x256xf32>
    %broadcast_in_dim3A_423 = vector.shape_cast %get3A_406 : vector<256xf32> to vector<1x256xf32>
    %add3A_424 = vector.broadcast %broadcast_in_dim3A_423 : vector<1x256xf32> to vector<128x256xf32>
    %add3A_425 = arith.addf %add3A_424, %mul3A_422 : vector<128x256xf32>
    %sub3A_426 = arith.subf %get3A_418, %get3A_410 : vector<256xf32>
    %broadcast_in_dim3A_427 = vector.shape_cast %sub3A_426 : vector<256xf32> to vector<1x256xf32>
    %mul3A_428 = vector.broadcast %broadcast_in_dim3A_427 : vector<1x256xf32> to vector<128x256xf32>
    %mul3A_429 = arith.mulf %slice3A_402, %mul3A_428 : vector<128x256xf32>
    %broadcast_in_dim3A_430 = vector.shape_cast %get3A_410 : vector<256xf32> to vector<1x256xf32>
    %add3A_431 = vector.broadcast %broadcast_in_dim3A_430 : vector<1x256xf32> to vector<128x256xf32>
    %add3A_432 = arith.addf %add3A_431, %mul3A_429 : vector<128x256xf32>
    %mul3A_433 = arith.mulf %sub3A_398, %add3A_425 : vector<128x256xf32>
    %mul3A_434 = arith.mulf %add3A_401, %add3A_432 : vector<128x256xf32>
    %sub3A_435 = arith.subf %mul3A_433, %mul3A_434 : vector<128x256xf32>
    %mul3A_436 = arith.mulf %sub3A_398, %add3A_432 : vector<128x256xf32>
    %mul3A_437 = arith.mulf %add3A_401, %add3A_425 : vector<128x256xf32>
    %add3A_438 = arith.addf %mul3A_436, %mul3A_437 : vector<128x256xf32>
    %slice3A_439 = vector.extract_strided_slice %dot_general3A_5 {offsets = [0, 768], sizes = [128, 256], strides = [1, 1]} : vector<128x2304xf32> to vector<128x256xf32>
    %get3A_440 = arith.constant 25 : index
    %get3A_441 = arith.constant 0 : index
    %get3A_442 = vector.load %arg3[%get3A_440, %get3A_441] : memref<144x256xf32, #tpu.memory_space<vmem>>, vector<1x256xf32>
    %get3A_443 = vector.shape_cast %get3A_442 : vector<1x256xf32> to vector<256xf32>
    %get3A_444 = arith.constant 25 : index
    %get3A_445 = arith.constant 0 : index
    %get3A_446 = vector.load %arg4[%get3A_444, %get3A_445] : memref<144x256xf32, #tpu.memory_space<vmem>>, vector<1x256xf32>
    %get3A_447 = vector.shape_cast %get3A_446 : vector<1x256xf32> to vector<256xf32>
    %get3A_448 = arith.constant 97 : index
    %get3A_449 = arith.constant 0 : index
    %get3A_450 = vector.load %arg3[%get3A_448, %get3A_449] : memref<144x256xf32, #tpu.memory_space<vmem>>, vector<1x256xf32>
    %get3A_451 = vector.shape_cast %get3A_450 : vector<1x256xf32> to vector<256xf32>
    %get3A_452 = arith.constant 97 : index
    %get3A_453 = arith.constant 0 : index
    %get3A_454 = vector.load %arg4[%get3A_452, %get3A_453] : memref<144x256xf32, #tpu.memory_space<vmem>>, vector<1x256xf32>
    %get3A_455 = vector.shape_cast %get3A_454 : vector<1x256xf32> to vector<256xf32>
    %sub3A_456 = arith.subf %get3A_451, %get3A_443 : vector<256xf32>
    %broadcast_in_dim3A_457 = vector.shape_cast %sub3A_456 : vector<256xf32> to vector<1x256xf32>
    %mul3A_458 = vector.broadcast %broadcast_in_dim3A_457 : vector<1x256xf32> to vector<128x256xf32>
    %mul3A_459 = arith.mulf %slice3A_439, %mul3A_458 : vector<128x256xf32>
    %broadcast_in_dim3A_460 = vector.shape_cast %get3A_443 : vector<256xf32> to vector<1x256xf32>
    %add3A_461 = vector.broadcast %broadcast_in_dim3A_460 : vector<1x256xf32> to vector<128x256xf32>
    %add3A_462 = arith.addf %add3A_461, %mul3A_459 : vector<128x256xf32>
    %sub3A_463 = arith.subf %get3A_455, %get3A_447 : vector<256xf32>
    %broadcast_in_dim3A_464 = vector.shape_cast %sub3A_463 : vector<256xf32> to vector<1x256xf32>
    %mul3A_465 = vector.broadcast %broadcast_in_dim3A_464 : vector<1x256xf32> to vector<128x256xf32>
    %mul3A_466 = arith.mulf %slice3A_439, %mul3A_465 : vector<128x256xf32>
    %broadcast_in_dim3A_467 = vector.shape_cast %get3A_447 : vector<256xf32> to vector<1x256xf32>
    %add3A_468 = vector.broadcast %broadcast_in_dim3A_467 : vector<1x256xf32> to vector<128x256xf32>
    %add3A_469 = arith.addf %add3A_468, %mul3A_466 : vector<128x256xf32>
    %mul3A_470 = arith.mulf %sub3A_435, %add3A_462 : vector<128x256xf32>
    %mul3A_471 = arith.mulf %add3A_438, %add3A_469 : vector<128x256xf32>
    %sub3A_472 = arith.subf %mul3A_470, %mul3A_471 : vector<128x256xf32>
    %mul3A_473 = arith.mulf %sub3A_435, %add3A_469 : vector<128x256xf32>
    %mul3A_474 = arith.mulf %add3A_438, %add3A_462 : vector<128x256xf32>
    %add3A_475 = arith.addf %mul3A_473, %mul3A_474 : vector<128x256xf32>
    %slice3A_476 = vector.extract_strided_slice %dot_general3A_5 {offsets = [0, 1024], sizes = [128, 256], strides = [1, 1]} : vector<128x2304xf32> to vector<128x256xf32>
    %get3A_477 = arith.constant 33 : index
    %get3A_478 = arith.constant 0 : index
    %get3A_479 = vector.load %arg3[%get3A_477, %get3A_478] : memref<144x256xf32, #tpu.memory_space<vmem>>, vector<1x256xf32>
    %get3A_480 = vector.shape_cast %get3A_479 : vector<1x256xf32> to vector<256xf32>
    %get3A_481 = arith.constant 33 : index
    %get3A_482 = arith.constant 0 : index
    %get3A_483 = vector.load %arg4[%get3A_481, %get3A_482] : memref<144x256xf32, #tpu.memory_space<vmem>>, vector<1x256xf32>
    %get3A_484 = vector.shape_cast %get3A_483 : vector<1x256xf32> to vector<256xf32>
    %get3A_485 = arith.constant 105 : index
    %get3A_486 = arith.constant 0 : index
    %get3A_487 = vector.load %arg3[%get3A_485, %get3A_486] : memref<144x256xf32, #tpu.memory_space<vmem>>, vector<1x256xf32>
    %get3A_488 = vector.shape_cast %get3A_487 : vector<1x256xf32> to vector<256xf32>
    %get3A_489 = arith.constant 105 : index
    %get3A_490 = arith.constant 0 : index
    %get3A_491 = vector.load %arg4[%get3A_489, %get3A_490] : memref<144x256xf32, #tpu.memory_space<vmem>>, vector<1x256xf32>
    %get3A_492 = vector.shape_cast %get3A_491 : vector<1x256xf32> to vector<256xf32>
    %sub3A_493 = arith.subf %get3A_488, %get3A_480 : vector<256xf32>
    %broadcast_in_dim3A_494 = vector.shape_cast %sub3A_493 : vector<256xf32> to vector<1x256xf32>
    %mul3A_495 = vector.broadcast %broadcast_in_dim3A_494 : vector<1x256xf32> to vector<128x256xf32>
    %mul3A_496 = arith.mulf %slice3A_476, %mul3A_495 : vector<128x256xf32>
    %broadcast_in_dim3A_497 = vector.shape_cast %get3A_480 : vector<256xf32> to vector<1x256xf32>
    %add3A_498 = vector.broadcast %broadcast_in_dim3A_497 : vector<1x256xf32> to vector<128x256xf32>
    %add3A_499 = arith.addf %add3A_498, %mul3A_496 : vector<128x256xf32>
    %sub3A_500 = arith.subf %get3A_492, %get3A_484 : vector<256xf32>
    %broadcast_in_dim3A_501 = vector.shape_cast %sub3A_500 : vector<256xf32> to vector<1x256xf32>
    %mul3A_502 = vector.broadcast %broadcast_in_dim3A_501 : vector<1x256xf32> to vector<128x256xf32>
    %mul3A_503 = arith.mulf %slice3A_476, %mul3A_502 : vector<128x256xf32>
    %broadcast_in_dim3A_504 = vector.shape_cast %get3A_484 : vector<256xf32> to vector<1x256xf32>
    %add3A_505 = vector.broadcast %broadcast_in_dim3A_504 : vector<1x256xf32> to vector<128x256xf32>
    %add3A_506 = arith.addf %add3A_505, %mul3A_503 : vector<128x256xf32>
    %mul3A_507 = arith.mulf %sub3A_472, %add3A_499 : vector<128x256xf32>
    %mul3A_508 = arith.mulf %add3A_475, %add3A_506 : vector<128x256xf32>
    %sub3A_509 = arith.subf %mul3A_507, %mul3A_508 : vector<128x256xf32>
    %mul3A_510 = arith.mulf %sub3A_472, %add3A_506 : vector<128x256xf32>
    %mul3A_511 = arith.mulf %add3A_475, %add3A_499 : vector<128x256xf32>
    %add3A_512 = arith.addf %mul3A_510, %mul3A_511 : vector<128x256xf32>
    %slice3A_513 = vector.extract_strided_slice %dot_general3A_5 {offsets = [0, 1280], sizes = [128, 256], strides = [1, 1]} : vector<128x2304xf32> to vector<128x256xf32>
    %get3A_514 = arith.constant 41 : index
    %get3A_515 = arith.constant 0 : index
    %get3A_516 = vector.load %arg3[%get3A_514, %get3A_515] : memref<144x256xf32, #tpu.memory_space<vmem>>, vector<1x256xf32>
    %get3A_517 = vector.shape_cast %get3A_516 : vector<1x256xf32> to vector<256xf32>
    %get3A_518 = arith.constant 41 : index
    %get3A_519 = arith.constant 0 : index
    %get3A_520 = vector.load %arg4[%get3A_518, %get3A_519] : memref<144x256xf32, #tpu.memory_space<vmem>>, vector<1x256xf32>
    %get3A_521 = vector.shape_cast %get3A_520 : vector<1x256xf32> to vector<256xf32>
    %get3A_522 = arith.constant 113 : index
    %get3A_523 = arith.constant 0 : index
    %get3A_524 = vector.load %arg3[%get3A_522, %get3A_523] : memref<144x256xf32, #tpu.memory_space<vmem>>, vector<1x256xf32>
    %get3A_525 = vector.shape_cast %get3A_524 : vector<1x256xf32> to vector<256xf32>
    %get3A_526 = arith.constant 113 : index
    %get3A_527 = arith.constant 0 : index
    %get3A_528 = vector.load %arg4[%get3A_526, %get3A_527] : memref<144x256xf32, #tpu.memory_space<vmem>>, vector<1x256xf32>
    %get3A_529 = vector.shape_cast %get3A_528 : vector<1x256xf32> to vector<256xf32>
    %sub3A_530 = arith.subf %get3A_525, %get3A_517 : vector<256xf32>
    %broadcast_in_dim3A_531 = vector.shape_cast %sub3A_530 : vector<256xf32> to vector<1x256xf32>
    %mul3A_532 = vector.broadcast %broadcast_in_dim3A_531 : vector<1x256xf32> to vector<128x256xf32>
    %mul3A_533 = arith.mulf %slice3A_513, %mul3A_532 : vector<128x256xf32>
    %broadcast_in_dim3A_534 = vector.shape_cast %get3A_517 : vector<256xf32> to vector<1x256xf32>
    %add3A_535 = vector.broadcast %broadcast_in_dim3A_534 : vector<1x256xf32> to vector<128x256xf32>
    %add3A_536 = arith.addf %add3A_535, %mul3A_533 : vector<128x256xf32>
    %sub3A_537 = arith.subf %get3A_529, %get3A_521 : vector<256xf32>
    %broadcast_in_dim3A_538 = vector.shape_cast %sub3A_537 : vector<256xf32> to vector<1x256xf32>
    %mul3A_539 = vector.broadcast %broadcast_in_dim3A_538 : vector<1x256xf32> to vector<128x256xf32>
    %mul3A_540 = arith.mulf %slice3A_513, %mul3A_539 : vector<128x256xf32>
    %broadcast_in_dim3A_541 = vector.shape_cast %get3A_521 : vector<256xf32> to vector<1x256xf32>
    %add3A_542 = vector.broadcast %broadcast_in_dim3A_541 : vector<1x256xf32> to vector<128x256xf32>
    %add3A_543 = arith.addf %add3A_542, %mul3A_540 : vector<128x256xf32>
    %mul3A_544 = arith.mulf %sub3A_509, %add3A_536 : vector<128x256xf32>
    %mul3A_545 = arith.mulf %add3A_512, %add3A_543 : vector<128x256xf32>
    %sub3A_546 = arith.subf %mul3A_544, %mul3A_545 : vector<128x256xf32>
    %mul3A_547 = arith.mulf %sub3A_509, %add3A_543 : vector<128x256xf32>
    %mul3A_548 = arith.mulf %add3A_512, %add3A_536 : vector<128x256xf32>
    %add3A_549 = arith.addf %mul3A_547, %mul3A_548 : vector<128x256xf32>
    %slice3A_550 = vector.extract_strided_slice %dot_general3A_5 {offsets = [0, 1536], sizes = [128, 256], strides = [1, 1]} : vector<128x2304xf32> to vector<128x256xf32>
    %get3A_551 = arith.constant 49 : index
    %get3A_552 = arith.constant 0 : index
    %get3A_553 = vector.load %arg3[%get3A_551, %get3A_552] : memref<144x256xf32, #tpu.memory_space<vmem>>, vector<1x256xf32>
    %get3A_554 = vector.shape_cast %get3A_553 : vector<1x256xf32> to vector<256xf32>
    %get3A_555 = arith.constant 49 : index
    %get3A_556 = arith.constant 0 : index
    %get3A_557 = vector.load %arg4[%get3A_555, %get3A_556] : memref<144x256xf32, #tpu.memory_space<vmem>>, vector<1x256xf32>
    %get3A_558 = vector.shape_cast %get3A_557 : vector<1x256xf32> to vector<256xf32>
    %get3A_559 = arith.constant 121 : index
    %get3A_560 = arith.constant 0 : index
    %get3A_561 = vector.load %arg3[%get3A_559, %get3A_560] : memref<144x256xf32, #tpu.memory_space<vmem>>, vector<1x256xf32>
    %get3A_562 = vector.shape_cast %get3A_561 : vector<1x256xf32> to vector<256xf32>
    %get3A_563 = arith.constant 121 : index
    %get3A_564 = arith.constant 0 : index
    %get3A_565 = vector.load %arg4[%get3A_563, %get3A_564] : memref<144x256xf32, #tpu.memory_space<vmem>>, vector<1x256xf32>
    %get3A_566 = vector.shape_cast %get3A_565 : vector<1x256xf32> to vector<256xf32>
    %sub3A_567 = arith.subf %get3A_562, %get3A_554 : vector<256xf32>
    %broadcast_in_dim3A_568 = vector.shape_cast %sub3A_567 : vector<256xf32> to vector<1x256xf32>
    %mul3A_569 = vector.broadcast %broadcast_in_dim3A_568 : vector<1x256xf32> to vector<128x256xf32>
    %mul3A_570 = arith.mulf %slice3A_550, %mul3A_569 : vector<128x256xf32>
    %broadcast_in_dim3A_571 = vector.shape_cast %get3A_554 : vector<256xf32> to vector<1x256xf32>
    %add3A_572 = vector.broadcast %broadcast_in_dim3A_571 : vector<1x256xf32> to vector<128x256xf32>
    %add3A_573 = arith.addf %add3A_572, %mul3A_570 : vector<128x256xf32>
    %sub3A_574 = arith.subf %get3A_566, %get3A_558 : vector<256xf32>
    %broadcast_in_dim3A_575 = vector.shape_cast %sub3A_574 : vector<256xf32> to vector<1x256xf32>
    %mul3A_576 = vector.broadcast %broadcast_in_dim3A_575 : vector<1x256xf32> to vector<128x256xf32>
    %mul3A_577 = arith.mulf %slice3A_550, %mul3A_576 : vector<128x256xf32>
    %broadcast_in_dim3A_578 = vector.shape_cast %get3A_558 : vector<256xf32> to vector<1x256xf32>
    %add3A_579 = vector.broadcast %broadcast_in_dim3A_578 : vector<1x256xf32> to vector<128x256xf32>
    %add3A_580 = arith.addf %add3A_579, %mul3A_577 : vector<128x256xf32>
    %mul3A_581 = arith.mulf %sub3A_546, %add3A_573 : vector<128x256xf32>
    %mul3A_582 = arith.mulf %add3A_549, %add3A_580 : vector<128x256xf32>
    %sub3A_583 = arith.subf %mul3A_581, %mul3A_582 : vector<128x256xf32>
    %mul3A_584 = arith.mulf %sub3A_546, %add3A_580 : vector<128x256xf32>
    %mul3A_585 = arith.mulf %add3A_549, %add3A_573 : vector<128x256xf32>
    %add3A_586 = arith.addf %mul3A_584, %mul3A_585 : vector<128x256xf32>
    %slice3A_587 = vector.extract_strided_slice %dot_general3A_5 {offsets = [0, 1792], sizes = [128, 256], strides = [1, 1]} : vector<128x2304xf32> to vector<128x256xf32>
    %get3A_588 = arith.constant 57 : index
    %get3A_589 = arith.constant 0 : index
    %get3A_590 = vector.load %arg3[%get3A_588, %get3A_589] : memref<144x256xf32, #tpu.memory_space<vmem>>, vector<1x256xf32>
    %get3A_591 = vector.shape_cast %get3A_590 : vector<1x256xf32> to vector<256xf32>
    %get3A_592 = arith.constant 57 : index
    %get3A_593 = arith.constant 0 : index
    %get3A_594 = vector.load %arg4[%get3A_592, %get3A_593] : memref<144x256xf32, #tpu.memory_space<vmem>>, vector<1x256xf32>
    %get3A_595 = vector.shape_cast %get3A_594 : vector<1x256xf32> to vector<256xf32>
    %get3A_596 = arith.constant 129 : index
    %get3A_597 = arith.constant 0 : index
    %get3A_598 = vector.load %arg3[%get3A_596, %get3A_597] : memref<144x256xf32, #tpu.memory_space<vmem>>, vector<1x256xf32>
    %get3A_599 = vector.shape_cast %get3A_598 : vector<1x256xf32> to vector<256xf32>
    %get3A_600 = arith.constant 129 : index
    %get3A_601 = arith.constant 0 : index
    %get3A_602 = vector.load %arg4[%get3A_600, %get3A_601] : memref<144x256xf32, #tpu.memory_space<vmem>>, vector<1x256xf32>
    %get3A_603 = vector.shape_cast %get3A_602 : vector<1x256xf32> to vector<256xf32>
    %sub3A_604 = arith.subf %get3A_599, %get3A_591 : vector<256xf32>
    %broadcast_in_dim3A_605 = vector.shape_cast %sub3A_604 : vector<256xf32> to vector<1x256xf32>
    %mul3A_606 = vector.broadcast %broadcast_in_dim3A_605 : vector<1x256xf32> to vector<128x256xf32>
    %mul3A_607 = arith.mulf %slice3A_587, %mul3A_606 : vector<128x256xf32>
    %broadcast_in_dim3A_608 = vector.shape_cast %get3A_591 : vector<256xf32> to vector<1x256xf32>
    %add3A_609 = vector.broadcast %broadcast_in_dim3A_608 : vector<1x256xf32> to vector<128x256xf32>
    %add3A_610 = arith.addf %add3A_609, %mul3A_607 : vector<128x256xf32>
    %sub3A_611 = arith.subf %get3A_603, %get3A_595 : vector<256xf32>
    %broadcast_in_dim3A_612 = vector.shape_cast %sub3A_611 : vector<256xf32> to vector<1x256xf32>
    %mul3A_613 = vector.broadcast %broadcast_in_dim3A_612 : vector<1x256xf32> to vector<128x256xf32>
    %mul3A_614 = arith.mulf %slice3A_587, %mul3A_613 : vector<128x256xf32>
    %broadcast_in_dim3A_615 = vector.shape_cast %get3A_595 : vector<256xf32> to vector<1x256xf32>
    %add3A_616 = vector.broadcast %broadcast_in_dim3A_615 : vector<1x256xf32> to vector<128x256xf32>
    %add3A_617 = arith.addf %add3A_616, %mul3A_614 : vector<128x256xf32>
    %mul3A_618 = arith.mulf %sub3A_583, %add3A_610 : vector<128x256xf32>
    %mul3A_619 = arith.mulf %add3A_586, %add3A_617 : vector<128x256xf32>
    %sub3A_620 = arith.subf %mul3A_618, %mul3A_619 : vector<128x256xf32>
    %mul3A_621 = arith.mulf %sub3A_583, %add3A_617 : vector<128x256xf32>
    %mul3A_622 = arith.mulf %add3A_586, %add3A_610 : vector<128x256xf32>
    %add3A_623 = arith.addf %mul3A_621, %mul3A_622 : vector<128x256xf32>
    %slice3A_624 = vector.extract_strided_slice %dot_general3A_5 {offsets = [0, 2048], sizes = [128, 256], strides = [1, 1]} : vector<128x2304xf32> to vector<128x256xf32>
    %get3A_625 = arith.constant 65 : index
    %get3A_626 = arith.constant 0 : index
    %get3A_627 = vector.load %arg3[%get3A_625, %get3A_626] : memref<144x256xf32, #tpu.memory_space<vmem>>, vector<1x256xf32>
    %get3A_628 = vector.shape_cast %get3A_627 : vector<1x256xf32> to vector<256xf32>
    %get3A_629 = arith.constant 65 : index
    %get3A_630 = arith.constant 0 : index
    %get3A_631 = vector.load %arg4[%get3A_629, %get3A_630] : memref<144x256xf32, #tpu.memory_space<vmem>>, vector<1x256xf32>
    %get3A_632 = vector.shape_cast %get3A_631 : vector<1x256xf32> to vector<256xf32>
    %get3A_633 = arith.constant 137 : index
    %get3A_634 = arith.constant 0 : index
    %get3A_635 = vector.load %arg3[%get3A_633, %get3A_634] : memref<144x256xf32, #tpu.memory_space<vmem>>, vector<1x256xf32>
    %get3A_636 = vector.shape_cast %get3A_635 : vector<1x256xf32> to vector<256xf32>
    %get3A_637 = arith.constant 137 : index
    %get3A_638 = arith.constant 0 : index
    %get3A_639 = vector.load %arg4[%get3A_637, %get3A_638] : memref<144x256xf32, #tpu.memory_space<vmem>>, vector<1x256xf32>
    %get3A_640 = vector.shape_cast %get3A_639 : vector<1x256xf32> to vector<256xf32>
    %sub3A_641 = arith.subf %get3A_636, %get3A_628 : vector<256xf32>
    %broadcast_in_dim3A_642 = vector.shape_cast %sub3A_641 : vector<256xf32> to vector<1x256xf32>
    %mul3A_643 = vector.broadcast %broadcast_in_dim3A_642 : vector<1x256xf32> to vector<128x256xf32>
    %mul3A_644 = arith.mulf %slice3A_624, %mul3A_643 : vector<128x256xf32>
    %broadcast_in_dim3A_645 = vector.shape_cast %get3A_628 : vector<256xf32> to vector<1x256xf32>
    %add3A_646 = vector.broadcast %broadcast_in_dim3A_645 : vector<1x256xf32> to vector<128x256xf32>
    %add3A_647 = arith.addf %add3A_646, %mul3A_644 : vector<128x256xf32>
    %sub3A_648 = arith.subf %get3A_640, %get3A_632 : vector<256xf32>
    %broadcast_in_dim3A_649 = vector.shape_cast %sub3A_648 : vector<256xf32> to vector<1x256xf32>
    %mul3A_650 = vector.broadcast %broadcast_in_dim3A_649 : vector<1x256xf32> to vector<128x256xf32>
    %mul3A_651 = arith.mulf %slice3A_624, %mul3A_650 : vector<128x256xf32>
    %broadcast_in_dim3A_652 = vector.shape_cast %get3A_632 : vector<256xf32> to vector<1x256xf32>
    %add3A_653 = vector.broadcast %broadcast_in_dim3A_652 : vector<1x256xf32> to vector<128x256xf32>
    %add3A_654 = arith.addf %add3A_653, %mul3A_651 : vector<128x256xf32>
    %mul3A_655 = arith.mulf %sub3A_620, %add3A_647 : vector<128x256xf32>
    %mul3A_656 = arith.mulf %add3A_623, %add3A_654 : vector<128x256xf32>
    %sub3A_657 = arith.subf %mul3A_655, %mul3A_656 : vector<128x256xf32>
    %mul3A_658 = arith.mulf %sub3A_620, %add3A_654 : vector<128x256xf32>
    %mul3A_659 = arith.mulf %add3A_623, %add3A_647 : vector<128x256xf32>
    %add3A_660 = arith.addf %mul3A_658, %mul3A_659 : vector<128x256xf32>
    %add3A_661 = arith.addf %add3A_332, %sub3A_657 : vector<128x256xf32>
    %add3A_662 = arith.addf %add3A_333, %add3A_660 : vector<128x256xf32>
    %slice3A_663 = vector.extract_strided_slice %dot_general3A_5 {offsets = [0, 0], sizes = [128, 256], strides = [1, 1]} : vector<128x2304xf32> to vector<128x256xf32>
    %get3A_664 = arith.constant 2 : index
    %get3A_665 = arith.constant 0 : index
    %get3A_666 = vector.load %arg3[%get3A_664, %get3A_665] : memref<144x256xf32, #tpu.memory_space<vmem>>, vector<1x256xf32>
    %get3A_667 = vector.shape_cast %get3A_666 : vector<1x256xf32> to vector<256xf32>
    %get3A_668 = arith.constant 2 : index
    %get3A_669 = arith.constant 0 : index
    %get3A_670 = vector.load %arg4[%get3A_668, %get3A_669] : memref<144x256xf32, #tpu.memory_space<vmem>>, vector<1x256xf32>
    %get3A_671 = vector.shape_cast %get3A_670 : vector<1x256xf32> to vector<256xf32>
    %get3A_672 = arith.constant 74 : index
    %get3A_673 = arith.constant 0 : index
    %get3A_674 = vector.load %arg3[%get3A_672, %get3A_673] : memref<144x256xf32, #tpu.memory_space<vmem>>, vector<1x256xf32>
    %get3A_675 = vector.shape_cast %get3A_674 : vector<1x256xf32> to vector<256xf32>
    %get3A_676 = arith.constant 74 : index
    %get3A_677 = arith.constant 0 : index
    %get3A_678 = vector.load %arg4[%get3A_676, %get3A_677] : memref<144x256xf32, #tpu.memory_space<vmem>>, vector<1x256xf32>
    %get3A_679 = vector.shape_cast %get3A_678 : vector<1x256xf32> to vector<256xf32>
    %sub3A_680 = arith.subf %get3A_675, %get3A_667 : vector<256xf32>
    %broadcast_in_dim3A_681 = vector.shape_cast %sub3A_680 : vector<256xf32> to vector<1x256xf32>
    %mul3A_682 = vector.broadcast %broadcast_in_dim3A_681 : vector<1x256xf32> to vector<128x256xf32>
    %mul3A_683 = arith.mulf %slice3A_663, %mul3A_682 : vector<128x256xf32>
    %broadcast_in_dim3A_684 = vector.shape_cast %get3A_667 : vector<256xf32> to vector<1x256xf32>
    %add3A_685 = vector.broadcast %broadcast_in_dim3A_684 : vector<1x256xf32> to vector<128x256xf32>
    %add3A_686 = arith.addf %add3A_685, %mul3A_683 : vector<128x256xf32>
    %sub3A_687 = arith.subf %get3A_679, %get3A_671 : vector<256xf32>
    %broadcast_in_dim3A_688 = vector.shape_cast %sub3A_687 : vector<256xf32> to vector<1x256xf32>
    %mul3A_689 = vector.broadcast %broadcast_in_dim3A_688 : vector<1x256xf32> to vector<128x256xf32>
    %mul3A_690 = arith.mulf %slice3A_663, %mul3A_689 : vector<128x256xf32>
    %broadcast_in_dim3A_691 = vector.shape_cast %get3A_671 : vector<256xf32> to vector<1x256xf32>
    %add3A_692 = vector.broadcast %broadcast_in_dim3A_691 : vector<1x256xf32> to vector<128x256xf32>
    %add3A_693 = arith.addf %add3A_692, %mul3A_690 : vector<128x256xf32>
    %slice3A_694 = vector.extract_strided_slice %dot_general3A_5 {offsets = [0, 256], sizes = [128, 256], strides = [1, 1]} : vector<128x2304xf32> to vector<128x256xf32>
    %get3A_695 = arith.constant 10 : index
    %get3A_696 = arith.constant 0 : index
    %get3A_697 = vector.load %arg3[%get3A_695, %get3A_696] : memref<144x256xf32, #tpu.memory_space<vmem>>, vector<1x256xf32>
    %get3A_698 = vector.shape_cast %get3A_697 : vector<1x256xf32> to vector<256xf32>
    %get3A_699 = arith.constant 10 : index
    %get3A_700 = arith.constant 0 : index
    %get3A_701 = vector.load %arg4[%get3A_699, %get3A_700] : memref<144x256xf32, #tpu.memory_space<vmem>>, vector<1x256xf32>
    %get3A_702 = vector.shape_cast %get3A_701 : vector<1x256xf32> to vector<256xf32>
    %get3A_703 = arith.constant 82 : index
    %get3A_704 = arith.constant 0 : index
    %get3A_705 = vector.load %arg3[%get3A_703, %get3A_704] : memref<144x256xf32, #tpu.memory_space<vmem>>, vector<1x256xf32>
    %get3A_706 = vector.shape_cast %get3A_705 : vector<1x256xf32> to vector<256xf32>
    %get3A_707 = arith.constant 82 : index
    %get3A_708 = arith.constant 0 : index
    %get3A_709 = vector.load %arg4[%get3A_707, %get3A_708] : memref<144x256xf32, #tpu.memory_space<vmem>>, vector<1x256xf32>
    %get3A_710 = vector.shape_cast %get3A_709 : vector<1x256xf32> to vector<256xf32>
    %sub3A_711 = arith.subf %get3A_706, %get3A_698 : vector<256xf32>
    %broadcast_in_dim3A_712 = vector.shape_cast %sub3A_711 : vector<256xf32> to vector<1x256xf32>
    %mul3A_713 = vector.broadcast %broadcast_in_dim3A_712 : vector<1x256xf32> to vector<128x256xf32>
    %mul3A_714 = arith.mulf %slice3A_694, %mul3A_713 : vector<128x256xf32>
    %broadcast_in_dim3A_715 = vector.shape_cast %get3A_698 : vector<256xf32> to vector<1x256xf32>
    %add3A_716 = vector.broadcast %broadcast_in_dim3A_715 : vector<1x256xf32> to vector<128x256xf32>
    %add3A_717 = arith.addf %add3A_716, %mul3A_714 : vector<128x256xf32>
    %sub3A_718 = arith.subf %get3A_710, %get3A_702 : vector<256xf32>
    %broadcast_in_dim3A_719 = vector.shape_cast %sub3A_718 : vector<256xf32> to vector<1x256xf32>
    %mul3A_720 = vector.broadcast %broadcast_in_dim3A_719 : vector<1x256xf32> to vector<128x256xf32>
    %mul3A_721 = arith.mulf %slice3A_694, %mul3A_720 : vector<128x256xf32>
    %broadcast_in_dim3A_722 = vector.shape_cast %get3A_702 : vector<256xf32> to vector<1x256xf32>
    %add3A_723 = vector.broadcast %broadcast_in_dim3A_722 : vector<1x256xf32> to vector<128x256xf32>
    %add3A_724 = arith.addf %add3A_723, %mul3A_721 : vector<128x256xf32>
    %mul3A_725 = arith.mulf %add3A_686, %add3A_717 : vector<128x256xf32>
    %mul3A_726 = arith.mulf %add3A_693, %add3A_724 : vector<128x256xf32>
    %sub3A_727 = arith.subf %mul3A_725, %mul3A_726 : vector<128x256xf32>
    %mul3A_728 = arith.mulf %add3A_686, %add3A_724 : vector<128x256xf32>
    %mul3A_729 = arith.mulf %add3A_693, %add3A_717 : vector<128x256xf32>
    %add3A_730 = arith.addf %mul3A_728, %mul3A_729 : vector<128x256xf32>
    %slice3A_731 = vector.extract_strided_slice %dot_general3A_5 {offsets = [0, 512], sizes = [128, 256], strides = [1, 1]} : vector<128x2304xf32> to vector<128x256xf32>
    %get3A_732 = arith.constant 18 : index
    %get3A_733 = arith.constant 0 : index
    %get3A_734 = vector.load %arg3[%get3A_732, %get3A_733] : memref<144x256xf32, #tpu.memory_space<vmem>>, vector<1x256xf32>
    %get3A_735 = vector.shape_cast %get3A_734 : vector<1x256xf32> to vector<256xf32>
    %get3A_736 = arith.constant 18 : index
    %get3A_737 = arith.constant 0 : index
    %get3A_738 = vector.load %arg4[%get3A_736, %get3A_737] : memref<144x256xf32, #tpu.memory_space<vmem>>, vector<1x256xf32>
    %get3A_739 = vector.shape_cast %get3A_738 : vector<1x256xf32> to vector<256xf32>
    %get3A_740 = arith.constant 90 : index
    %get3A_741 = arith.constant 0 : index
    %get3A_742 = vector.load %arg3[%get3A_740, %get3A_741] : memref<144x256xf32, #tpu.memory_space<vmem>>, vector<1x256xf32>
    %get3A_743 = vector.shape_cast %get3A_742 : vector<1x256xf32> to vector<256xf32>
    %get3A_744 = arith.constant 90 : index
    %get3A_745 = arith.constant 0 : index
    %get3A_746 = vector.load %arg4[%get3A_744, %get3A_745] : memref<144x256xf32, #tpu.memory_space<vmem>>, vector<1x256xf32>
    %get3A_747 = vector.shape_cast %get3A_746 : vector<1x256xf32> to vector<256xf32>
    %sub3A_748 = arith.subf %get3A_743, %get3A_735 : vector<256xf32>
    %broadcast_in_dim3A_749 = vector.shape_cast %sub3A_748 : vector<256xf32> to vector<1x256xf32>
    %mul3A_750 = vector.broadcast %broadcast_in_dim3A_749 : vector<1x256xf32> to vector<128x256xf32>
    %mul3A_751 = arith.mulf %slice3A_731, %mul3A_750 : vector<128x256xf32>
    %broadcast_in_dim3A_752 = vector.shape_cast %get3A_735 : vector<256xf32> to vector<1x256xf32>
    %add3A_753 = vector.broadcast %broadcast_in_dim3A_752 : vector<1x256xf32> to vector<128x256xf32>
    %add3A_754 = arith.addf %add3A_753, %mul3A_751 : vector<128x256xf32>
    %sub3A_755 = arith.subf %get3A_747, %get3A_739 : vector<256xf32>
    %broadcast_in_dim3A_756 = vector.shape_cast %sub3A_755 : vector<256xf32> to vector<1x256xf32>
    %mul3A_757 = vector.broadcast %broadcast_in_dim3A_756 : vector<1x256xf32> to vector<128x256xf32>
    %mul3A_758 = arith.mulf %slice3A_731, %mul3A_757 : vector<128x256xf32>
    %broadcast_in_dim3A_759 = vector.shape_cast %get3A_739 : vector<256xf32> to vector<1x256xf32>
    %add3A_760 = vector.broadcast %broadcast_in_dim3A_759 : vector<1x256xf32> to vector<128x256xf32>
    %add3A_761 = arith.addf %add3A_760, %mul3A_758 : vector<128x256xf32>
    %mul3A_762 = arith.mulf %sub3A_727, %add3A_754 : vector<128x256xf32>
    %mul3A_763 = arith.mulf %add3A_730, %add3A_761 : vector<128x256xf32>
    %sub3A_764 = arith.subf %mul3A_762, %mul3A_763 : vector<128x256xf32>
    %mul3A_765 = arith.mulf %sub3A_727, %add3A_761 : vector<128x256xf32>
    %mul3A_766 = arith.mulf %add3A_730, %add3A_754 : vector<128x256xf32>
    %add3A_767 = arith.addf %mul3A_765, %mul3A_766 : vector<128x256xf32>
    %slice3A_768 = vector.extract_strided_slice %dot_general3A_5 {offsets = [0, 768], sizes = [128, 256], strides = [1, 1]} : vector<128x2304xf32> to vector<128x256xf32>
    %get3A_769 = arith.constant 26 : index
    %get3A_770 = arith.constant 0 : index
    %get3A_771 = vector.load %arg3[%get3A_769, %get3A_770] : memref<144x256xf32, #tpu.memory_space<vmem>>, vector<1x256xf32>
    %get3A_772 = vector.shape_cast %get3A_771 : vector<1x256xf32> to vector<256xf32>
    %get3A_773 = arith.constant 26 : index
    %get3A_774 = arith.constant 0 : index
    %get3A_775 = vector.load %arg4[%get3A_773, %get3A_774] : memref<144x256xf32, #tpu.memory_space<vmem>>, vector<1x256xf32>
    %get3A_776 = vector.shape_cast %get3A_775 : vector<1x256xf32> to vector<256xf32>
    %get3A_777 = arith.constant 98 : index
    %get3A_778 = arith.constant 0 : index
    %get3A_779 = vector.load %arg3[%get3A_777, %get3A_778] : memref<144x256xf32, #tpu.memory_space<vmem>>, vector<1x256xf32>
    %get3A_780 = vector.shape_cast %get3A_779 : vector<1x256xf32> to vector<256xf32>
    %get3A_781 = arith.constant 98 : index
    %get3A_782 = arith.constant 0 : index
    %get3A_783 = vector.load %arg4[%get3A_781, %get3A_782] : memref<144x256xf32, #tpu.memory_space<vmem>>, vector<1x256xf32>
    %get3A_784 = vector.shape_cast %get3A_783 : vector<1x256xf32> to vector<256xf32>
    %sub3A_785 = arith.subf %get3A_780, %get3A_772 : vector<256xf32>
    %broadcast_in_dim3A_786 = vector.shape_cast %sub3A_785 : vector<256xf32> to vector<1x256xf32>
    %mul3A_787 = vector.broadcast %broadcast_in_dim3A_786 : vector<1x256xf32> to vector<128x256xf32>
    %mul3A_788 = arith.mulf %slice3A_768, %mul3A_787 : vector<128x256xf32>
    %broadcast_in_dim3A_789 = vector.shape_cast %get3A_772 : vector<256xf32> to vector<1x256xf32>
    %add3A_790 = vector.broadcast %broadcast_in_dim3A_789 : vector<1x256xf32> to vector<128x256xf32>
    %add3A_791 = arith.addf %add3A_790, %mul3A_788 : vector<128x256xf32>
    %sub3A_792 = arith.subf %get3A_784, %get3A_776 : vector<256xf32>
    %broadcast_in_dim3A_793 = vector.shape_cast %sub3A_792 : vector<256xf32> to vector<1x256xf32>
    %mul3A_794 = vector.broadcast %broadcast_in_dim3A_793 : vector<1x256xf32> to vector<128x256xf32>
    %mul3A_795 = arith.mulf %slice3A_768, %mul3A_794 : vector<128x256xf32>
    %broadcast_in_dim3A_796 = vector.shape_cast %get3A_776 : vector<256xf32> to vector<1x256xf32>
    %add3A_797 = vector.broadcast %broadcast_in_dim3A_796 : vector<1x256xf32> to vector<128x256xf32>
    %add3A_798 = arith.addf %add3A_797, %mul3A_795 : vector<128x256xf32>
    %mul3A_799 = arith.mulf %sub3A_764, %add3A_791 : vector<128x256xf32>
    %mul3A_800 = arith.mulf %add3A_767, %add3A_798 : vector<128x256xf32>
    %sub3A_801 = arith.subf %mul3A_799, %mul3A_800 : vector<128x256xf32>
    %mul3A_802 = arith.mulf %sub3A_764, %add3A_798 : vector<128x256xf32>
    %mul3A_803 = arith.mulf %add3A_767, %add3A_791 : vector<128x256xf32>
    %add3A_804 = arith.addf %mul3A_802, %mul3A_803 : vector<128x256xf32>
    %slice3A_805 = vector.extract_strided_slice %dot_general3A_5 {offsets = [0, 1024], sizes = [128, 256], strides = [1, 1]} : vector<128x2304xf32> to vector<128x256xf32>
    %get3A_806 = arith.constant 34 : index
    %get3A_807 = arith.constant 0 : index
    %get3A_808 = vector.load %arg3[%get3A_806, %get3A_807] : memref<144x256xf32, #tpu.memory_space<vmem>>, vector<1x256xf32>
    %get3A_809 = vector.shape_cast %get3A_808 : vector<1x256xf32> to vector<256xf32>
    %get3A_810 = arith.constant 34 : index
    %get3A_811 = arith.constant 0 : index
    %get3A_812 = vector.load %arg4[%get3A_810, %get3A_811] : memref<144x256xf32, #tpu.memory_space<vmem>>, vector<1x256xf32>
    %get3A_813 = vector.shape_cast %get3A_812 : vector<1x256xf32> to vector<256xf32>
    %get3A_814 = arith.constant 106 : index
    %get3A_815 = arith.constant 0 : index
    %get3A_816 = vector.load %arg3[%get3A_814, %get3A_815] : memref<144x256xf32, #tpu.memory_space<vmem>>, vector<1x256xf32>
    %get3A_817 = vector.shape_cast %get3A_816 : vector<1x256xf32> to vector<256xf32>
    %get3A_818 = arith.constant 106 : index
    %get3A_819 = arith.constant 0 : index
    %get3A_820 = vector.load %arg4[%get3A_818, %get3A_819] : memref<144x256xf32, #tpu.memory_space<vmem>>, vector<1x256xf32>
    %get3A_821 = vector.shape_cast %get3A_820 : vector<1x256xf32> to vector<256xf32>
    %sub3A_822 = arith.subf %get3A_817, %get3A_809 : vector<256xf32>
    %broadcast_in_dim3A_823 = vector.shape_cast %sub3A_822 : vector<256xf32> to vector<1x256xf32>
    %mul3A_824 = vector.broadcast %broadcast_in_dim3A_823 : vector<1x256xf32> to vector<128x256xf32>
    %mul3A_825 = arith.mulf %slice3A_805, %mul3A_824 : vector<128x256xf32>
    %broadcast_in_dim3A_826 = vector.shape_cast %get3A_809 : vector<256xf32> to vector<1x256xf32>
    %add3A_827 = vector.broadcast %broadcast_in_dim3A_826 : vector<1x256xf32> to vector<128x256xf32>
    %add3A_828 = arith.addf %add3A_827, %mul3A_825 : vector<128x256xf32>
    %sub3A_829 = arith.subf %get3A_821, %get3A_813 : vector<256xf32>
    %broadcast_in_dim3A_830 = vector.shape_cast %sub3A_829 : vector<256xf32> to vector<1x256xf32>
    %mul3A_831 = vector.broadcast %broadcast_in_dim3A_830 : vector<1x256xf32> to vector<128x256xf32>
    %mul3A_832 = arith.mulf %slice3A_805, %mul3A_831 : vector<128x256xf32>
    %broadcast_in_dim3A_833 = vector.shape_cast %get3A_813 : vector<256xf32> to vector<1x256xf32>
    %add3A_834 = vector.broadcast %broadcast_in_dim3A_833 : vector<1x256xf32> to vector<128x256xf32>
    %add3A_835 = arith.addf %add3A_834, %mul3A_832 : vector<128x256xf32>
    %mul3A_836 = arith.mulf %sub3A_801, %add3A_828 : vector<128x256xf32>
    %mul3A_837 = arith.mulf %add3A_804, %add3A_835 : vector<128x256xf32>
    %sub3A_838 = arith.subf %mul3A_836, %mul3A_837 : vector<128x256xf32>
    %mul3A_839 = arith.mulf %sub3A_801, %add3A_835 : vector<128x256xf32>
    %mul3A_840 = arith.mulf %add3A_804, %add3A_828 : vector<128x256xf32>
    %add3A_841 = arith.addf %mul3A_839, %mul3A_840 : vector<128x256xf32>
    %slice3A_842 = vector.extract_strided_slice %dot_general3A_5 {offsets = [0, 1280], sizes = [128, 256], strides = [1, 1]} : vector<128x2304xf32> to vector<128x256xf32>
    %get3A_843 = arith.constant 42 : index
    %get3A_844 = arith.constant 0 : index
    %get3A_845 = vector.load %arg3[%get3A_843, %get3A_844] : memref<144x256xf32, #tpu.memory_space<vmem>>, vector<1x256xf32>
    %get3A_846 = vector.shape_cast %get3A_845 : vector<1x256xf32> to vector<256xf32>
    %get3A_847 = arith.constant 42 : index
    %get3A_848 = arith.constant 0 : index
    %get3A_849 = vector.load %arg4[%get3A_847, %get3A_848] : memref<144x256xf32, #tpu.memory_space<vmem>>, vector<1x256xf32>
    %get3A_850 = vector.shape_cast %get3A_849 : vector<1x256xf32> to vector<256xf32>
    %get3A_851 = arith.constant 114 : index
    %get3A_852 = arith.constant 0 : index
    %get3A_853 = vector.load %arg3[%get3A_851, %get3A_852] : memref<144x256xf32, #tpu.memory_space<vmem>>, vector<1x256xf32>
    %get3A_854 = vector.shape_cast %get3A_853 : vector<1x256xf32> to vector<256xf32>
    %get3A_855 = arith.constant 114 : index
    %get3A_856 = arith.constant 0 : index
    %get3A_857 = vector.load %arg4[%get3A_855, %get3A_856] : memref<144x256xf32, #tpu.memory_space<vmem>>, vector<1x256xf32>
    %get3A_858 = vector.shape_cast %get3A_857 : vector<1x256xf32> to vector<256xf32>
    %sub3A_859 = arith.subf %get3A_854, %get3A_846 : vector<256xf32>
    %broadcast_in_dim3A_860 = vector.shape_cast %sub3A_859 : vector<256xf32> to vector<1x256xf32>
    %mul3A_861 = vector.broadcast %broadcast_in_dim3A_860 : vector<1x256xf32> to vector<128x256xf32>
    %mul3A_862 = arith.mulf %slice3A_842, %mul3A_861 : vector<128x256xf32>
    %broadcast_in_dim3A_863 = vector.shape_cast %get3A_846 : vector<256xf32> to vector<1x256xf32>
    %add3A_864 = vector.broadcast %broadcast_in_dim3A_863 : vector<1x256xf32> to vector<128x256xf32>
    %add3A_865 = arith.addf %add3A_864, %mul3A_862 : vector<128x256xf32>
    %sub3A_866 = arith.subf %get3A_858, %get3A_850 : vector<256xf32>
    %broadcast_in_dim3A_867 = vector.shape_cast %sub3A_866 : vector<256xf32> to vector<1x256xf32>
    %mul3A_868 = vector.broadcast %broadcast_in_dim3A_867 : vector<1x256xf32> to vector<128x256xf32>
    %mul3A_869 = arith.mulf %slice3A_842, %mul3A_868 : vector<128x256xf32>
    %broadcast_in_dim3A_870 = vector.shape_cast %get3A_850 : vector<256xf32> to vector<1x256xf32>
    %add3A_871 = vector.broadcast %broadcast_in_dim3A_870 : vector<1x256xf32> to vector<128x256xf32>
    %add3A_872 = arith.addf %add3A_871, %mul3A_869 : vector<128x256xf32>
    %mul3A_873 = arith.mulf %sub3A_838, %add3A_865 : vector<128x256xf32>
    %mul3A_874 = arith.mulf %add3A_841, %add3A_872 : vector<128x256xf32>
    %sub3A_875 = arith.subf %mul3A_873, %mul3A_874 : vector<128x256xf32>
    %mul3A_876 = arith.mulf %sub3A_838, %add3A_872 : vector<128x256xf32>
    %mul3A_877 = arith.mulf %add3A_841, %add3A_865 : vector<128x256xf32>
    %add3A_878 = arith.addf %mul3A_876, %mul3A_877 : vector<128x256xf32>
    %slice3A_879 = vector.extract_strided_slice %dot_general3A_5 {offsets = [0, 1536], sizes = [128, 256], strides = [1, 1]} : vector<128x2304xf32> to vector<128x256xf32>
    %get3A_880 = arith.constant 50 : index
    %get3A_881 = arith.constant 0 : index
    %get3A_882 = vector.load %arg3[%get3A_880, %get3A_881] : memref<144x256xf32, #tpu.memory_space<vmem>>, vector<1x256xf32>
    %get3A_883 = vector.shape_cast %get3A_882 : vector<1x256xf32> to vector<256xf32>
    %get3A_884 = arith.constant 50 : index
    %get3A_885 = arith.constant 0 : index
    %get3A_886 = vector.load %arg4[%get3A_884, %get3A_885] : memref<144x256xf32, #tpu.memory_space<vmem>>, vector<1x256xf32>
    %get3A_887 = vector.shape_cast %get3A_886 : vector<1x256xf32> to vector<256xf32>
    %get3A_888 = arith.constant 122 : index
    %get3A_889 = arith.constant 0 : index
    %get3A_890 = vector.load %arg3[%get3A_888, %get3A_889] : memref<144x256xf32, #tpu.memory_space<vmem>>, vector<1x256xf32>
    %get3A_891 = vector.shape_cast %get3A_890 : vector<1x256xf32> to vector<256xf32>
    %get3A_892 = arith.constant 122 : index
    %get3A_893 = arith.constant 0 : index
    %get3A_894 = vector.load %arg4[%get3A_892, %get3A_893] : memref<144x256xf32, #tpu.memory_space<vmem>>, vector<1x256xf32>
    %get3A_895 = vector.shape_cast %get3A_894 : vector<1x256xf32> to vector<256xf32>
    %sub3A_896 = arith.subf %get3A_891, %get3A_883 : vector<256xf32>
    %broadcast_in_dim3A_897 = vector.shape_cast %sub3A_896 : vector<256xf32> to vector<1x256xf32>
    %mul3A_898 = vector.broadcast %broadcast_in_dim3A_897 : vector<1x256xf32> to vector<128x256xf32>
    %mul3A_899 = arith.mulf %slice3A_879, %mul3A_898 : vector<128x256xf32>
    %broadcast_in_dim3A_900 = vector.shape_cast %get3A_883 : vector<256xf32> to vector<1x256xf32>
    %add3A_901 = vector.broadcast %broadcast_in_dim3A_900 : vector<1x256xf32> to vector<128x256xf32>
    %add3A_902 = arith.addf %add3A_901, %mul3A_899 : vector<128x256xf32>
    %sub3A_903 = arith.subf %get3A_895, %get3A_887 : vector<256xf32>
    %broadcast_in_dim3A_904 = vector.shape_cast %sub3A_903 : vector<256xf32> to vector<1x256xf32>
    %mul3A_905 = vector.broadcast %broadcast_in_dim3A_904 : vector<1x256xf32> to vector<128x256xf32>
    %mul3A_906 = arith.mulf %slice3A_879, %mul3A_905 : vector<128x256xf32>
    %broadcast_in_dim3A_907 = vector.shape_cast %get3A_887 : vector<256xf32> to vector<1x256xf32>
    %add3A_908 = vector.broadcast %broadcast_in_dim3A_907 : vector<1x256xf32> to vector<128x256xf32>
    %add3A_909 = arith.addf %add3A_908, %mul3A_906 : vector<128x256xf32>
    %mul3A_910 = arith.mulf %sub3A_875, %add3A_902 : vector<128x256xf32>
    %mul3A_911 = arith.mulf %add3A_878, %add3A_909 : vector<128x256xf32>
    %sub3A_912 = arith.subf %mul3A_910, %mul3A_911 : vector<128x256xf32>
    %mul3A_913 = arith.mulf %sub3A_875, %add3A_909 : vector<128x256xf32>
    %mul3A_914 = arith.mulf %add3A_878, %add3A_902 : vector<128x256xf32>
    %add3A_915 = arith.addf %mul3A_913, %mul3A_914 : vector<128x256xf32>
    %slice3A_916 = vector.extract_strided_slice %dot_general3A_5 {offsets = [0, 1792], sizes = [128, 256], strides = [1, 1]} : vector<128x2304xf32> to vector<128x256xf32>
    %get3A_917 = arith.constant 58 : index
    %get3A_918 = arith.constant 0 : index
    %get3A_919 = vector.load %arg3[%get3A_917, %get3A_918] : memref<144x256xf32, #tpu.memory_space<vmem>>, vector<1x256xf32>
    %get3A_920 = vector.shape_cast %get3A_919 : vector<1x256xf32> to vector<256xf32>
    %get3A_921 = arith.constant 58 : index
    %get3A_922 = arith.constant 0 : index
    %get3A_923 = vector.load %arg4[%get3A_921, %get3A_922] : memref<144x256xf32, #tpu.memory_space<vmem>>, vector<1x256xf32>
    %get3A_924 = vector.shape_cast %get3A_923 : vector<1x256xf32> to vector<256xf32>
    %get3A_925 = arith.constant 130 : index
    %get3A_926 = arith.constant 0 : index
    %get3A_927 = vector.load %arg3[%get3A_925, %get3A_926] : memref<144x256xf32, #tpu.memory_space<vmem>>, vector<1x256xf32>
    %get3A_928 = vector.shape_cast %get3A_927 : vector<1x256xf32> to vector<256xf32>
    %get3A_929 = arith.constant 130 : index
    %get3A_930 = arith.constant 0 : index
    %get3A_931 = vector.load %arg4[%get3A_929, %get3A_930] : memref<144x256xf32, #tpu.memory_space<vmem>>, vector<1x256xf32>
    %get3A_932 = vector.shape_cast %get3A_931 : vector<1x256xf32> to vector<256xf32>
    %sub3A_933 = arith.subf %get3A_928, %get3A_920 : vector<256xf32>
    %broadcast_in_dim3A_934 = vector.shape_cast %sub3A_933 : vector<256xf32> to vector<1x256xf32>
    %mul3A_935 = vector.broadcast %broadcast_in_dim3A_934 : vector<1x256xf32> to vector<128x256xf32>
    %mul3A_936 = arith.mulf %slice3A_916, %mul3A_935 : vector<128x256xf32>
    %broadcast_in_dim3A_937 = vector.shape_cast %get3A_920 : vector<256xf32> to vector<1x256xf32>
    %add3A_938 = vector.broadcast %broadcast_in_dim3A_937 : vector<1x256xf32> to vector<128x256xf32>
    %add3A_939 = arith.addf %add3A_938, %mul3A_936 : vector<128x256xf32>
    %sub3A_940 = arith.subf %get3A_932, %get3A_924 : vector<256xf32>
    %broadcast_in_dim3A_941 = vector.shape_cast %sub3A_940 : vector<256xf32> to vector<1x256xf32>
    %mul3A_942 = vector.broadcast %broadcast_in_dim3A_941 : vector<1x256xf32> to vector<128x256xf32>
    %mul3A_943 = arith.mulf %slice3A_916, %mul3A_942 : vector<128x256xf32>
    %broadcast_in_dim3A_944 = vector.shape_cast %get3A_924 : vector<256xf32> to vector<1x256xf32>
    %add3A_945 = vector.broadcast %broadcast_in_dim3A_944 : vector<1x256xf32> to vector<128x256xf32>
    %add3A_946 = arith.addf %add3A_945, %mul3A_943 : vector<128x256xf32>
    %mul3A_947 = arith.mulf %sub3A_912, %add3A_939 : vector<128x256xf32>
    %mul3A_948 = arith.mulf %add3A_915, %add3A_946 : vector<128x256xf32>
    %sub3A_949 = arith.subf %mul3A_947, %mul3A_948 : vector<128x256xf32>
    %mul3A_950 = arith.mulf %sub3A_912, %add3A_946 : vector<128x256xf32>
    %mul3A_951 = arith.mulf %add3A_915, %add3A_939 : vector<128x256xf32>
    %add3A_952 = arith.addf %mul3A_950, %mul3A_951 : vector<128x256xf32>
    %slice3A_953 = vector.extract_strided_slice %dot_general3A_5 {offsets = [0, 2048], sizes = [128, 256], strides = [1, 1]} : vector<128x2304xf32> to vector<128x256xf32>
    %get3A_954 = arith.constant 66 : index
    %get3A_955 = arith.constant 0 : index
    %get3A_956 = vector.load %arg3[%get3A_954, %get3A_955] : memref<144x256xf32, #tpu.memory_space<vmem>>, vector<1x256xf32>
    %get3A_957 = vector.shape_cast %get3A_956 : vector<1x256xf32> to vector<256xf32>
    %get3A_958 = arith.constant 66 : index
    %get3A_959 = arith.constant 0 : index
    %get3A_960 = vector.load %arg4[%get3A_958, %get3A_959] : memref<144x256xf32, #tpu.memory_space<vmem>>, vector<1x256xf32>
    %get3A_961 = vector.shape_cast %get3A_960 : vector<1x256xf32> to vector<256xf32>
    %get3A_962 = arith.constant 138 : index
    %get3A_963 = arith.constant 0 : index
    %get3A_964 = vector.load %arg3[%get3A_962, %get3A_963] : memref<144x256xf32, #tpu.memory_space<vmem>>, vector<1x256xf32>
    %get3A_965 = vector.shape_cast %get3A_964 : vector<1x256xf32> to vector<256xf32>
    %get3A_966 = arith.constant 138 : index
    %get3A_967 = arith.constant 0 : index
    %get3A_968 = vector.load %arg4[%get3A_966, %get3A_967] : memref<144x256xf32, #tpu.memory_space<vmem>>, vector<1x256xf32>
    %get3A_969 = vector.shape_cast %get3A_968 : vector<1x256xf32> to vector<256xf32>
    %sub3A_970 = arith.subf %get3A_965, %get3A_957 : vector<256xf32>
    %broadcast_in_dim3A_971 = vector.shape_cast %sub3A_970 : vector<256xf32> to vector<1x256xf32>
    %mul3A_972 = vector.broadcast %broadcast_in_dim3A_971 : vector<1x256xf32> to vector<128x256xf32>
    %mul3A_973 = arith.mulf %slice3A_953, %mul3A_972 : vector<128x256xf32>
    %broadcast_in_dim3A_974 = vector.shape_cast %get3A_957 : vector<256xf32> to vector<1x256xf32>
    %add3A_975 = vector.broadcast %broadcast_in_dim3A_974 : vector<1x256xf32> to vector<128x256xf32>
    %add3A_976 = arith.addf %add3A_975, %mul3A_973 : vector<128x256xf32>
    %sub3A_977 = arith.subf %get3A_969, %get3A_961 : vector<256xf32>
    %broadcast_in_dim3A_978 = vector.shape_cast %sub3A_977 : vector<256xf32> to vector<1x256xf32>
    %mul3A_979 = vector.broadcast %broadcast_in_dim3A_978 : vector<1x256xf32> to vector<128x256xf32>
    %mul3A_980 = arith.mulf %slice3A_953, %mul3A_979 : vector<128x256xf32>
    %broadcast_in_dim3A_981 = vector.shape_cast %get3A_961 : vector<256xf32> to vector<1x256xf32>
    %add3A_982 = vector.broadcast %broadcast_in_dim3A_981 : vector<1x256xf32> to vector<128x256xf32>
    %add3A_983 = arith.addf %add3A_982, %mul3A_980 : vector<128x256xf32>
    %mul3A_984 = arith.mulf %sub3A_949, %add3A_976 : vector<128x256xf32>
    %mul3A_985 = arith.mulf %add3A_952, %add3A_983 : vector<128x256xf32>
    %sub3A_986 = arith.subf %mul3A_984, %mul3A_985 : vector<128x256xf32>
    %mul3A_987 = arith.mulf %sub3A_949, %add3A_983 : vector<128x256xf32>
    %mul3A_988 = arith.mulf %add3A_952, %add3A_976 : vector<128x256xf32>
    %add3A_989 = arith.addf %mul3A_987, %mul3A_988 : vector<128x256xf32>
    %add3A_990 = arith.addf %add3A_661, %sub3A_986 : vector<128x256xf32>
    %add3A_991 = arith.addf %add3A_662, %add3A_989 : vector<128x256xf32>
    %slice3A_992 = vector.extract_strided_slice %dot_general3A_5 {offsets = [0, 0], sizes = [128, 256], strides = [1, 1]} : vector<128x2304xf32> to vector<128x256xf32>
    %get3A_993 = arith.constant 3 : index
    %get3A_994 = arith.constant 0 : index
    %get3A_995 = vector.load %arg3[%get3A_993, %get3A_994] : memref<144x256xf32, #tpu.memory_space<vmem>>, vector<1x256xf32>
    %get3A_996 = vector.shape_cast %get3A_995 : vector<1x256xf32> to vector<256xf32>
    %get3A_997 = arith.constant 3 : index
    %get3A_998 = arith.constant 0 : index
    %get3A_999 = vector.load %arg4[%get3A_997, %get3A_998] : memref<144x256xf32, #tpu.memory_space<vmem>>, vector<1x256xf32>
    %get3A_1000 = vector.shape_cast %get3A_999 : vector<1x256xf32> to vector<256xf32>
    %get3A_1001 = arith.constant 75 : index
    %get3A_1002 = arith.constant 0 : index
    %get3A_1003 = vector.load %arg3[%get3A_1001, %get3A_1002] : memref<144x256xf32, #tpu.memory_space<vmem>>, vector<1x256xf32>
    %get3A_1004 = vector.shape_cast %get3A_1003 : vector<1x256xf32> to vector<256xf32>
    %get3A_1005 = arith.constant 75 : index
    %get3A_1006 = arith.constant 0 : index
    %get3A_1007 = vector.load %arg4[%get3A_1005, %get3A_1006] : memref<144x256xf32, #tpu.memory_space<vmem>>, vector<1x256xf32>
    %get3A_1008 = vector.shape_cast %get3A_1007 : vector<1x256xf32> to vector<256xf32>
    %sub3A_1009 = arith.subf %get3A_1004, %get3A_996 : vector<256xf32>
    %broadcast_in_dim3A_1010 = vector.shape_cast %sub3A_1009 : vector<256xf32> to vector<1x256xf32>
    %mul3A_1011 = vector.broadcast %broadcast_in_dim3A_1010 : vector<1x256xf32> to vector<128x256xf32>
    %mul3A_1012 = arith.mulf %slice3A_992, %mul3A_1011 : vector<128x256xf32>
    %broadcast_in_dim3A_1013 = vector.shape_cast %get3A_996 : vector<256xf32> to vector<1x256xf32>
    %add3A_1014 = vector.broadcast %broadcast_in_dim3A_1013 : vector<1x256xf32> to vector<128x256xf32>
    %add3A_1015 = arith.addf %add3A_1014, %mul3A_1012 : vector<128x256xf32>
    %sub3A_1016 = arith.subf %get3A_1008, %get3A_1000 : vector<256xf32>
    %broadcast_in_dim3A_1017 = vector.shape_cast %sub3A_1016 : vector<256xf32> to vector<1x256xf32>
    %mul3A_1018 = vector.broadcast %broadcast_in_dim3A_1017 : vector<1x256xf32> to vector<128x256xf32>
    %mul3A_1019 = arith.mulf %slice3A_992, %mul3A_1018 : vector<128x256xf32>
    %broadcast_in_dim3A_1020 = vector.shape_cast %get3A_1000 : vector<256xf32> to vector<1x256xf32>
    %add3A_1021 = vector.broadcast %broadcast_in_dim3A_1020 : vector<1x256xf32> to vector<128x256xf32>
    %add3A_1022 = arith.addf %add3A_1021, %mul3A_1019 : vector<128x256xf32>
    %slice3A_1023 = vector.extract_strided_slice %dot_general3A_5 {offsets = [0, 256], sizes = [128, 256], strides = [1, 1]} : vector<128x2304xf32> to vector<128x256xf32>
    %get3A_1024 = arith.constant 11 : index
    %get3A_1025 = arith.constant 0 : index
    %get3A_1026 = vector.load %arg3[%get3A_1024, %get3A_1025] : memref<144x256xf32, #tpu.memory_space<vmem>>, vector<1x256xf32>
    %get3A_1027 = vector.shape_cast %get3A_1026 : vector<1x256xf32> to vector<256xf32>
    %get3A_1028 = arith.constant 11 : index
    %get3A_1029 = arith.constant 0 : index
    %get3A_1030 = vector.load %arg4[%get3A_1028, %get3A_1029] : memref<144x256xf32, #tpu.memory_space<vmem>>, vector<1x256xf32>
    %get3A_1031 = vector.shape_cast %get3A_1030 : vector<1x256xf32> to vector<256xf32>
    %get3A_1032 = arith.constant 83 : index
    %get3A_1033 = arith.constant 0 : index
    %get3A_1034 = vector.load %arg3[%get3A_1032, %get3A_1033] : memref<144x256xf32, #tpu.memory_space<vmem>>, vector<1x256xf32>
    %get3A_1035 = vector.shape_cast %get3A_1034 : vector<1x256xf32> to vector<256xf32>
    %get3A_1036 = arith.constant 83 : index
    %get3A_1037 = arith.constant 0 : index
    %get3A_1038 = vector.load %arg4[%get3A_1036, %get3A_1037] : memref<144x256xf32, #tpu.memory_space<vmem>>, vector<1x256xf32>
    %get3A_1039 = vector.shape_cast %get3A_1038 : vector<1x256xf32> to vector<256xf32>
    %sub3A_1040 = arith.subf %get3A_1035, %get3A_1027 : vector<256xf32>
    %broadcast_in_dim3A_1041 = vector.shape_cast %sub3A_1040 : vector<256xf32> to vector<1x256xf32>
    %mul3A_1042 = vector.broadcast %broadcast_in_dim3A_1041 : vector<1x256xf32> to vector<128x256xf32>
    %mul3A_1043 = arith.mulf %slice3A_1023, %mul3A_1042 : vector<128x256xf32>
    %broadcast_in_dim3A_1044 = vector.shape_cast %get3A_1027 : vector<256xf32> to vector<1x256xf32>
    %add3A_1045 = vector.broadcast %broadcast_in_dim3A_1044 : vector<1x256xf32> to vector<128x256xf32>
    %add3A_1046 = arith.addf %add3A_1045, %mul3A_1043 : vector<128x256xf32>
    %sub3A_1047 = arith.subf %get3A_1039, %get3A_1031 : vector<256xf32>
    %broadcast_in_dim3A_1048 = vector.shape_cast %sub3A_1047 : vector<256xf32> to vector<1x256xf32>
    %mul3A_1049 = vector.broadcast %broadcast_in_dim3A_1048 : vector<1x256xf32> to vector<128x256xf32>
    %mul3A_1050 = arith.mulf %slice3A_1023, %mul3A_1049 : vector<128x256xf32>
    %broadcast_in_dim3A_1051 = vector.shape_cast %get3A_1031 : vector<256xf32> to vector<1x256xf32>
    %add3A_1052 = vector.broadcast %broadcast_in_dim3A_1051 : vector<1x256xf32> to vector<128x256xf32>
    %add3A_1053 = arith.addf %add3A_1052, %mul3A_1050 : vector<128x256xf32>
    %mul3A_1054 = arith.mulf %add3A_1015, %add3A_1046 : vector<128x256xf32>
    %mul3A_1055 = arith.mulf %add3A_1022, %add3A_1053 : vector<128x256xf32>
    %sub3A_1056 = arith.subf %mul3A_1054, %mul3A_1055 : vector<128x256xf32>
    %mul3A_1057 = arith.mulf %add3A_1015, %add3A_1053 : vector<128x256xf32>
    %mul3A_1058 = arith.mulf %add3A_1022, %add3A_1046 : vector<128x256xf32>
    %add3A_1059 = arith.addf %mul3A_1057, %mul3A_1058 : vector<128x256xf32>
    %slice3A_1060 = vector.extract_strided_slice %dot_general3A_5 {offsets = [0, 512], sizes = [128, 256], strides = [1, 1]} : vector<128x2304xf32> to vector<128x256xf32>
    %get3A_1061 = arith.constant 19 : index
    %get3A_1062 = arith.constant 0 : index
    %get3A_1063 = vector.load %arg3[%get3A_1061, %get3A_1062] : memref<144x256xf32, #tpu.memory_space<vmem>>, vector<1x256xf32>
    %get3A_1064 = vector.shape_cast %get3A_1063 : vector<1x256xf32> to vector<256xf32>
    %get3A_1065 = arith.constant 19 : index
    %get3A_1066 = arith.constant 0 : index
    %get3A_1067 = vector.load %arg4[%get3A_1065, %get3A_1066] : memref<144x256xf32, #tpu.memory_space<vmem>>, vector<1x256xf32>
    %get3A_1068 = vector.shape_cast %get3A_1067 : vector<1x256xf32> to vector<256xf32>
    %get3A_1069 = arith.constant 91 : index
    %get3A_1070 = arith.constant 0 : index
    %get3A_1071 = vector.load %arg3[%get3A_1069, %get3A_1070] : memref<144x256xf32, #tpu.memory_space<vmem>>, vector<1x256xf32>
    %get3A_1072 = vector.shape_cast %get3A_1071 : vector<1x256xf32> to vector<256xf32>
    %get3A_1073 = arith.constant 91 : index
    %get3A_1074 = arith.constant 0 : index
    %get3A_1075 = vector.load %arg4[%get3A_1073, %get3A_1074] : memref<144x256xf32, #tpu.memory_space<vmem>>, vector<1x256xf32>
    %get3A_1076 = vector.shape_cast %get3A_1075 : vector<1x256xf32> to vector<256xf32>
    %sub3A_1077 = arith.subf %get3A_1072, %get3A_1064 : vector<256xf32>
    %broadcast_in_dim3A_1078 = vector.shape_cast %sub3A_1077 : vector<256xf32> to vector<1x256xf32>
    %mul3A_1079 = vector.broadcast %broadcast_in_dim3A_1078 : vector<1x256xf32> to vector<128x256xf32>
    %mul3A_1080 = arith.mulf %slice3A_1060, %mul3A_1079 : vector<128x256xf32>
    %broadcast_in_dim3A_1081 = vector.shape_cast %get3A_1064 : vector<256xf32> to vector<1x256xf32>
    %add3A_1082 = vector.broadcast %broadcast_in_dim3A_1081 : vector<1x256xf32> to vector<128x256xf32>
    %add3A_1083 = arith.addf %add3A_1082, %mul3A_1080 : vector<128x256xf32>
    %sub3A_1084 = arith.subf %get3A_1076, %get3A_1068 : vector<256xf32>
    %broadcast_in_dim3A_1085 = vector.shape_cast %sub3A_1084 : vector<256xf32> to vector<1x256xf32>
    %mul3A_1086 = vector.broadcast %broadcast_in_dim3A_1085 : vector<1x256xf32> to vector<128x256xf32>
    %mul3A_1087 = arith.mulf %slice3A_1060, %mul3A_1086 : vector<128x256xf32>
    %broadcast_in_dim3A_1088 = vector.shape_cast %get3A_1068 : vector<256xf32> to vector<1x256xf32>
    %add3A_1089 = vector.broadcast %broadcast_in_dim3A_1088 : vector<1x256xf32> to vector<128x256xf32>
    %add3A_1090 = arith.addf %add3A_1089, %mul3A_1087 : vector<128x256xf32>
    %mul3A_1091 = arith.mulf %sub3A_1056, %add3A_1083 : vector<128x256xf32>
    %mul3A_1092 = arith.mulf %add3A_1059, %add3A_1090 : vector<128x256xf32>
    %sub3A_1093 = arith.subf %mul3A_1091, %mul3A_1092 : vector<128x256xf32>
    %mul3A_1094 = arith.mulf %sub3A_1056, %add3A_1090 : vector<128x256xf32>
    %mul3A_1095 = arith.mulf %add3A_1059, %add3A_1083 : vector<128x256xf32>
    %add3A_1096 = arith.addf %mul3A_1094, %mul3A_1095 : vector<128x256xf32>
    %slice3A_1097 = vector.extract_strided_slice %dot_general3A_5 {offsets = [0, 768], sizes = [128, 256], strides = [1, 1]} : vector<128x2304xf32> to vector<128x256xf32>
    %get3A_1098 = arith.constant 27 : index
    %get3A_1099 = arith.constant 0 : index
    %get3A_1100 = vector.load %arg3[%get3A_1098, %get3A_1099] : memref<144x256xf32, #tpu.memory_space<vmem>>, vector<1x256xf32>
    %get3A_1101 = vector.shape_cast %get3A_1100 : vector<1x256xf32> to vector<256xf32>
    %get3A_1102 = arith.constant 27 : index
    %get3A_1103 = arith.constant 0 : index
    %get3A_1104 = vector.load %arg4[%get3A_1102, %get3A_1103] : memref<144x256xf32, #tpu.memory_space<vmem>>, vector<1x256xf32>
    %get3A_1105 = vector.shape_cast %get3A_1104 : vector<1x256xf32> to vector<256xf32>
    %get3A_1106 = arith.constant 99 : index
    %get3A_1107 = arith.constant 0 : index
    %get3A_1108 = vector.load %arg3[%get3A_1106, %get3A_1107] : memref<144x256xf32, #tpu.memory_space<vmem>>, vector<1x256xf32>
    %get3A_1109 = vector.shape_cast %get3A_1108 : vector<1x256xf32> to vector<256xf32>
    %get3A_1110 = arith.constant 99 : index
    %get3A_1111 = arith.constant 0 : index
    %get3A_1112 = vector.load %arg4[%get3A_1110, %get3A_1111] : memref<144x256xf32, #tpu.memory_space<vmem>>, vector<1x256xf32>
    %get3A_1113 = vector.shape_cast %get3A_1112 : vector<1x256xf32> to vector<256xf32>
    %sub3A_1114 = arith.subf %get3A_1109, %get3A_1101 : vector<256xf32>
    %broadcast_in_dim3A_1115 = vector.shape_cast %sub3A_1114 : vector<256xf32> to vector<1x256xf32>
    %mul3A_1116 = vector.broadcast %broadcast_in_dim3A_1115 : vector<1x256xf32> to vector<128x256xf32>
    %mul3A_1117 = arith.mulf %slice3A_1097, %mul3A_1116 : vector<128x256xf32>
    %broadcast_in_dim3A_1118 = vector.shape_cast %get3A_1101 : vector<256xf32> to vector<1x256xf32>
    %add3A_1119 = vector.broadcast %broadcast_in_dim3A_1118 : vector<1x256xf32> to vector<128x256xf32>
    %add3A_1120 = arith.addf %add3A_1119, %mul3A_1117 : vector<128x256xf32>
    %sub3A_1121 = arith.subf %get3A_1113, %get3A_1105 : vector<256xf32>
    %broadcast_in_dim3A_1122 = vector.shape_cast %sub3A_1121 : vector<256xf32> to vector<1x256xf32>
    %mul3A_1123 = vector.broadcast %broadcast_in_dim3A_1122 : vector<1x256xf32> to vector<128x256xf32>
    %mul3A_1124 = arith.mulf %slice3A_1097, %mul3A_1123 : vector<128x256xf32>
    %broadcast_in_dim3A_1125 = vector.shape_cast %get3A_1105 : vector<256xf32> to vector<1x256xf32>
    %add3A_1126 = vector.broadcast %broadcast_in_dim3A_1125 : vector<1x256xf32> to vector<128x256xf32>
    %add3A_1127 = arith.addf %add3A_1126, %mul3A_1124 : vector<128x256xf32>
    %mul3A_1128 = arith.mulf %sub3A_1093, %add3A_1120 : vector<128x256xf32>
    %mul3A_1129 = arith.mulf %add3A_1096, %add3A_1127 : vector<128x256xf32>
    %sub3A_1130 = arith.subf %mul3A_1128, %mul3A_1129 : vector<128x256xf32>
    %mul3A_1131 = arith.mulf %sub3A_1093, %add3A_1127 : vector<128x256xf32>
    %mul3A_1132 = arith.mulf %add3A_1096, %add3A_1120 : vector<128x256xf32>
    %add3A_1133 = arith.addf %mul3A_1131, %mul3A_1132 : vector<128x256xf32>
    %slice3A_1134 = vector.extract_strided_slice %dot_general3A_5 {offsets = [0, 1024], sizes = [128, 256], strides = [1, 1]} : vector<128x2304xf32> to vector<128x256xf32>
    %get3A_1135 = arith.constant 35 : index
    %get3A_1136 = arith.constant 0 : index
    %get3A_1137 = vector.load %arg3[%get3A_1135, %get3A_1136] : memref<144x256xf32, #tpu.memory_space<vmem>>, vector<1x256xf32>
    %get3A_1138 = vector.shape_cast %get3A_1137 : vector<1x256xf32> to vector<256xf32>
    %get3A_1139 = arith.constant 35 : index
    %get3A_1140 = arith.constant 0 : index
    %get3A_1141 = vector.load %arg4[%get3A_1139, %get3A_1140] : memref<144x256xf32, #tpu.memory_space<vmem>>, vector<1x256xf32>
    %get3A_1142 = vector.shape_cast %get3A_1141 : vector<1x256xf32> to vector<256xf32>
    %get3A_1143 = arith.constant 107 : index
    %get3A_1144 = arith.constant 0 : index
    %get3A_1145 = vector.load %arg3[%get3A_1143, %get3A_1144] : memref<144x256xf32, #tpu.memory_space<vmem>>, vector<1x256xf32>
    %get3A_1146 = vector.shape_cast %get3A_1145 : vector<1x256xf32> to vector<256xf32>
    %get3A_1147 = arith.constant 107 : index
    %get3A_1148 = arith.constant 0 : index
    %get3A_1149 = vector.load %arg4[%get3A_1147, %get3A_1148] : memref<144x256xf32, #tpu.memory_space<vmem>>, vector<1x256xf32>
    %get3A_1150 = vector.shape_cast %get3A_1149 : vector<1x256xf32> to vector<256xf32>
    %sub3A_1151 = arith.subf %get3A_1146, %get3A_1138 : vector<256xf32>
    %broadcast_in_dim3A_1152 = vector.shape_cast %sub3A_1151 : vector<256xf32> to vector<1x256xf32>
    %mul3A_1153 = vector.broadcast %broadcast_in_dim3A_1152 : vector<1x256xf32> to vector<128x256xf32>
    %mul3A_1154 = arith.mulf %slice3A_1134, %mul3A_1153 : vector<128x256xf32>
    %broadcast_in_dim3A_1155 = vector.shape_cast %get3A_1138 : vector<256xf32> to vector<1x256xf32>
    %add3A_1156 = vector.broadcast %broadcast_in_dim3A_1155 : vector<1x256xf32> to vector<128x256xf32>
    %add3A_1157 = arith.addf %add3A_1156, %mul3A_1154 : vector<128x256xf32>
    %sub3A_1158 = arith.subf %get3A_1150, %get3A_1142 : vector<256xf32>
    %broadcast_in_dim3A_1159 = vector.shape_cast %sub3A_1158 : vector<256xf32> to vector<1x256xf32>
    %mul3A_1160 = vector.broadcast %broadcast_in_dim3A_1159 : vector<1x256xf32> to vector<128x256xf32>
    %mul3A_1161 = arith.mulf %slice3A_1134, %mul3A_1160 : vector<128x256xf32>
    %broadcast_in_dim3A_1162 = vector.shape_cast %get3A_1142 : vector<256xf32> to vector<1x256xf32>
    %add3A_1163 = vector.broadcast %broadcast_in_dim3A_1162 : vector<1x256xf32> to vector<128x256xf32>
    %add3A_1164 = arith.addf %add3A_1163, %mul3A_1161 : vector<128x256xf32>
    %mul3A_1165 = arith.mulf %sub3A_1130, %add3A_1157 : vector<128x256xf32>
    %mul3A_1166 = arith.mulf %add3A_1133, %add3A_1164 : vector<128x256xf32>
    %sub3A_1167 = arith.subf %mul3A_1165, %mul3A_1166 : vector<128x256xf32>
    %mul3A_1168 = arith.mulf %sub3A_1130, %add3A_1164 : vector<128x256xf32>
    %mul3A_1169 = arith.mulf %add3A_1133, %add3A_1157 : vector<128x256xf32>
    %add3A_1170 = arith.addf %mul3A_1168, %mul3A_1169 : vector<128x256xf32>
    %slice3A_1171 = vector.extract_strided_slice %dot_general3A_5 {offsets = [0, 1280], sizes = [128, 256], strides = [1, 1]} : vector<128x2304xf32> to vector<128x256xf32>
    %get3A_1172 = arith.constant 43 : index
    %get3A_1173 = arith.constant 0 : index
    %get3A_1174 = vector.load %arg3[%get3A_1172, %get3A_1173] : memref<144x256xf32, #tpu.memory_space<vmem>>, vector<1x256xf32>
    %get3A_1175 = vector.shape_cast %get3A_1174 : vector<1x256xf32> to vector<256xf32>
    %get3A_1176 = arith.constant 43 : index
    %get3A_1177 = arith.constant 0 : index
    %get3A_1178 = vector.load %arg4[%get3A_1176, %get3A_1177] : memref<144x256xf32, #tpu.memory_space<vmem>>, vector<1x256xf32>
    %get3A_1179 = vector.shape_cast %get3A_1178 : vector<1x256xf32> to vector<256xf32>
    %get3A_1180 = arith.constant 115 : index
    %get3A_1181 = arith.constant 0 : index
    %get3A_1182 = vector.load %arg3[%get3A_1180, %get3A_1181] : memref<144x256xf32, #tpu.memory_space<vmem>>, vector<1x256xf32>
    %get3A_1183 = vector.shape_cast %get3A_1182 : vector<1x256xf32> to vector<256xf32>
    %get3A_1184 = arith.constant 115 : index
    %get3A_1185 = arith.constant 0 : index
    %get3A_1186 = vector.load %arg4[%get3A_1184, %get3A_1185] : memref<144x256xf32, #tpu.memory_space<vmem>>, vector<1x256xf32>
    %get3A_1187 = vector.shape_cast %get3A_1186 : vector<1x256xf32> to vector<256xf32>
    %sub3A_1188 = arith.subf %get3A_1183, %get3A_1175 : vector<256xf32>
    %broadcast_in_dim3A_1189 = vector.shape_cast %sub3A_1188 : vector<256xf32> to vector<1x256xf32>
    %mul3A_1190 = vector.broadcast %broadcast_in_dim3A_1189 : vector<1x256xf32> to vector<128x256xf32>
    %mul3A_1191 = arith.mulf %slice3A_1171, %mul3A_1190 : vector<128x256xf32>
    %broadcast_in_dim3A_1192 = vector.shape_cast %get3A_1175 : vector<256xf32> to vector<1x256xf32>
    %add3A_1193 = vector.broadcast %broadcast_in_dim3A_1192 : vector<1x256xf32> to vector<128x256xf32>
    %add3A_1194 = arith.addf %add3A_1193, %mul3A_1191 : vector<128x256xf32>
    %sub3A_1195 = arith.subf %get3A_1187, %get3A_1179 : vector<256xf32>
    %broadcast_in_dim3A_1196 = vector.shape_cast %sub3A_1195 : vector<256xf32> to vector<1x256xf32>
    %mul3A_1197 = vector.broadcast %broadcast_in_dim3A_1196 : vector<1x256xf32> to vector<128x256xf32>
    %mul3A_1198 = arith.mulf %slice3A_1171, %mul3A_1197 : vector<128x256xf32>
    %broadcast_in_dim3A_1199 = vector.shape_cast %get3A_1179 : vector<256xf32> to vector<1x256xf32>
    %add3A_1200 = vector.broadcast %broadcast_in_dim3A_1199 : vector<1x256xf32> to vector<128x256xf32>
    %add3A_1201 = arith.addf %add3A_1200, %mul3A_1198 : vector<128x256xf32>
    %mul3A_1202 = arith.mulf %sub3A_1167, %add3A_1194 : vector<128x256xf32>
    %mul3A_1203 = arith.mulf %add3A_1170, %add3A_1201 : vector<128x256xf32>
    %sub3A_1204 = arith.subf %mul3A_1202, %mul3A_1203 : vector<128x256xf32>
    %mul3A_1205 = arith.mulf %sub3A_1167, %add3A_1201 : vector<128x256xf32>
    %mul3A_1206 = arith.mulf %add3A_1170, %add3A_1194 : vector<128x256xf32>
    %add3A_1207 = arith.addf %mul3A_1205, %mul3A_1206 : vector<128x256xf32>
    %slice3A_1208 = vector.extract_strided_slice %dot_general3A_5 {offsets = [0, 1536], sizes = [128, 256], strides = [1, 1]} : vector<128x2304xf32> to vector<128x256xf32>
    %get3A_1209 = arith.constant 51 : index
    %get3A_1210 = arith.constant 0 : index
    %get3A_1211 = vector.load %arg3[%get3A_1209, %get3A_1210] : memref<144x256xf32, #tpu.memory_space<vmem>>, vector<1x256xf32>
    %get3A_1212 = vector.shape_cast %get3A_1211 : vector<1x256xf32> to vector<256xf32>
    %get3A_1213 = arith.constant 51 : index
    %get3A_1214 = arith.constant 0 : index
    %get3A_1215 = vector.load %arg4[%get3A_1213, %get3A_1214] : memref<144x256xf32, #tpu.memory_space<vmem>>, vector<1x256xf32>
    %get3A_1216 = vector.shape_cast %get3A_1215 : vector<1x256xf32> to vector<256xf32>
    %get3A_1217 = arith.constant 123 : index
    %get3A_1218 = arith.constant 0 : index
    %get3A_1219 = vector.load %arg3[%get3A_1217, %get3A_1218] : memref<144x256xf32, #tpu.memory_space<vmem>>, vector<1x256xf32>
    %get3A_1220 = vector.shape_cast %get3A_1219 : vector<1x256xf32> to vector<256xf32>
    %get3A_1221 = arith.constant 123 : index
    %get3A_1222 = arith.constant 0 : index
    %get3A_1223 = vector.load %arg4[%get3A_1221, %get3A_1222] : memref<144x256xf32, #tpu.memory_space<vmem>>, vector<1x256xf32>
    %get3A_1224 = vector.shape_cast %get3A_1223 : vector<1x256xf32> to vector<256xf32>
    %sub3A_1225 = arith.subf %get3A_1220, %get3A_1212 : vector<256xf32>
    %broadcast_in_dim3A_1226 = vector.shape_cast %sub3A_1225 : vector<256xf32> to vector<1x256xf32>
    %mul3A_1227 = vector.broadcast %broadcast_in_dim3A_1226 : vector<1x256xf32> to vector<128x256xf32>
    %mul3A_1228 = arith.mulf %slice3A_1208, %mul3A_1227 : vector<128x256xf32>
    %broadcast_in_dim3A_1229 = vector.shape_cast %get3A_1212 : vector<256xf32> to vector<1x256xf32>
    %add3A_1230 = vector.broadcast %broadcast_in_dim3A_1229 : vector<1x256xf32> to vector<128x256xf32>
    %add3A_1231 = arith.addf %add3A_1230, %mul3A_1228 : vector<128x256xf32>
    %sub3A_1232 = arith.subf %get3A_1224, %get3A_1216 : vector<256xf32>
    %broadcast_in_dim3A_1233 = vector.shape_cast %sub3A_1232 : vector<256xf32> to vector<1x256xf32>
    %mul3A_1234 = vector.broadcast %broadcast_in_dim3A_1233 : vector<1x256xf32> to vector<128x256xf32>
    %mul3A_1235 = arith.mulf %slice3A_1208, %mul3A_1234 : vector<128x256xf32>
    %broadcast_in_dim3A_1236 = vector.shape_cast %get3A_1216 : vector<256xf32> to vector<1x256xf32>
    %add3A_1237 = vector.broadcast %broadcast_in_dim3A_1236 : vector<1x256xf32> to vector<128x256xf32>
    %add3A_1238 = arith.addf %add3A_1237, %mul3A_1235 : vector<128x256xf32>
    %mul3A_1239 = arith.mulf %sub3A_1204, %add3A_1231 : vector<128x256xf32>
    %mul3A_1240 = arith.mulf %add3A_1207, %add3A_1238 : vector<128x256xf32>
    %sub3A_1241 = arith.subf %mul3A_1239, %mul3A_1240 : vector<128x256xf32>
    %mul3A_1242 = arith.mulf %sub3A_1204, %add3A_1238 : vector<128x256xf32>
    %mul3A_1243 = arith.mulf %add3A_1207, %add3A_1231 : vector<128x256xf32>
    %add3A_1244 = arith.addf %mul3A_1242, %mul3A_1243 : vector<128x256xf32>
    %slice3A_1245 = vector.extract_strided_slice %dot_general3A_5 {offsets = [0, 1792], sizes = [128, 256], strides = [1, 1]} : vector<128x2304xf32> to vector<128x256xf32>
    %get3A_1246 = arith.constant 59 : index
    %get3A_1247 = arith.constant 0 : index
    %get3A_1248 = vector.load %arg3[%get3A_1246, %get3A_1247] : memref<144x256xf32, #tpu.memory_space<vmem>>, vector<1x256xf32>
    %get3A_1249 = vector.shape_cast %get3A_1248 : vector<1x256xf32> to vector<256xf32>
    %get3A_1250 = arith.constant 59 : index
    %get3A_1251 = arith.constant 0 : index
    %get3A_1252 = vector.load %arg4[%get3A_1250, %get3A_1251] : memref<144x256xf32, #tpu.memory_space<vmem>>, vector<1x256xf32>
    %get3A_1253 = vector.shape_cast %get3A_1252 : vector<1x256xf32> to vector<256xf32>
    %get3A_1254 = arith.constant 131 : index
    %get3A_1255 = arith.constant 0 : index
    %get3A_1256 = vector.load %arg3[%get3A_1254, %get3A_1255] : memref<144x256xf32, #tpu.memory_space<vmem>>, vector<1x256xf32>
    %get3A_1257 = vector.shape_cast %get3A_1256 : vector<1x256xf32> to vector<256xf32>
    %get3A_1258 = arith.constant 131 : index
    %get3A_1259 = arith.constant 0 : index
    %get3A_1260 = vector.load %arg4[%get3A_1258, %get3A_1259] : memref<144x256xf32, #tpu.memory_space<vmem>>, vector<1x256xf32>
    %get3A_1261 = vector.shape_cast %get3A_1260 : vector<1x256xf32> to vector<256xf32>
    %sub3A_1262 = arith.subf %get3A_1257, %get3A_1249 : vector<256xf32>
    %broadcast_in_dim3A_1263 = vector.shape_cast %sub3A_1262 : vector<256xf32> to vector<1x256xf32>
    %mul3A_1264 = vector.broadcast %broadcast_in_dim3A_1263 : vector<1x256xf32> to vector<128x256xf32>
    %mul3A_1265 = arith.mulf %slice3A_1245, %mul3A_1264 : vector<128x256xf32>
    %broadcast_in_dim3A_1266 = vector.shape_cast %get3A_1249 : vector<256xf32> to vector<1x256xf32>
    %add3A_1267 = vector.broadcast %broadcast_in_dim3A_1266 : vector<1x256xf32> to vector<128x256xf32>
    %add3A_1268 = arith.addf %add3A_1267, %mul3A_1265 : vector<128x256xf32>
    %sub3A_1269 = arith.subf %get3A_1261, %get3A_1253 : vector<256xf32>
    %broadcast_in_dim3A_1270 = vector.shape_cast %sub3A_1269 : vector<256xf32> to vector<1x256xf32>
    %mul3A_1271 = vector.broadcast %broadcast_in_dim3A_1270 : vector<1x256xf32> to vector<128x256xf32>
    %mul3A_1272 = arith.mulf %slice3A_1245, %mul3A_1271 : vector<128x256xf32>
    %broadcast_in_dim3A_1273 = vector.shape_cast %get3A_1253 : vector<256xf32> to vector<1x256xf32>
    %add3A_1274 = vector.broadcast %broadcast_in_dim3A_1273 : vector<1x256xf32> to vector<128x256xf32>
    %add3A_1275 = arith.addf %add3A_1274, %mul3A_1272 : vector<128x256xf32>
    %mul3A_1276 = arith.mulf %sub3A_1241, %add3A_1268 : vector<128x256xf32>
    %mul3A_1277 = arith.mulf %add3A_1244, %add3A_1275 : vector<128x256xf32>
    %sub3A_1278 = arith.subf %mul3A_1276, %mul3A_1277 : vector<128x256xf32>
    %mul3A_1279 = arith.mulf %sub3A_1241, %add3A_1275 : vector<128x256xf32>
    %mul3A_1280 = arith.mulf %add3A_1244, %add3A_1268 : vector<128x256xf32>
    %add3A_1281 = arith.addf %mul3A_1279, %mul3A_1280 : vector<128x256xf32>
    %slice3A_1282 = vector.extract_strided_slice %dot_general3A_5 {offsets = [0, 2048], sizes = [128, 256], strides = [1, 1]} : vector<128x2304xf32> to vector<128x256xf32>
    %get3A_1283 = arith.constant 67 : index
    %get3A_1284 = arith.constant 0 : index
    %get3A_1285 = vector.load %arg3[%get3A_1283, %get3A_1284] : memref<144x256xf32, #tpu.memory_space<vmem>>, vector<1x256xf32>
    %get3A_1286 = vector.shape_cast %get3A_1285 : vector<1x256xf32> to vector<256xf32>
    %get3A_1287 = arith.constant 67 : index
    %get3A_1288 = arith.constant 0 : index
    %get3A_1289 = vector.load %arg4[%get3A_1287, %get3A_1288] : memref<144x256xf32, #tpu.memory_space<vmem>>, vector<1x256xf32>
    %get3A_1290 = vector.shape_cast %get3A_1289 : vector<1x256xf32> to vector<256xf32>
    %get3A_1291 = arith.constant 139 : index
    %get3A_1292 = arith.constant 0 : index
    %get3A_1293 = vector.load %arg3[%get3A_1291, %get3A_1292] : memref<144x256xf32, #tpu.memory_space<vmem>>, vector<1x256xf32>
    %get3A_1294 = vector.shape_cast %get3A_1293 : vector<1x256xf32> to vector<256xf32>
    %get3A_1295 = arith.constant 139 : index
    %get3A_1296 = arith.constant 0 : index
    %get3A_1297 = vector.load %arg4[%get3A_1295, %get3A_1296] : memref<144x256xf32, #tpu.memory_space<vmem>>, vector<1x256xf32>
    %get3A_1298 = vector.shape_cast %get3A_1297 : vector<1x256xf32> to vector<256xf32>
    %sub3A_1299 = arith.subf %get3A_1294, %get3A_1286 : vector<256xf32>
    %broadcast_in_dim3A_1300 = vector.shape_cast %sub3A_1299 : vector<256xf32> to vector<1x256xf32>
    %mul3A_1301 = vector.broadcast %broadcast_in_dim3A_1300 : vector<1x256xf32> to vector<128x256xf32>
    %mul3A_1302 = arith.mulf %slice3A_1282, %mul3A_1301 : vector<128x256xf32>
    %broadcast_in_dim3A_1303 = vector.shape_cast %get3A_1286 : vector<256xf32> to vector<1x256xf32>
    %add3A_1304 = vector.broadcast %broadcast_in_dim3A_1303 : vector<1x256xf32> to vector<128x256xf32>
    %add3A_1305 = arith.addf %add3A_1304, %mul3A_1302 : vector<128x256xf32>
    %sub3A_1306 = arith.subf %get3A_1298, %get3A_1290 : vector<256xf32>
    %broadcast_in_dim3A_1307 = vector.shape_cast %sub3A_1306 : vector<256xf32> to vector<1x256xf32>
    %mul3A_1308 = vector.broadcast %broadcast_in_dim3A_1307 : vector<1x256xf32> to vector<128x256xf32>
    %mul3A_1309 = arith.mulf %slice3A_1282, %mul3A_1308 : vector<128x256xf32>
    %broadcast_in_dim3A_1310 = vector.shape_cast %get3A_1290 : vector<256xf32> to vector<1x256xf32>
    %add3A_1311 = vector.broadcast %broadcast_in_dim3A_1310 : vector<1x256xf32> to vector<128x256xf32>
    %add3A_1312 = arith.addf %add3A_1311, %mul3A_1309 : vector<128x256xf32>
    %mul3A_1313 = arith.mulf %sub3A_1278, %add3A_1305 : vector<128x256xf32>
    %mul3A_1314 = arith.mulf %add3A_1281, %add3A_1312 : vector<128x256xf32>
    %sub3A_1315 = arith.subf %mul3A_1313, %mul3A_1314 : vector<128x256xf32>
    %mul3A_1316 = arith.mulf %sub3A_1278, %add3A_1312 : vector<128x256xf32>
    %mul3A_1317 = arith.mulf %add3A_1281, %add3A_1305 : vector<128x256xf32>
    %add3A_1318 = arith.addf %mul3A_1316, %mul3A_1317 : vector<128x256xf32>
    %add3A_1319 = arith.addf %add3A_990, %sub3A_1315 : vector<128x256xf32>
    %add3A_1320 = arith.addf %add3A_991, %add3A_1318 : vector<128x256xf32>
    %slice3A_1321 = vector.extract_strided_slice %dot_general3A_5 {offsets = [0, 0], sizes = [128, 256], strides = [1, 1]} : vector<128x2304xf32> to vector<128x256xf32>
    %get3A_1322 = arith.constant 4 : index
    %get3A_1323 = arith.constant 0 : index
    %get3A_1324 = vector.load %arg3[%get3A_1322, %get3A_1323] : memref<144x256xf32, #tpu.memory_space<vmem>>, vector<1x256xf32>
    %get3A_1325 = vector.shape_cast %get3A_1324 : vector<1x256xf32> to vector<256xf32>
    %get3A_1326 = arith.constant 4 : index
    %get3A_1327 = arith.constant 0 : index
    %get3A_1328 = vector.load %arg4[%get3A_1326, %get3A_1327] : memref<144x256xf32, #tpu.memory_space<vmem>>, vector<1x256xf32>
    %get3A_1329 = vector.shape_cast %get3A_1328 : vector<1x256xf32> to vector<256xf32>
    %get3A_1330 = arith.constant 76 : index
    %get3A_1331 = arith.constant 0 : index
    %get3A_1332 = vector.load %arg3[%get3A_1330, %get3A_1331] : memref<144x256xf32, #tpu.memory_space<vmem>>, vector<1x256xf32>
    %get3A_1333 = vector.shape_cast %get3A_1332 : vector<1x256xf32> to vector<256xf32>
    %get3A_1334 = arith.constant 76 : index
    %get3A_1335 = arith.constant 0 : index
    %get3A_1336 = vector.load %arg4[%get3A_1334, %get3A_1335] : memref<144x256xf32, #tpu.memory_space<vmem>>, vector<1x256xf32>
    %get3A_1337 = vector.shape_cast %get3A_1336 : vector<1x256xf32> to vector<256xf32>
    %sub3A_1338 = arith.subf %get3A_1333, %get3A_1325 : vector<256xf32>
    %broadcast_in_dim3A_1339 = vector.shape_cast %sub3A_1338 : vector<256xf32> to vector<1x256xf32>
    %mul3A_1340 = vector.broadcast %broadcast_in_dim3A_1339 : vector<1x256xf32> to vector<128x256xf32>
    %mul3A_1341 = arith.mulf %slice3A_1321, %mul3A_1340 : vector<128x256xf32>
    %broadcast_in_dim3A_1342 = vector.shape_cast %get3A_1325 : vector<256xf32> to vector<1x256xf32>
    %add3A_1343 = vector.broadcast %broadcast_in_dim3A_1342 : vector<1x256xf32> to vector<128x256xf32>
    %add3A_1344 = arith.addf %add3A_1343, %mul3A_1341 : vector<128x256xf32>
    %sub3A_1345 = arith.subf %get3A_1337, %get3A_1329 : vector<256xf32>
    %broadcast_in_dim3A_1346 = vector.shape_cast %sub3A_1345 : vector<256xf32> to vector<1x256xf32>
    %mul3A_1347 = vector.broadcast %broadcast_in_dim3A_1346 : vector<1x256xf32> to vector<128x256xf32>
    %mul3A_1348 = arith.mulf %slice3A_1321, %mul3A_1347 : vector<128x256xf32>
    %broadcast_in_dim3A_1349 = vector.shape_cast %get3A_1329 : vector<256xf32> to vector<1x256xf32>
    %add3A_1350 = vector.broadcast %broadcast_in_dim3A_1349 : vector<1x256xf32> to vector<128x256xf32>
    %add3A_1351 = arith.addf %add3A_1350, %mul3A_1348 : vector<128x256xf32>
    %slice3A_1352 = vector.extract_strided_slice %dot_general3A_5 {offsets = [0, 256], sizes = [128, 256], strides = [1, 1]} : vector<128x2304xf32> to vector<128x256xf32>
    %get3A_1353 = arith.constant 12 : index
    %get3A_1354 = arith.constant 0 : index
    %get3A_1355 = vector.load %arg3[%get3A_1353, %get3A_1354] : memref<144x256xf32, #tpu.memory_space<vmem>>, vector<1x256xf32>
    %get3A_1356 = vector.shape_cast %get3A_1355 : vector<1x256xf32> to vector<256xf32>
    %get3A_1357 = arith.constant 12 : index
    %get3A_1358 = arith.constant 0 : index
    %get3A_1359 = vector.load %arg4[%get3A_1357, %get3A_1358] : memref<144x256xf32, #tpu.memory_space<vmem>>, vector<1x256xf32>
    %get3A_1360 = vector.shape_cast %get3A_1359 : vector<1x256xf32> to vector<256xf32>
    %get3A_1361 = arith.constant 84 : index
    %get3A_1362 = arith.constant 0 : index
    %get3A_1363 = vector.load %arg3[%get3A_1361, %get3A_1362] : memref<144x256xf32, #tpu.memory_space<vmem>>, vector<1x256xf32>
    %get3A_1364 = vector.shape_cast %get3A_1363 : vector<1x256xf32> to vector<256xf32>
    %get3A_1365 = arith.constant 84 : index
    %get3A_1366 = arith.constant 0 : index
    %get3A_1367 = vector.load %arg4[%get3A_1365, %get3A_1366] : memref<144x256xf32, #tpu.memory_space<vmem>>, vector<1x256xf32>
    %get3A_1368 = vector.shape_cast %get3A_1367 : vector<1x256xf32> to vector<256xf32>
    %sub3A_1369 = arith.subf %get3A_1364, %get3A_1356 : vector<256xf32>
    %broadcast_in_dim3A_1370 = vector.shape_cast %sub3A_1369 : vector<256xf32> to vector<1x256xf32>
    %mul3A_1371 = vector.broadcast %broadcast_in_dim3A_1370 : vector<1x256xf32> to vector<128x256xf32>
    %mul3A_1372 = arith.mulf %slice3A_1352, %mul3A_1371 : vector<128x256xf32>
    %broadcast_in_dim3A_1373 = vector.shape_cast %get3A_1356 : vector<256xf32> to vector<1x256xf32>
    %add3A_1374 = vector.broadcast %broadcast_in_dim3A_1373 : vector<1x256xf32> to vector<128x256xf32>
    %add3A_1375 = arith.addf %add3A_1374, %mul3A_1372 : vector<128x256xf32>
    %sub3A_1376 = arith.subf %get3A_1368, %get3A_1360 : vector<256xf32>
    %broadcast_in_dim3A_1377 = vector.shape_cast %sub3A_1376 : vector<256xf32> to vector<1x256xf32>
    %mul3A_1378 = vector.broadcast %broadcast_in_dim3A_1377 : vector<1x256xf32> to vector<128x256xf32>
    %mul3A_1379 = arith.mulf %slice3A_1352, %mul3A_1378 : vector<128x256xf32>
    %broadcast_in_dim3A_1380 = vector.shape_cast %get3A_1360 : vector<256xf32> to vector<1x256xf32>
    %add3A_1381 = vector.broadcast %broadcast_in_dim3A_1380 : vector<1x256xf32> to vector<128x256xf32>
    %add3A_1382 = arith.addf %add3A_1381, %mul3A_1379 : vector<128x256xf32>
    %mul3A_1383 = arith.mulf %add3A_1344, %add3A_1375 : vector<128x256xf32>
    %mul3A_1384 = arith.mulf %add3A_1351, %add3A_1382 : vector<128x256xf32>
    %sub3A_1385 = arith.subf %mul3A_1383, %mul3A_1384 : vector<128x256xf32>
    %mul3A_1386 = arith.mulf %add3A_1344, %add3A_1382 : vector<128x256xf32>
    %mul3A_1387 = arith.mulf %add3A_1351, %add3A_1375 : vector<128x256xf32>
    %add3A_1388 = arith.addf %mul3A_1386, %mul3A_1387 : vector<128x256xf32>
    %slice3A_1389 = vector.extract_strided_slice %dot_general3A_5 {offsets = [0, 512], sizes = [128, 256], strides = [1, 1]} : vector<128x2304xf32> to vector<128x256xf32>
    %get3A_1390 = arith.constant 20 : index
    %get3A_1391 = arith.constant 0 : index
    %get3A_1392 = vector.load %arg3[%get3A_1390, %get3A_1391] : memref<144x256xf32, #tpu.memory_space<vmem>>, vector<1x256xf32>
    %get3A_1393 = vector.shape_cast %get3A_1392 : vector<1x256xf32> to vector<256xf32>
    %get3A_1394 = arith.constant 20 : index
    %get3A_1395 = arith.constant 0 : index
    %get3A_1396 = vector.load %arg4[%get3A_1394, %get3A_1395] : memref<144x256xf32, #tpu.memory_space<vmem>>, vector<1x256xf32>
    %get3A_1397 = vector.shape_cast %get3A_1396 : vector<1x256xf32> to vector<256xf32>
    %get3A_1398 = arith.constant 92 : index
    %get3A_1399 = arith.constant 0 : index
    %get3A_1400 = vector.load %arg3[%get3A_1398, %get3A_1399] : memref<144x256xf32, #tpu.memory_space<vmem>>, vector<1x256xf32>
    %get3A_1401 = vector.shape_cast %get3A_1400 : vector<1x256xf32> to vector<256xf32>
    %get3A_1402 = arith.constant 92 : index
    %get3A_1403 = arith.constant 0 : index
    %get3A_1404 = vector.load %arg4[%get3A_1402, %get3A_1403] : memref<144x256xf32, #tpu.memory_space<vmem>>, vector<1x256xf32>
    %get3A_1405 = vector.shape_cast %get3A_1404 : vector<1x256xf32> to vector<256xf32>
    %sub3A_1406 = arith.subf %get3A_1401, %get3A_1393 : vector<256xf32>
    %broadcast_in_dim3A_1407 = vector.shape_cast %sub3A_1406 : vector<256xf32> to vector<1x256xf32>
    %mul3A_1408 = vector.broadcast %broadcast_in_dim3A_1407 : vector<1x256xf32> to vector<128x256xf32>
    %mul3A_1409 = arith.mulf %slice3A_1389, %mul3A_1408 : vector<128x256xf32>
    %broadcast_in_dim3A_1410 = vector.shape_cast %get3A_1393 : vector<256xf32> to vector<1x256xf32>
    %add3A_1411 = vector.broadcast %broadcast_in_dim3A_1410 : vector<1x256xf32> to vector<128x256xf32>
    %add3A_1412 = arith.addf %add3A_1411, %mul3A_1409 : vector<128x256xf32>
    %sub3A_1413 = arith.subf %get3A_1405, %get3A_1397 : vector<256xf32>
    %broadcast_in_dim3A_1414 = vector.shape_cast %sub3A_1413 : vector<256xf32> to vector<1x256xf32>
    %mul3A_1415 = vector.broadcast %broadcast_in_dim3A_1414 : vector<1x256xf32> to vector<128x256xf32>
    %mul3A_1416 = arith.mulf %slice3A_1389, %mul3A_1415 : vector<128x256xf32>
    %broadcast_in_dim3A_1417 = vector.shape_cast %get3A_1397 : vector<256xf32> to vector<1x256xf32>
    %add3A_1418 = vector.broadcast %broadcast_in_dim3A_1417 : vector<1x256xf32> to vector<128x256xf32>
    %add3A_1419 = arith.addf %add3A_1418, %mul3A_1416 : vector<128x256xf32>
    %mul3A_1420 = arith.mulf %sub3A_1385, %add3A_1412 : vector<128x256xf32>
    %mul3A_1421 = arith.mulf %add3A_1388, %add3A_1419 : vector<128x256xf32>
    %sub3A_1422 = arith.subf %mul3A_1420, %mul3A_1421 : vector<128x256xf32>
    %mul3A_1423 = arith.mulf %sub3A_1385, %add3A_1419 : vector<128x256xf32>
    %mul3A_1424 = arith.mulf %add3A_1388, %add3A_1412 : vector<128x256xf32>
    %add3A_1425 = arith.addf %mul3A_1423, %mul3A_1424 : vector<128x256xf32>
    %slice3A_1426 = vector.extract_strided_slice %dot_general3A_5 {offsets = [0, 768], sizes = [128, 256], strides = [1, 1]} : vector<128x2304xf32> to vector<128x256xf32>
    %get3A_1427 = arith.constant 28 : index
    %get3A_1428 = arith.constant 0 : index
    %get3A_1429 = vector.load %arg3[%get3A_1427, %get3A_1428] : memref<144x256xf32, #tpu.memory_space<vmem>>, vector<1x256xf32>
    %get3A_1430 = vector.shape_cast %get3A_1429 : vector<1x256xf32> to vector<256xf32>
    %get3A_1431 = arith.constant 28 : index
    %get3A_1432 = arith.constant 0 : index
    %get3A_1433 = vector.load %arg4[%get3A_1431, %get3A_1432] : memref<144x256xf32, #tpu.memory_space<vmem>>, vector<1x256xf32>
    %get3A_1434 = vector.shape_cast %get3A_1433 : vector<1x256xf32> to vector<256xf32>
    %get3A_1435 = arith.constant 100 : index
    %get3A_1436 = arith.constant 0 : index
    %get3A_1437 = vector.load %arg3[%get3A_1435, %get3A_1436] : memref<144x256xf32, #tpu.memory_space<vmem>>, vector<1x256xf32>
    %get3A_1438 = vector.shape_cast %get3A_1437 : vector<1x256xf32> to vector<256xf32>
    %get3A_1439 = arith.constant 100 : index
    %get3A_1440 = arith.constant 0 : index
    %get3A_1441 = vector.load %arg4[%get3A_1439, %get3A_1440] : memref<144x256xf32, #tpu.memory_space<vmem>>, vector<1x256xf32>
    %get3A_1442 = vector.shape_cast %get3A_1441 : vector<1x256xf32> to vector<256xf32>
    %sub3A_1443 = arith.subf %get3A_1438, %get3A_1430 : vector<256xf32>
    %broadcast_in_dim3A_1444 = vector.shape_cast %sub3A_1443 : vector<256xf32> to vector<1x256xf32>
    %mul3A_1445 = vector.broadcast %broadcast_in_dim3A_1444 : vector<1x256xf32> to vector<128x256xf32>
    %mul3A_1446 = arith.mulf %slice3A_1426, %mul3A_1445 : vector<128x256xf32>
    %broadcast_in_dim3A_1447 = vector.shape_cast %get3A_1430 : vector<256xf32> to vector<1x256xf32>
    %add3A_1448 = vector.broadcast %broadcast_in_dim3A_1447 : vector<1x256xf32> to vector<128x256xf32>
    %add3A_1449 = arith.addf %add3A_1448, %mul3A_1446 : vector<128x256xf32>
    %sub3A_1450 = arith.subf %get3A_1442, %get3A_1434 : vector<256xf32>
    %broadcast_in_dim3A_1451 = vector.shape_cast %sub3A_1450 : vector<256xf32> to vector<1x256xf32>
    %mul3A_1452 = vector.broadcast %broadcast_in_dim3A_1451 : vector<1x256xf32> to vector<128x256xf32>
    %mul3A_1453 = arith.mulf %slice3A_1426, %mul3A_1452 : vector<128x256xf32>
    %broadcast_in_dim3A_1454 = vector.shape_cast %get3A_1434 : vector<256xf32> to vector<1x256xf32>
    %add3A_1455 = vector.broadcast %broadcast_in_dim3A_1454 : vector<1x256xf32> to vector<128x256xf32>
    %add3A_1456 = arith.addf %add3A_1455, %mul3A_1453 : vector<128x256xf32>
    %mul3A_1457 = arith.mulf %sub3A_1422, %add3A_1449 : vector<128x256xf32>
    %mul3A_1458 = arith.mulf %add3A_1425, %add3A_1456 : vector<128x256xf32>
    %sub3A_1459 = arith.subf %mul3A_1457, %mul3A_1458 : vector<128x256xf32>
    %mul3A_1460 = arith.mulf %sub3A_1422, %add3A_1456 : vector<128x256xf32>
    %mul3A_1461 = arith.mulf %add3A_1425, %add3A_1449 : vector<128x256xf32>
    %add3A_1462 = arith.addf %mul3A_1460, %mul3A_1461 : vector<128x256xf32>
    %slice3A_1463 = vector.extract_strided_slice %dot_general3A_5 {offsets = [0, 1024], sizes = [128, 256], strides = [1, 1]} : vector<128x2304xf32> to vector<128x256xf32>
    %get3A_1464 = arith.constant 36 : index
    %get3A_1465 = arith.constant 0 : index
    %get3A_1466 = vector.load %arg3[%get3A_1464, %get3A_1465] : memref<144x256xf32, #tpu.memory_space<vmem>>, vector<1x256xf32>
    %get3A_1467 = vector.shape_cast %get3A_1466 : vector<1x256xf32> to vector<256xf32>
    %get3A_1468 = arith.constant 36 : index
    %get3A_1469 = arith.constant 0 : index
    %get3A_1470 = vector.load %arg4[%get3A_1468, %get3A_1469] : memref<144x256xf32, #tpu.memory_space<vmem>>, vector<1x256xf32>
    %get3A_1471 = vector.shape_cast %get3A_1470 : vector<1x256xf32> to vector<256xf32>
    %get3A_1472 = arith.constant 108 : index
    %get3A_1473 = arith.constant 0 : index
    %get3A_1474 = vector.load %arg3[%get3A_1472, %get3A_1473] : memref<144x256xf32, #tpu.memory_space<vmem>>, vector<1x256xf32>
    %get3A_1475 = vector.shape_cast %get3A_1474 : vector<1x256xf32> to vector<256xf32>
    %get3A_1476 = arith.constant 108 : index
    %get3A_1477 = arith.constant 0 : index
    %get3A_1478 = vector.load %arg4[%get3A_1476, %get3A_1477] : memref<144x256xf32, #tpu.memory_space<vmem>>, vector<1x256xf32>
    %get3A_1479 = vector.shape_cast %get3A_1478 : vector<1x256xf32> to vector<256xf32>
    %sub3A_1480 = arith.subf %get3A_1475, %get3A_1467 : vector<256xf32>
    %broadcast_in_dim3A_1481 = vector.shape_cast %sub3A_1480 : vector<256xf32> to vector<1x256xf32>
    %mul3A_1482 = vector.broadcast %broadcast_in_dim3A_1481 : vector<1x256xf32> to vector<128x256xf32>
    %mul3A_1483 = arith.mulf %slice3A_1463, %mul3A_1482 : vector<128x256xf32>
    %broadcast_in_dim3A_1484 = vector.shape_cast %get3A_1467 : vector<256xf32> to vector<1x256xf32>
    %add3A_1485 = vector.broadcast %broadcast_in_dim3A_1484 : vector<1x256xf32> to vector<128x256xf32>
    %add3A_1486 = arith.addf %add3A_1485, %mul3A_1483 : vector<128x256xf32>
    %sub3A_1487 = arith.subf %get3A_1479, %get3A_1471 : vector<256xf32>
    %broadcast_in_dim3A_1488 = vector.shape_cast %sub3A_1487 : vector<256xf32> to vector<1x256xf32>
    %mul3A_1489 = vector.broadcast %broadcast_in_dim3A_1488 : vector<1x256xf32> to vector<128x256xf32>
    %mul3A_1490 = arith.mulf %slice3A_1463, %mul3A_1489 : vector<128x256xf32>
    %broadcast_in_dim3A_1491 = vector.shape_cast %get3A_1471 : vector<256xf32> to vector<1x256xf32>
    %add3A_1492 = vector.broadcast %broadcast_in_dim3A_1491 : vector<1x256xf32> to vector<128x256xf32>
    %add3A_1493 = arith.addf %add3A_1492, %mul3A_1490 : vector<128x256xf32>
    %mul3A_1494 = arith.mulf %sub3A_1459, %add3A_1486 : vector<128x256xf32>
    %mul3A_1495 = arith.mulf %add3A_1462, %add3A_1493 : vector<128x256xf32>
    %sub3A_1496 = arith.subf %mul3A_1494, %mul3A_1495 : vector<128x256xf32>
    %mul3A_1497 = arith.mulf %sub3A_1459, %add3A_1493 : vector<128x256xf32>
    %mul3A_1498 = arith.mulf %add3A_1462, %add3A_1486 : vector<128x256xf32>
    %add3A_1499 = arith.addf %mul3A_1497, %mul3A_1498 : vector<128x256xf32>
    %slice3A_1500 = vector.extract_strided_slice %dot_general3A_5 {offsets = [0, 1280], sizes = [128, 256], strides = [1, 1]} : vector<128x2304xf32> to vector<128x256xf32>
    %get3A_1501 = arith.constant 44 : index
    %get3A_1502 = arith.constant 0 : index
    %get3A_1503 = vector.load %arg3[%get3A_1501, %get3A_1502] : memref<144x256xf32, #tpu.memory_space<vmem>>, vector<1x256xf32>
    %get3A_1504 = vector.shape_cast %get3A_1503 : vector<1x256xf32> to vector<256xf32>
    %get3A_1505 = arith.constant 44 : index
    %get3A_1506 = arith.constant 0 : index
    %get3A_1507 = vector.load %arg4[%get3A_1505, %get3A_1506] : memref<144x256xf32, #tpu.memory_space<vmem>>, vector<1x256xf32>
    %get3A_1508 = vector.shape_cast %get3A_1507 : vector<1x256xf32> to vector<256xf32>
    %get3A_1509 = arith.constant 116 : index
    %get3A_1510 = arith.constant 0 : index
    %get3A_1511 = vector.load %arg3[%get3A_1509, %get3A_1510] : memref<144x256xf32, #tpu.memory_space<vmem>>, vector<1x256xf32>
    %get3A_1512 = vector.shape_cast %get3A_1511 : vector<1x256xf32> to vector<256xf32>
    %get3A_1513 = arith.constant 116 : index
    %get3A_1514 = arith.constant 0 : index
    %get3A_1515 = vector.load %arg4[%get3A_1513, %get3A_1514] : memref<144x256xf32, #tpu.memory_space<vmem>>, vector<1x256xf32>
    %get3A_1516 = vector.shape_cast %get3A_1515 : vector<1x256xf32> to vector<256xf32>
    %sub3A_1517 = arith.subf %get3A_1512, %get3A_1504 : vector<256xf32>
    %broadcast_in_dim3A_1518 = vector.shape_cast %sub3A_1517 : vector<256xf32> to vector<1x256xf32>
    %mul3A_1519 = vector.broadcast %broadcast_in_dim3A_1518 : vector<1x256xf32> to vector<128x256xf32>
    %mul3A_1520 = arith.mulf %slice3A_1500, %mul3A_1519 : vector<128x256xf32>
    %broadcast_in_dim3A_1521 = vector.shape_cast %get3A_1504 : vector<256xf32> to vector<1x256xf32>
    %add3A_1522 = vector.broadcast %broadcast_in_dim3A_1521 : vector<1x256xf32> to vector<128x256xf32>
    %add3A_1523 = arith.addf %add3A_1522, %mul3A_1520 : vector<128x256xf32>
    %sub3A_1524 = arith.subf %get3A_1516, %get3A_1508 : vector<256xf32>
    %broadcast_in_dim3A_1525 = vector.shape_cast %sub3A_1524 : vector<256xf32> to vector<1x256xf32>
    %mul3A_1526 = vector.broadcast %broadcast_in_dim3A_1525 : vector<1x256xf32> to vector<128x256xf32>
    %mul3A_1527 = arith.mulf %slice3A_1500, %mul3A_1526 : vector<128x256xf32>
    %broadcast_in_dim3A_1528 = vector.shape_cast %get3A_1508 : vector<256xf32> to vector<1x256xf32>
    %add3A_1529 = vector.broadcast %broadcast_in_dim3A_1528 : vector<1x256xf32> to vector<128x256xf32>
    %add3A_1530 = arith.addf %add3A_1529, %mul3A_1527 : vector<128x256xf32>
    %mul3A_1531 = arith.mulf %sub3A_1496, %add3A_1523 : vector<128x256xf32>
    %mul3A_1532 = arith.mulf %add3A_1499, %add3A_1530 : vector<128x256xf32>
    %sub3A_1533 = arith.subf %mul3A_1531, %mul3A_1532 : vector<128x256xf32>
    %mul3A_1534 = arith.mulf %sub3A_1496, %add3A_1530 : vector<128x256xf32>
    %mul3A_1535 = arith.mulf %add3A_1499, %add3A_1523 : vector<128x256xf32>
    %add3A_1536 = arith.addf %mul3A_1534, %mul3A_1535 : vector<128x256xf32>
    %slice3A_1537 = vector.extract_strided_slice %dot_general3A_5 {offsets = [0, 1536], sizes = [128, 256], strides = [1, 1]} : vector<128x2304xf32> to vector<128x256xf32>
    %get3A_1538 = arith.constant 52 : index
    %get3A_1539 = arith.constant 0 : index
    %get3A_1540 = vector.load %arg3[%get3A_1538, %get3A_1539] : memref<144x256xf32, #tpu.memory_space<vmem>>, vector<1x256xf32>
    %get3A_1541 = vector.shape_cast %get3A_1540 : vector<1x256xf32> to vector<256xf32>
    %get3A_1542 = arith.constant 52 : index
    %get3A_1543 = arith.constant 0 : index
    %get3A_1544 = vector.load %arg4[%get3A_1542, %get3A_1543] : memref<144x256xf32, #tpu.memory_space<vmem>>, vector<1x256xf32>
    %get3A_1545 = vector.shape_cast %get3A_1544 : vector<1x256xf32> to vector<256xf32>
    %get3A_1546 = arith.constant 124 : index
    %get3A_1547 = arith.constant 0 : index
    %get3A_1548 = vector.load %arg3[%get3A_1546, %get3A_1547] : memref<144x256xf32, #tpu.memory_space<vmem>>, vector<1x256xf32>
    %get3A_1549 = vector.shape_cast %get3A_1548 : vector<1x256xf32> to vector<256xf32>
    %get3A_1550 = arith.constant 124 : index
    %get3A_1551 = arith.constant 0 : index
    %get3A_1552 = vector.load %arg4[%get3A_1550, %get3A_1551] : memref<144x256xf32, #tpu.memory_space<vmem>>, vector<1x256xf32>
    %get3A_1553 = vector.shape_cast %get3A_1552 : vector<1x256xf32> to vector<256xf32>
    %sub3A_1554 = arith.subf %get3A_1549, %get3A_1541 : vector<256xf32>
    %broadcast_in_dim3A_1555 = vector.shape_cast %sub3A_1554 : vector<256xf32> to vector<1x256xf32>
    %mul3A_1556 = vector.broadcast %broadcast_in_dim3A_1555 : vector<1x256xf32> to vector<128x256xf32>
    %mul3A_1557 = arith.mulf %slice3A_1537, %mul3A_1556 : vector<128x256xf32>
    %broadcast_in_dim3A_1558 = vector.shape_cast %get3A_1541 : vector<256xf32> to vector<1x256xf32>
    %add3A_1559 = vector.broadcast %broadcast_in_dim3A_1558 : vector<1x256xf32> to vector<128x256xf32>
    %add3A_1560 = arith.addf %add3A_1559, %mul3A_1557 : vector<128x256xf32>
    %sub3A_1561 = arith.subf %get3A_1553, %get3A_1545 : vector<256xf32>
    %broadcast_in_dim3A_1562 = vector.shape_cast %sub3A_1561 : vector<256xf32> to vector<1x256xf32>
    %mul3A_1563 = vector.broadcast %broadcast_in_dim3A_1562 : vector<1x256xf32> to vector<128x256xf32>
    %mul3A_1564 = arith.mulf %slice3A_1537, %mul3A_1563 : vector<128x256xf32>
    %broadcast_in_dim3A_1565 = vector.shape_cast %get3A_1545 : vector<256xf32> to vector<1x256xf32>
    %add3A_1566 = vector.broadcast %broadcast_in_dim3A_1565 : vector<1x256xf32> to vector<128x256xf32>
    %add3A_1567 = arith.addf %add3A_1566, %mul3A_1564 : vector<128x256xf32>
    %mul3A_1568 = arith.mulf %sub3A_1533, %add3A_1560 : vector<128x256xf32>
    %mul3A_1569 = arith.mulf %add3A_1536, %add3A_1567 : vector<128x256xf32>
    %sub3A_1570 = arith.subf %mul3A_1568, %mul3A_1569 : vector<128x256xf32>
    %mul3A_1571 = arith.mulf %sub3A_1533, %add3A_1567 : vector<128x256xf32>
    %mul3A_1572 = arith.mulf %add3A_1536, %add3A_1560 : vector<128x256xf32>
    %add3A_1573 = arith.addf %mul3A_1571, %mul3A_1572 : vector<128x256xf32>
    %slice3A_1574 = vector.extract_strided_slice %dot_general3A_5 {offsets = [0, 1792], sizes = [128, 256], strides = [1, 1]} : vector<128x2304xf32> to vector<128x256xf32>
    %get3A_1575 = arith.constant 60 : index
    %get3A_1576 = arith.constant 0 : index
    %get3A_1577 = vector.load %arg3[%get3A_1575, %get3A_1576] : memref<144x256xf32, #tpu.memory_space<vmem>>, vector<1x256xf32>
    %get3A_1578 = vector.shape_cast %get3A_1577 : vector<1x256xf32> to vector<256xf32>
    %get3A_1579 = arith.constant 60 : index
    %get3A_1580 = arith.constant 0 : index
    %get3A_1581 = vector.load %arg4[%get3A_1579, %get3A_1580] : memref<144x256xf32, #tpu.memory_space<vmem>>, vector<1x256xf32>
    %get3A_1582 = vector.shape_cast %get3A_1581 : vector<1x256xf32> to vector<256xf32>
    %get3A_1583 = arith.constant 132 : index
    %get3A_1584 = arith.constant 0 : index
    %get3A_1585 = vector.load %arg3[%get3A_1583, %get3A_1584] : memref<144x256xf32, #tpu.memory_space<vmem>>, vector<1x256xf32>
    %get3A_1586 = vector.shape_cast %get3A_1585 : vector<1x256xf32> to vector<256xf32>
    %get3A_1587 = arith.constant 132 : index
    %get3A_1588 = arith.constant 0 : index
    %get3A_1589 = vector.load %arg4[%get3A_1587, %get3A_1588] : memref<144x256xf32, #tpu.memory_space<vmem>>, vector<1x256xf32>
    %get3A_1590 = vector.shape_cast %get3A_1589 : vector<1x256xf32> to vector<256xf32>
    %sub3A_1591 = arith.subf %get3A_1586, %get3A_1578 : vector<256xf32>
    %broadcast_in_dim3A_1592 = vector.shape_cast %sub3A_1591 : vector<256xf32> to vector<1x256xf32>
    %mul3A_1593 = vector.broadcast %broadcast_in_dim3A_1592 : vector<1x256xf32> to vector<128x256xf32>
    %mul3A_1594 = arith.mulf %slice3A_1574, %mul3A_1593 : vector<128x256xf32>
    %broadcast_in_dim3A_1595 = vector.shape_cast %get3A_1578 : vector<256xf32> to vector<1x256xf32>
    %add3A_1596 = vector.broadcast %broadcast_in_dim3A_1595 : vector<1x256xf32> to vector<128x256xf32>
    %add3A_1597 = arith.addf %add3A_1596, %mul3A_1594 : vector<128x256xf32>
    %sub3A_1598 = arith.subf %get3A_1590, %get3A_1582 : vector<256xf32>
    %broadcast_in_dim3A_1599 = vector.shape_cast %sub3A_1598 : vector<256xf32> to vector<1x256xf32>
    %mul3A_1600 = vector.broadcast %broadcast_in_dim3A_1599 : vector<1x256xf32> to vector<128x256xf32>
    %mul3A_1601 = arith.mulf %slice3A_1574, %mul3A_1600 : vector<128x256xf32>
    %broadcast_in_dim3A_1602 = vector.shape_cast %get3A_1582 : vector<256xf32> to vector<1x256xf32>
    %add3A_1603 = vector.broadcast %broadcast_in_dim3A_1602 : vector<1x256xf32> to vector<128x256xf32>
    %add3A_1604 = arith.addf %add3A_1603, %mul3A_1601 : vector<128x256xf32>
    %mul3A_1605 = arith.mulf %sub3A_1570, %add3A_1597 : vector<128x256xf32>
    %mul3A_1606 = arith.mulf %add3A_1573, %add3A_1604 : vector<128x256xf32>
    %sub3A_1607 = arith.subf %mul3A_1605, %mul3A_1606 : vector<128x256xf32>
    %mul3A_1608 = arith.mulf %sub3A_1570, %add3A_1604 : vector<128x256xf32>
    %mul3A_1609 = arith.mulf %add3A_1573, %add3A_1597 : vector<128x256xf32>
    %add3A_1610 = arith.addf %mul3A_1608, %mul3A_1609 : vector<128x256xf32>
    %slice3A_1611 = vector.extract_strided_slice %dot_general3A_5 {offsets = [0, 2048], sizes = [128, 256], strides = [1, 1]} : vector<128x2304xf32> to vector<128x256xf32>
    %get3A_1612 = arith.constant 68 : index
    %get3A_1613 = arith.constant 0 : index
    %get3A_1614 = vector.load %arg3[%get3A_1612, %get3A_1613] : memref<144x256xf32, #tpu.memory_space<vmem>>, vector<1x256xf32>
    %get3A_1615 = vector.shape_cast %get3A_1614 : vector<1x256xf32> to vector<256xf32>
    %get3A_1616 = arith.constant 68 : index
    %get3A_1617 = arith.constant 0 : index
    %get3A_1618 = vector.load %arg4[%get3A_1616, %get3A_1617] : memref<144x256xf32, #tpu.memory_space<vmem>>, vector<1x256xf32>
    %get3A_1619 = vector.shape_cast %get3A_1618 : vector<1x256xf32> to vector<256xf32>
    %get3A_1620 = arith.constant 140 : index
    %get3A_1621 = arith.constant 0 : index
    %get3A_1622 = vector.load %arg3[%get3A_1620, %get3A_1621] : memref<144x256xf32, #tpu.memory_space<vmem>>, vector<1x256xf32>
    %get3A_1623 = vector.shape_cast %get3A_1622 : vector<1x256xf32> to vector<256xf32>
    %get3A_1624 = arith.constant 140 : index
    %get3A_1625 = arith.constant 0 : index
    %get3A_1626 = vector.load %arg4[%get3A_1624, %get3A_1625] : memref<144x256xf32, #tpu.memory_space<vmem>>, vector<1x256xf32>
    %get3A_1627 = vector.shape_cast %get3A_1626 : vector<1x256xf32> to vector<256xf32>
    %sub3A_1628 = arith.subf %get3A_1623, %get3A_1615 : vector<256xf32>
    %broadcast_in_dim3A_1629 = vector.shape_cast %sub3A_1628 : vector<256xf32> to vector<1x256xf32>
    %mul3A_1630 = vector.broadcast %broadcast_in_dim3A_1629 : vector<1x256xf32> to vector<128x256xf32>
    %mul3A_1631 = arith.mulf %slice3A_1611, %mul3A_1630 : vector<128x256xf32>
    %broadcast_in_dim3A_1632 = vector.shape_cast %get3A_1615 : vector<256xf32> to vector<1x256xf32>
    %add3A_1633 = vector.broadcast %broadcast_in_dim3A_1632 : vector<1x256xf32> to vector<128x256xf32>
    %add3A_1634 = arith.addf %add3A_1633, %mul3A_1631 : vector<128x256xf32>
    %sub3A_1635 = arith.subf %get3A_1627, %get3A_1619 : vector<256xf32>
    %broadcast_in_dim3A_1636 = vector.shape_cast %sub3A_1635 : vector<256xf32> to vector<1x256xf32>
    %mul3A_1637 = vector.broadcast %broadcast_in_dim3A_1636 : vector<1x256xf32> to vector<128x256xf32>
    %mul3A_1638 = arith.mulf %slice3A_1611, %mul3A_1637 : vector<128x256xf32>
    %broadcast_in_dim3A_1639 = vector.shape_cast %get3A_1619 : vector<256xf32> to vector<1x256xf32>
    %add3A_1640 = vector.broadcast %broadcast_in_dim3A_1639 : vector<1x256xf32> to vector<128x256xf32>
    %add3A_1641 = arith.addf %add3A_1640, %mul3A_1638 : vector<128x256xf32>
    %mul3A_1642 = arith.mulf %sub3A_1607, %add3A_1634 : vector<128x256xf32>
    %mul3A_1643 = arith.mulf %add3A_1610, %add3A_1641 : vector<128x256xf32>
    %sub3A_1644 = arith.subf %mul3A_1642, %mul3A_1643 : vector<128x256xf32>
    %mul3A_1645 = arith.mulf %sub3A_1607, %add3A_1641 : vector<128x256xf32>
    %mul3A_1646 = arith.mulf %add3A_1610, %add3A_1634 : vector<128x256xf32>
    %add3A_1647 = arith.addf %mul3A_1645, %mul3A_1646 : vector<128x256xf32>
    %add3A_1648 = arith.addf %add3A_1319, %sub3A_1644 : vector<128x256xf32>
    %add3A_1649 = arith.addf %add3A_1320, %add3A_1647 : vector<128x256xf32>
    %slice3A_1650 = vector.extract_strided_slice %dot_general3A_5 {offsets = [0, 0], sizes = [128, 256], strides = [1, 1]} : vector<128x2304xf32> to vector<128x256xf32>
    %get3A_1651 = arith.constant 5 : index
    %get3A_1652 = arith.constant 0 : index
    %get3A_1653 = vector.load %arg3[%get3A_1651, %get3A_1652] : memref<144x256xf32, #tpu.memory_space<vmem>>, vector<1x256xf32>
    %get3A_1654 = vector.shape_cast %get3A_1653 : vector<1x256xf32> to vector<256xf32>
    %get3A_1655 = arith.constant 5 : index
    %get3A_1656 = arith.constant 0 : index
    %get3A_1657 = vector.load %arg4[%get3A_1655, %get3A_1656] : memref<144x256xf32, #tpu.memory_space<vmem>>, vector<1x256xf32>
    %get3A_1658 = vector.shape_cast %get3A_1657 : vector<1x256xf32> to vector<256xf32>
    %get3A_1659 = arith.constant 77 : index
    %get3A_1660 = arith.constant 0 : index
    %get3A_1661 = vector.load %arg3[%get3A_1659, %get3A_1660] : memref<144x256xf32, #tpu.memory_space<vmem>>, vector<1x256xf32>
    %get3A_1662 = vector.shape_cast %get3A_1661 : vector<1x256xf32> to vector<256xf32>
    %get3A_1663 = arith.constant 77 : index
    %get3A_1664 = arith.constant 0 : index
    %get3A_1665 = vector.load %arg4[%get3A_1663, %get3A_1664] : memref<144x256xf32, #tpu.memory_space<vmem>>, vector<1x256xf32>
    %get3A_1666 = vector.shape_cast %get3A_1665 : vector<1x256xf32> to vector<256xf32>
    %sub3A_1667 = arith.subf %get3A_1662, %get3A_1654 : vector<256xf32>
    %broadcast_in_dim3A_1668 = vector.shape_cast %sub3A_1667 : vector<256xf32> to vector<1x256xf32>
    %mul3A_1669 = vector.broadcast %broadcast_in_dim3A_1668 : vector<1x256xf32> to vector<128x256xf32>
    %mul3A_1670 = arith.mulf %slice3A_1650, %mul3A_1669 : vector<128x256xf32>
    %broadcast_in_dim3A_1671 = vector.shape_cast %get3A_1654 : vector<256xf32> to vector<1x256xf32>
    %add3A_1672 = vector.broadcast %broadcast_in_dim3A_1671 : vector<1x256xf32> to vector<128x256xf32>
    %add3A_1673 = arith.addf %add3A_1672, %mul3A_1670 : vector<128x256xf32>
    %sub3A_1674 = arith.subf %get3A_1666, %get3A_1658 : vector<256xf32>
    %broadcast_in_dim3A_1675 = vector.shape_cast %sub3A_1674 : vector<256xf32> to vector<1x256xf32>
    %mul3A_1676 = vector.broadcast %broadcast_in_dim3A_1675 : vector<1x256xf32> to vector<128x256xf32>
    %mul3A_1677 = arith.mulf %slice3A_1650, %mul3A_1676 : vector<128x256xf32>
    %broadcast_in_dim3A_1678 = vector.shape_cast %get3A_1658 : vector<256xf32> to vector<1x256xf32>
    %add3A_1679 = vector.broadcast %broadcast_in_dim3A_1678 : vector<1x256xf32> to vector<128x256xf32>
    %add3A_1680 = arith.addf %add3A_1679, %mul3A_1677 : vector<128x256xf32>
    %slice3A_1681 = vector.extract_strided_slice %dot_general3A_5 {offsets = [0, 256], sizes = [128, 256], strides = [1, 1]} : vector<128x2304xf32> to vector<128x256xf32>
    %get3A_1682 = arith.constant 13 : index
    %get3A_1683 = arith.constant 0 : index
    %get3A_1684 = vector.load %arg3[%get3A_1682, %get3A_1683] : memref<144x256xf32, #tpu.memory_space<vmem>>, vector<1x256xf32>
    %get3A_1685 = vector.shape_cast %get3A_1684 : vector<1x256xf32> to vector<256xf32>
    %get3A_1686 = arith.constant 13 : index
    %get3A_1687 = arith.constant 0 : index
    %get3A_1688 = vector.load %arg4[%get3A_1686, %get3A_1687] : memref<144x256xf32, #tpu.memory_space<vmem>>, vector<1x256xf32>
    %get3A_1689 = vector.shape_cast %get3A_1688 : vector<1x256xf32> to vector<256xf32>
    %get3A_1690 = arith.constant 85 : index
    %get3A_1691 = arith.constant 0 : index
    %get3A_1692 = vector.load %arg3[%get3A_1690, %get3A_1691] : memref<144x256xf32, #tpu.memory_space<vmem>>, vector<1x256xf32>
    %get3A_1693 = vector.shape_cast %get3A_1692 : vector<1x256xf32> to vector<256xf32>
    %get3A_1694 = arith.constant 85 : index
    %get3A_1695 = arith.constant 0 : index
    %get3A_1696 = vector.load %arg4[%get3A_1694, %get3A_1695] : memref<144x256xf32, #tpu.memory_space<vmem>>, vector<1x256xf32>
    %get3A_1697 = vector.shape_cast %get3A_1696 : vector<1x256xf32> to vector<256xf32>
    %sub3A_1698 = arith.subf %get3A_1693, %get3A_1685 : vector<256xf32>
    %broadcast_in_dim3A_1699 = vector.shape_cast %sub3A_1698 : vector<256xf32> to vector<1x256xf32>
    %mul3A_1700 = vector.broadcast %broadcast_in_dim3A_1699 : vector<1x256xf32> to vector<128x256xf32>
    %mul3A_1701 = arith.mulf %slice3A_1681, %mul3A_1700 : vector<128x256xf32>
    %broadcast_in_dim3A_1702 = vector.shape_cast %get3A_1685 : vector<256xf32> to vector<1x256xf32>
    %add3A_1703 = vector.broadcast %broadcast_in_dim3A_1702 : vector<1x256xf32> to vector<128x256xf32>
    %add3A_1704 = arith.addf %add3A_1703, %mul3A_1701 : vector<128x256xf32>
    %sub3A_1705 = arith.subf %get3A_1697, %get3A_1689 : vector<256xf32>
    %broadcast_in_dim3A_1706 = vector.shape_cast %sub3A_1705 : vector<256xf32> to vector<1x256xf32>
    %mul3A_1707 = vector.broadcast %broadcast_in_dim3A_1706 : vector<1x256xf32> to vector<128x256xf32>
    %mul3A_1708 = arith.mulf %slice3A_1681, %mul3A_1707 : vector<128x256xf32>
    %broadcast_in_dim3A_1709 = vector.shape_cast %get3A_1689 : vector<256xf32> to vector<1x256xf32>
    %add3A_1710 = vector.broadcast %broadcast_in_dim3A_1709 : vector<1x256xf32> to vector<128x256xf32>
    %add3A_1711 = arith.addf %add3A_1710, %mul3A_1708 : vector<128x256xf32>
    %mul3A_1712 = arith.mulf %add3A_1673, %add3A_1704 : vector<128x256xf32>
    %mul3A_1713 = arith.mulf %add3A_1680, %add3A_1711 : vector<128x256xf32>
    %sub3A_1714 = arith.subf %mul3A_1712, %mul3A_1713 : vector<128x256xf32>
    %mul3A_1715 = arith.mulf %add3A_1673, %add3A_1711 : vector<128x256xf32>
    %mul3A_1716 = arith.mulf %add3A_1680, %add3A_1704 : vector<128x256xf32>
    %add3A_1717 = arith.addf %mul3A_1715, %mul3A_1716 : vector<128x256xf32>
    %slice3A_1718 = vector.extract_strided_slice %dot_general3A_5 {offsets = [0, 512], sizes = [128, 256], strides = [1, 1]} : vector<128x2304xf32> to vector<128x256xf32>
    %get3A_1719 = arith.constant 21 : index
    %get3A_1720 = arith.constant 0 : index
    %get3A_1721 = vector.load %arg3[%get3A_1719, %get3A_1720] : memref<144x256xf32, #tpu.memory_space<vmem>>, vector<1x256xf32>
    %get3A_1722 = vector.shape_cast %get3A_1721 : vector<1x256xf32> to vector<256xf32>
    %get3A_1723 = arith.constant 21 : index
    %get3A_1724 = arith.constant 0 : index
    %get3A_1725 = vector.load %arg4[%get3A_1723, %get3A_1724] : memref<144x256xf32, #tpu.memory_space<vmem>>, vector<1x256xf32>
    %get3A_1726 = vector.shape_cast %get3A_1725 : vector<1x256xf32> to vector<256xf32>
    %get3A_1727 = arith.constant 93 : index
    %get3A_1728 = arith.constant 0 : index
    %get3A_1729 = vector.load %arg3[%get3A_1727, %get3A_1728] : memref<144x256xf32, #tpu.memory_space<vmem>>, vector<1x256xf32>
    %get3A_1730 = vector.shape_cast %get3A_1729 : vector<1x256xf32> to vector<256xf32>
    %get3A_1731 = arith.constant 93 : index
    %get3A_1732 = arith.constant 0 : index
    %get3A_1733 = vector.load %arg4[%get3A_1731, %get3A_1732] : memref<144x256xf32, #tpu.memory_space<vmem>>, vector<1x256xf32>
    %get3A_1734 = vector.shape_cast %get3A_1733 : vector<1x256xf32> to vector<256xf32>
    %sub3A_1735 = arith.subf %get3A_1730, %get3A_1722 : vector<256xf32>
    %broadcast_in_dim3A_1736 = vector.shape_cast %sub3A_1735 : vector<256xf32> to vector<1x256xf32>
    %mul3A_1737 = vector.broadcast %broadcast_in_dim3A_1736 : vector<1x256xf32> to vector<128x256xf32>
    %mul3A_1738 = arith.mulf %slice3A_1718, %mul3A_1737 : vector<128x256xf32>
    %broadcast_in_dim3A_1739 = vector.shape_cast %get3A_1722 : vector<256xf32> to vector<1x256xf32>
    %add3A_1740 = vector.broadcast %broadcast_in_dim3A_1739 : vector<1x256xf32> to vector<128x256xf32>
    %add3A_1741 = arith.addf %add3A_1740, %mul3A_1738 : vector<128x256xf32>
    %sub3A_1742 = arith.subf %get3A_1734, %get3A_1726 : vector<256xf32>
    %broadcast_in_dim3A_1743 = vector.shape_cast %sub3A_1742 : vector<256xf32> to vector<1x256xf32>
    %mul3A_1744 = vector.broadcast %broadcast_in_dim3A_1743 : vector<1x256xf32> to vector<128x256xf32>
    %mul3A_1745 = arith.mulf %slice3A_1718, %mul3A_1744 : vector<128x256xf32>
    %broadcast_in_dim3A_1746 = vector.shape_cast %get3A_1726 : vector<256xf32> to vector<1x256xf32>
    %add3A_1747 = vector.broadcast %broadcast_in_dim3A_1746 : vector<1x256xf32> to vector<128x256xf32>
    %add3A_1748 = arith.addf %add3A_1747, %mul3A_1745 : vector<128x256xf32>
    %mul3A_1749 = arith.mulf %sub3A_1714, %add3A_1741 : vector<128x256xf32>
    %mul3A_1750 = arith.mulf %add3A_1717, %add3A_1748 : vector<128x256xf32>
    %sub3A_1751 = arith.subf %mul3A_1749, %mul3A_1750 : vector<128x256xf32>
    %mul3A_1752 = arith.mulf %sub3A_1714, %add3A_1748 : vector<128x256xf32>
    %mul3A_1753 = arith.mulf %add3A_1717, %add3A_1741 : vector<128x256xf32>
    %add3A_1754 = arith.addf %mul3A_1752, %mul3A_1753 : vector<128x256xf32>
    %slice3A_1755 = vector.extract_strided_slice %dot_general3A_5 {offsets = [0, 768], sizes = [128, 256], strides = [1, 1]} : vector<128x2304xf32> to vector<128x256xf32>
    %get3A_1756 = arith.constant 29 : index
    %get3A_1757 = arith.constant 0 : index
    %get3A_1758 = vector.load %arg3[%get3A_1756, %get3A_1757] : memref<144x256xf32, #tpu.memory_space<vmem>>, vector<1x256xf32>
    %get3A_1759 = vector.shape_cast %get3A_1758 : vector<1x256xf32> to vector<256xf32>
    %get3A_1760 = arith.constant 29 : index
    %get3A_1761 = arith.constant 0 : index
    %get3A_1762 = vector.load %arg4[%get3A_1760, %get3A_1761] : memref<144x256xf32, #tpu.memory_space<vmem>>, vector<1x256xf32>
    %get3A_1763 = vector.shape_cast %get3A_1762 : vector<1x256xf32> to vector<256xf32>
    %get3A_1764 = arith.constant 101 : index
    %get3A_1765 = arith.constant 0 : index
    %get3A_1766 = vector.load %arg3[%get3A_1764, %get3A_1765] : memref<144x256xf32, #tpu.memory_space<vmem>>, vector<1x256xf32>
    %get3A_1767 = vector.shape_cast %get3A_1766 : vector<1x256xf32> to vector<256xf32>
    %get3A_1768 = arith.constant 101 : index
    %get3A_1769 = arith.constant 0 : index
    %get3A_1770 = vector.load %arg4[%get3A_1768, %get3A_1769] : memref<144x256xf32, #tpu.memory_space<vmem>>, vector<1x256xf32>
    %get3A_1771 = vector.shape_cast %get3A_1770 : vector<1x256xf32> to vector<256xf32>
    %sub3A_1772 = arith.subf %get3A_1767, %get3A_1759 : vector<256xf32>
    %broadcast_in_dim3A_1773 = vector.shape_cast %sub3A_1772 : vector<256xf32> to vector<1x256xf32>
    %mul3A_1774 = vector.broadcast %broadcast_in_dim3A_1773 : vector<1x256xf32> to vector<128x256xf32>
    %mul3A_1775 = arith.mulf %slice3A_1755, %mul3A_1774 : vector<128x256xf32>
    %broadcast_in_dim3A_1776 = vector.shape_cast %get3A_1759 : vector<256xf32> to vector<1x256xf32>
    %add3A_1777 = vector.broadcast %broadcast_in_dim3A_1776 : vector<1x256xf32> to vector<128x256xf32>
    %add3A_1778 = arith.addf %add3A_1777, %mul3A_1775 : vector<128x256xf32>
    %sub3A_1779 = arith.subf %get3A_1771, %get3A_1763 : vector<256xf32>
    %broadcast_in_dim3A_1780 = vector.shape_cast %sub3A_1779 : vector<256xf32> to vector<1x256xf32>
    %mul3A_1781 = vector.broadcast %broadcast_in_dim3A_1780 : vector<1x256xf32> to vector<128x256xf32>
    %mul3A_1782 = arith.mulf %slice3A_1755, %mul3A_1781 : vector<128x256xf32>
    %broadcast_in_dim3A_1783 = vector.shape_cast %get3A_1763 : vector<256xf32> to vector<1x256xf32>
    %add3A_1784 = vector.broadcast %broadcast_in_dim3A_1783 : vector<1x256xf32> to vector<128x256xf32>
    %add3A_1785 = arith.addf %add3A_1784, %mul3A_1782 : vector<128x256xf32>
    %mul3A_1786 = arith.mulf %sub3A_1751, %add3A_1778 : vector<128x256xf32>
    %mul3A_1787 = arith.mulf %add3A_1754, %add3A_1785 : vector<128x256xf32>
    %sub3A_1788 = arith.subf %mul3A_1786, %mul3A_1787 : vector<128x256xf32>
    %mul3A_1789 = arith.mulf %sub3A_1751, %add3A_1785 : vector<128x256xf32>
    %mul3A_1790 = arith.mulf %add3A_1754, %add3A_1778 : vector<128x256xf32>
    %add3A_1791 = arith.addf %mul3A_1789, %mul3A_1790 : vector<128x256xf32>
    %slice3A_1792 = vector.extract_strided_slice %dot_general3A_5 {offsets = [0, 1024], sizes = [128, 256], strides = [1, 1]} : vector<128x2304xf32> to vector<128x256xf32>
    %get3A_1793 = arith.constant 37 : index
    %get3A_1794 = arith.constant 0 : index
    %get3A_1795 = vector.load %arg3[%get3A_1793, %get3A_1794] : memref<144x256xf32, #tpu.memory_space<vmem>>, vector<1x256xf32>
    %get3A_1796 = vector.shape_cast %get3A_1795 : vector<1x256xf32> to vector<256xf32>
    %get3A_1797 = arith.constant 37 : index
    %get3A_1798 = arith.constant 0 : index
    %get3A_1799 = vector.load %arg4[%get3A_1797, %get3A_1798] : memref<144x256xf32, #tpu.memory_space<vmem>>, vector<1x256xf32>
    %get3A_1800 = vector.shape_cast %get3A_1799 : vector<1x256xf32> to vector<256xf32>
    %get3A_1801 = arith.constant 109 : index
    %get3A_1802 = arith.constant 0 : index
    %get3A_1803 = vector.load %arg3[%get3A_1801, %get3A_1802] : memref<144x256xf32, #tpu.memory_space<vmem>>, vector<1x256xf32>
    %get3A_1804 = vector.shape_cast %get3A_1803 : vector<1x256xf32> to vector<256xf32>
    %get3A_1805 = arith.constant 109 : index
    %get3A_1806 = arith.constant 0 : index
    %get3A_1807 = vector.load %arg4[%get3A_1805, %get3A_1806] : memref<144x256xf32, #tpu.memory_space<vmem>>, vector<1x256xf32>
    %get3A_1808 = vector.shape_cast %get3A_1807 : vector<1x256xf32> to vector<256xf32>
    %sub3A_1809 = arith.subf %get3A_1804, %get3A_1796 : vector<256xf32>
    %broadcast_in_dim3A_1810 = vector.shape_cast %sub3A_1809 : vector<256xf32> to vector<1x256xf32>
    %mul3A_1811 = vector.broadcast %broadcast_in_dim3A_1810 : vector<1x256xf32> to vector<128x256xf32>
    %mul3A_1812 = arith.mulf %slice3A_1792, %mul3A_1811 : vector<128x256xf32>
    %broadcast_in_dim3A_1813 = vector.shape_cast %get3A_1796 : vector<256xf32> to vector<1x256xf32>
    %add3A_1814 = vector.broadcast %broadcast_in_dim3A_1813 : vector<1x256xf32> to vector<128x256xf32>
    %add3A_1815 = arith.addf %add3A_1814, %mul3A_1812 : vector<128x256xf32>
    %sub3A_1816 = arith.subf %get3A_1808, %get3A_1800 : vector<256xf32>
    %broadcast_in_dim3A_1817 = vector.shape_cast %sub3A_1816 : vector<256xf32> to vector<1x256xf32>
    %mul3A_1818 = vector.broadcast %broadcast_in_dim3A_1817 : vector<1x256xf32> to vector<128x256xf32>
    %mul3A_1819 = arith.mulf %slice3A_1792, %mul3A_1818 : vector<128x256xf32>
    %broadcast_in_dim3A_1820 = vector.shape_cast %get3A_1800 : vector<256xf32> to vector<1x256xf32>
    %add3A_1821 = vector.broadcast %broadcast_in_dim3A_1820 : vector<1x256xf32> to vector<128x256xf32>
    %add3A_1822 = arith.addf %add3A_1821, %mul3A_1819 : vector<128x256xf32>
    %mul3A_1823 = arith.mulf %sub3A_1788, %add3A_1815 : vector<128x256xf32>
    %mul3A_1824 = arith.mulf %add3A_1791, %add3A_1822 : vector<128x256xf32>
    %sub3A_1825 = arith.subf %mul3A_1823, %mul3A_1824 : vector<128x256xf32>
    %mul3A_1826 = arith.mulf %sub3A_1788, %add3A_1822 : vector<128x256xf32>
    %mul3A_1827 = arith.mulf %add3A_1791, %add3A_1815 : vector<128x256xf32>
    %add3A_1828 = arith.addf %mul3A_1826, %mul3A_1827 : vector<128x256xf32>
    %slice3A_1829 = vector.extract_strided_slice %dot_general3A_5 {offsets = [0, 1280], sizes = [128, 256], strides = [1, 1]} : vector<128x2304xf32> to vector<128x256xf32>
    %get3A_1830 = arith.constant 45 : index
    %get3A_1831 = arith.constant 0 : index
    %get3A_1832 = vector.load %arg3[%get3A_1830, %get3A_1831] : memref<144x256xf32, #tpu.memory_space<vmem>>, vector<1x256xf32>
    %get3A_1833 = vector.shape_cast %get3A_1832 : vector<1x256xf32> to vector<256xf32>
    %get3A_1834 = arith.constant 45 : index
    %get3A_1835 = arith.constant 0 : index
    %get3A_1836 = vector.load %arg4[%get3A_1834, %get3A_1835] : memref<144x256xf32, #tpu.memory_space<vmem>>, vector<1x256xf32>
    %get3A_1837 = vector.shape_cast %get3A_1836 : vector<1x256xf32> to vector<256xf32>
    %get3A_1838 = arith.constant 117 : index
    %get3A_1839 = arith.constant 0 : index
    %get3A_1840 = vector.load %arg3[%get3A_1838, %get3A_1839] : memref<144x256xf32, #tpu.memory_space<vmem>>, vector<1x256xf32>
    %get3A_1841 = vector.shape_cast %get3A_1840 : vector<1x256xf32> to vector<256xf32>
    %get3A_1842 = arith.constant 117 : index
    %get3A_1843 = arith.constant 0 : index
    %get3A_1844 = vector.load %arg4[%get3A_1842, %get3A_1843] : memref<144x256xf32, #tpu.memory_space<vmem>>, vector<1x256xf32>
    %get3A_1845 = vector.shape_cast %get3A_1844 : vector<1x256xf32> to vector<256xf32>
    %sub3A_1846 = arith.subf %get3A_1841, %get3A_1833 : vector<256xf32>
    %broadcast_in_dim3A_1847 = vector.shape_cast %sub3A_1846 : vector<256xf32> to vector<1x256xf32>
    %mul3A_1848 = vector.broadcast %broadcast_in_dim3A_1847 : vector<1x256xf32> to vector<128x256xf32>
    %mul3A_1849 = arith.mulf %slice3A_1829, %mul3A_1848 : vector<128x256xf32>
    %broadcast_in_dim3A_1850 = vector.shape_cast %get3A_1833 : vector<256xf32> to vector<1x256xf32>
    %add3A_1851 = vector.broadcast %broadcast_in_dim3A_1850 : vector<1x256xf32> to vector<128x256xf32>
    %add3A_1852 = arith.addf %add3A_1851, %mul3A_1849 : vector<128x256xf32>
    %sub3A_1853 = arith.subf %get3A_1845, %get3A_1837 : vector<256xf32>
    %broadcast_in_dim3A_1854 = vector.shape_cast %sub3A_1853 : vector<256xf32> to vector<1x256xf32>
    %mul3A_1855 = vector.broadcast %broadcast_in_dim3A_1854 : vector<1x256xf32> to vector<128x256xf32>
    %mul3A_1856 = arith.mulf %slice3A_1829, %mul3A_1855 : vector<128x256xf32>
    %broadcast_in_dim3A_1857 = vector.shape_cast %get3A_1837 : vector<256xf32> to vector<1x256xf32>
    %add3A_1858 = vector.broadcast %broadcast_in_dim3A_1857 : vector<1x256xf32> to vector<128x256xf32>
    %add3A_1859 = arith.addf %add3A_1858, %mul3A_1856 : vector<128x256xf32>
    %mul3A_1860 = arith.mulf %sub3A_1825, %add3A_1852 : vector<128x256xf32>
    %mul3A_1861 = arith.mulf %add3A_1828, %add3A_1859 : vector<128x256xf32>
    %sub3A_1862 = arith.subf %mul3A_1860, %mul3A_1861 : vector<128x256xf32>
    %mul3A_1863 = arith.mulf %sub3A_1825, %add3A_1859 : vector<128x256xf32>
    %mul3A_1864 = arith.mulf %add3A_1828, %add3A_1852 : vector<128x256xf32>
    %add3A_1865 = arith.addf %mul3A_1863, %mul3A_1864 : vector<128x256xf32>
    %slice3A_1866 = vector.extract_strided_slice %dot_general3A_5 {offsets = [0, 1536], sizes = [128, 256], strides = [1, 1]} : vector<128x2304xf32> to vector<128x256xf32>
    %get3A_1867 = arith.constant 53 : index
    %get3A_1868 = arith.constant 0 : index
    %get3A_1869 = vector.load %arg3[%get3A_1867, %get3A_1868] : memref<144x256xf32, #tpu.memory_space<vmem>>, vector<1x256xf32>
    %get3A_1870 = vector.shape_cast %get3A_1869 : vector<1x256xf32> to vector<256xf32>
    %get3A_1871 = arith.constant 53 : index
    %get3A_1872 = arith.constant 0 : index
    %get3A_1873 = vector.load %arg4[%get3A_1871, %get3A_1872] : memref<144x256xf32, #tpu.memory_space<vmem>>, vector<1x256xf32>
    %get3A_1874 = vector.shape_cast %get3A_1873 : vector<1x256xf32> to vector<256xf32>
    %get3A_1875 = arith.constant 125 : index
    %get3A_1876 = arith.constant 0 : index
    %get3A_1877 = vector.load %arg3[%get3A_1875, %get3A_1876] : memref<144x256xf32, #tpu.memory_space<vmem>>, vector<1x256xf32>
    %get3A_1878 = vector.shape_cast %get3A_1877 : vector<1x256xf32> to vector<256xf32>
    %get3A_1879 = arith.constant 125 : index
    %get3A_1880 = arith.constant 0 : index
    %get3A_1881 = vector.load %arg4[%get3A_1879, %get3A_1880] : memref<144x256xf32, #tpu.memory_space<vmem>>, vector<1x256xf32>
    %get3A_1882 = vector.shape_cast %get3A_1881 : vector<1x256xf32> to vector<256xf32>
    %sub3A_1883 = arith.subf %get3A_1878, %get3A_1870 : vector<256xf32>
    %broadcast_in_dim3A_1884 = vector.shape_cast %sub3A_1883 : vector<256xf32> to vector<1x256xf32>
    %mul3A_1885 = vector.broadcast %broadcast_in_dim3A_1884 : vector<1x256xf32> to vector<128x256xf32>
    %mul3A_1886 = arith.mulf %slice3A_1866, %mul3A_1885 : vector<128x256xf32>
    %broadcast_in_dim3A_1887 = vector.shape_cast %get3A_1870 : vector<256xf32> to vector<1x256xf32>
    %add3A_1888 = vector.broadcast %broadcast_in_dim3A_1887 : vector<1x256xf32> to vector<128x256xf32>
    %add3A_1889 = arith.addf %add3A_1888, %mul3A_1886 : vector<128x256xf32>
    %sub3A_1890 = arith.subf %get3A_1882, %get3A_1874 : vector<256xf32>
    %broadcast_in_dim3A_1891 = vector.shape_cast %sub3A_1890 : vector<256xf32> to vector<1x256xf32>
    %mul3A_1892 = vector.broadcast %broadcast_in_dim3A_1891 : vector<1x256xf32> to vector<128x256xf32>
    %mul3A_1893 = arith.mulf %slice3A_1866, %mul3A_1892 : vector<128x256xf32>
    %broadcast_in_dim3A_1894 = vector.shape_cast %get3A_1874 : vector<256xf32> to vector<1x256xf32>
    %add3A_1895 = vector.broadcast %broadcast_in_dim3A_1894 : vector<1x256xf32> to vector<128x256xf32>
    %add3A_1896 = arith.addf %add3A_1895, %mul3A_1893 : vector<128x256xf32>
    %mul3A_1897 = arith.mulf %sub3A_1862, %add3A_1889 : vector<128x256xf32>
    %mul3A_1898 = arith.mulf %add3A_1865, %add3A_1896 : vector<128x256xf32>
    %sub3A_1899 = arith.subf %mul3A_1897, %mul3A_1898 : vector<128x256xf32>
    %mul3A_1900 = arith.mulf %sub3A_1862, %add3A_1896 : vector<128x256xf32>
    %mul3A_1901 = arith.mulf %add3A_1865, %add3A_1889 : vector<128x256xf32>
    %add3A_1902 = arith.addf %mul3A_1900, %mul3A_1901 : vector<128x256xf32>
    %slice3A_1903 = vector.extract_strided_slice %dot_general3A_5 {offsets = [0, 1792], sizes = [128, 256], strides = [1, 1]} : vector<128x2304xf32> to vector<128x256xf32>
    %get3A_1904 = arith.constant 61 : index
    %get3A_1905 = arith.constant 0 : index
    %get3A_1906 = vector.load %arg3[%get3A_1904, %get3A_1905] : memref<144x256xf32, #tpu.memory_space<vmem>>, vector<1x256xf32>
    %get3A_1907 = vector.shape_cast %get3A_1906 : vector<1x256xf32> to vector<256xf32>
    %get3A_1908 = arith.constant 61 : index
    %get3A_1909 = arith.constant 0 : index
    %get3A_1910 = vector.load %arg4[%get3A_1908, %get3A_1909] : memref<144x256xf32, #tpu.memory_space<vmem>>, vector<1x256xf32>
    %get3A_1911 = vector.shape_cast %get3A_1910 : vector<1x256xf32> to vector<256xf32>
    %get3A_1912 = arith.constant 133 : index
    %get3A_1913 = arith.constant 0 : index
    %get3A_1914 = vector.load %arg3[%get3A_1912, %get3A_1913] : memref<144x256xf32, #tpu.memory_space<vmem>>, vector<1x256xf32>
    %get3A_1915 = vector.shape_cast %get3A_1914 : vector<1x256xf32> to vector<256xf32>
    %get3A_1916 = arith.constant 133 : index
    %get3A_1917 = arith.constant 0 : index
    %get3A_1918 = vector.load %arg4[%get3A_1916, %get3A_1917] : memref<144x256xf32, #tpu.memory_space<vmem>>, vector<1x256xf32>
    %get3A_1919 = vector.shape_cast %get3A_1918 : vector<1x256xf32> to vector<256xf32>
    %sub3A_1920 = arith.subf %get3A_1915, %get3A_1907 : vector<256xf32>
    %broadcast_in_dim3A_1921 = vector.shape_cast %sub3A_1920 : vector<256xf32> to vector<1x256xf32>
    %mul3A_1922 = vector.broadcast %broadcast_in_dim3A_1921 : vector<1x256xf32> to vector<128x256xf32>
    %mul3A_1923 = arith.mulf %slice3A_1903, %mul3A_1922 : vector<128x256xf32>
    %broadcast_in_dim3A_1924 = vector.shape_cast %get3A_1907 : vector<256xf32> to vector<1x256xf32>
    %add3A_1925 = vector.broadcast %broadcast_in_dim3A_1924 : vector<1x256xf32> to vector<128x256xf32>
    %add3A_1926 = arith.addf %add3A_1925, %mul3A_1923 : vector<128x256xf32>
    %sub3A_1927 = arith.subf %get3A_1919, %get3A_1911 : vector<256xf32>
    %broadcast_in_dim3A_1928 = vector.shape_cast %sub3A_1927 : vector<256xf32> to vector<1x256xf32>
    %mul3A_1929 = vector.broadcast %broadcast_in_dim3A_1928 : vector<1x256xf32> to vector<128x256xf32>
    %mul3A_1930 = arith.mulf %slice3A_1903, %mul3A_1929 : vector<128x256xf32>
    %broadcast_in_dim3A_1931 = vector.shape_cast %get3A_1911 : vector<256xf32> to vector<1x256xf32>
    %add3A_1932 = vector.broadcast %broadcast_in_dim3A_1931 : vector<1x256xf32> to vector<128x256xf32>
    %add3A_1933 = arith.addf %add3A_1932, %mul3A_1930 : vector<128x256xf32>
    %mul3A_1934 = arith.mulf %sub3A_1899, %add3A_1926 : vector<128x256xf32>
    %mul3A_1935 = arith.mulf %add3A_1902, %add3A_1933 : vector<128x256xf32>
    %sub3A_1936 = arith.subf %mul3A_1934, %mul3A_1935 : vector<128x256xf32>
    %mul3A_1937 = arith.mulf %sub3A_1899, %add3A_1933 : vector<128x256xf32>
    %mul3A_1938 = arith.mulf %add3A_1902, %add3A_1926 : vector<128x256xf32>
    %add3A_1939 = arith.addf %mul3A_1937, %mul3A_1938 : vector<128x256xf32>
    %slice3A_1940 = vector.extract_strided_slice %dot_general3A_5 {offsets = [0, 2048], sizes = [128, 256], strides = [1, 1]} : vector<128x2304xf32> to vector<128x256xf32>
    %get3A_1941 = arith.constant 69 : index
    %get3A_1942 = arith.constant 0 : index
    %get3A_1943 = vector.load %arg3[%get3A_1941, %get3A_1942] : memref<144x256xf32, #tpu.memory_space<vmem>>, vector<1x256xf32>
    %get3A_1944 = vector.shape_cast %get3A_1943 : vector<1x256xf32> to vector<256xf32>
    %get3A_1945 = arith.constant 69 : index
    %get3A_1946 = arith.constant 0 : index
    %get3A_1947 = vector.load %arg4[%get3A_1945, %get3A_1946] : memref<144x256xf32, #tpu.memory_space<vmem>>, vector<1x256xf32>
    %get3A_1948 = vector.shape_cast %get3A_1947 : vector<1x256xf32> to vector<256xf32>
    %get3A_1949 = arith.constant 141 : index
    %get3A_1950 = arith.constant 0 : index
    %get3A_1951 = vector.load %arg3[%get3A_1949, %get3A_1950] : memref<144x256xf32, #tpu.memory_space<vmem>>, vector<1x256xf32>
    %get3A_1952 = vector.shape_cast %get3A_1951 : vector<1x256xf32> to vector<256xf32>
    %get3A_1953 = arith.constant 141 : index
    %get3A_1954 = arith.constant 0 : index
    %get3A_1955 = vector.load %arg4[%get3A_1953, %get3A_1954] : memref<144x256xf32, #tpu.memory_space<vmem>>, vector<1x256xf32>
    %get3A_1956 = vector.shape_cast %get3A_1955 : vector<1x256xf32> to vector<256xf32>
    %sub3A_1957 = arith.subf %get3A_1952, %get3A_1944 : vector<256xf32>
    %broadcast_in_dim3A_1958 = vector.shape_cast %sub3A_1957 : vector<256xf32> to vector<1x256xf32>
    %mul3A_1959 = vector.broadcast %broadcast_in_dim3A_1958 : vector<1x256xf32> to vector<128x256xf32>
    %mul3A_1960 = arith.mulf %slice3A_1940, %mul3A_1959 : vector<128x256xf32>
    %broadcast_in_dim3A_1961 = vector.shape_cast %get3A_1944 : vector<256xf32> to vector<1x256xf32>
    %add3A_1962 = vector.broadcast %broadcast_in_dim3A_1961 : vector<1x256xf32> to vector<128x256xf32>
    %add3A_1963 = arith.addf %add3A_1962, %mul3A_1960 : vector<128x256xf32>
    %sub3A_1964 = arith.subf %get3A_1956, %get3A_1948 : vector<256xf32>
    %broadcast_in_dim3A_1965 = vector.shape_cast %sub3A_1964 : vector<256xf32> to vector<1x256xf32>
    %mul3A_1966 = vector.broadcast %broadcast_in_dim3A_1965 : vector<1x256xf32> to vector<128x256xf32>
    %mul3A_1967 = arith.mulf %slice3A_1940, %mul3A_1966 : vector<128x256xf32>
    %broadcast_in_dim3A_1968 = vector.shape_cast %get3A_1948 : vector<256xf32> to vector<1x256xf32>
    %add3A_1969 = vector.broadcast %broadcast_in_dim3A_1968 : vector<1x256xf32> to vector<128x256xf32>
    %add3A_1970 = arith.addf %add3A_1969, %mul3A_1967 : vector<128x256xf32>
    %mul3A_1971 = arith.mulf %sub3A_1936, %add3A_1963 : vector<128x256xf32>
    %mul3A_1972 = arith.mulf %add3A_1939, %add3A_1970 : vector<128x256xf32>
    %sub3A_1973 = arith.subf %mul3A_1971, %mul3A_1972 : vector<128x256xf32>
    %mul3A_1974 = arith.mulf %sub3A_1936, %add3A_1970 : vector<128x256xf32>
    %mul3A_1975 = arith.mulf %add3A_1939, %add3A_1963 : vector<128x256xf32>
    %add3A_1976 = arith.addf %mul3A_1974, %mul3A_1975 : vector<128x256xf32>
    %add3A_1977 = arith.addf %add3A_1648, %sub3A_1973 : vector<128x256xf32>
    %add3A_1978 = arith.addf %add3A_1649, %add3A_1976 : vector<128x256xf32>
    %slice3A_1979 = vector.extract_strided_slice %dot_general3A_5 {offsets = [0, 0], sizes = [128, 256], strides = [1, 1]} : vector<128x2304xf32> to vector<128x256xf32>
    %get3A_1980 = arith.constant 6 : index
    %get3A_1981 = arith.constant 0 : index
    %get3A_1982 = vector.load %arg3[%get3A_1980, %get3A_1981] : memref<144x256xf32, #tpu.memory_space<vmem>>, vector<1x256xf32>
    %get3A_1983 = vector.shape_cast %get3A_1982 : vector<1x256xf32> to vector<256xf32>
    %get3A_1984 = arith.constant 6 : index
    %get3A_1985 = arith.constant 0 : index
    %get3A_1986 = vector.load %arg4[%get3A_1984, %get3A_1985] : memref<144x256xf32, #tpu.memory_space<vmem>>, vector<1x256xf32>
    %get3A_1987 = vector.shape_cast %get3A_1986 : vector<1x256xf32> to vector<256xf32>
    %get3A_1988 = arith.constant 78 : index
    %get3A_1989 = arith.constant 0 : index
    %get3A_1990 = vector.load %arg3[%get3A_1988, %get3A_1989] : memref<144x256xf32, #tpu.memory_space<vmem>>, vector<1x256xf32>
    %get3A_1991 = vector.shape_cast %get3A_1990 : vector<1x256xf32> to vector<256xf32>
    %get3A_1992 = arith.constant 78 : index
    %get3A_1993 = arith.constant 0 : index
    %get3A_1994 = vector.load %arg4[%get3A_1992, %get3A_1993] : memref<144x256xf32, #tpu.memory_space<vmem>>, vector<1x256xf32>
    %get3A_1995 = vector.shape_cast %get3A_1994 : vector<1x256xf32> to vector<256xf32>
    %sub3A_1996 = arith.subf %get3A_1991, %get3A_1983 : vector<256xf32>
    %broadcast_in_dim3A_1997 = vector.shape_cast %sub3A_1996 : vector<256xf32> to vector<1x256xf32>
    %mul3A_1998 = vector.broadcast %broadcast_in_dim3A_1997 : vector<1x256xf32> to vector<128x256xf32>
    %mul3A_1999 = arith.mulf %slice3A_1979, %mul3A_1998 : vector<128x256xf32>
    %broadcast_in_dim3A_2000 = vector.shape_cast %get3A_1983 : vector<256xf32> to vector<1x256xf32>
    %add3A_2001 = vector.broadcast %broadcast_in_dim3A_2000 : vector<1x256xf32> to vector<128x256xf32>
    %add3A_2002 = arith.addf %add3A_2001, %mul3A_1999 : vector<128x256xf32>
    %sub3A_2003 = arith.subf %get3A_1995, %get3A_1987 : vector<256xf32>
    %broadcast_in_dim3A_2004 = vector.shape_cast %sub3A_2003 : vector<256xf32> to vector<1x256xf32>
    %mul3A_2005 = vector.broadcast %broadcast_in_dim3A_2004 : vector<1x256xf32> to vector<128x256xf32>
    %mul3A_2006 = arith.mulf %slice3A_1979, %mul3A_2005 : vector<128x256xf32>
    %broadcast_in_dim3A_2007 = vector.shape_cast %get3A_1987 : vector<256xf32> to vector<1x256xf32>
    %add3A_2008 = vector.broadcast %broadcast_in_dim3A_2007 : vector<1x256xf32> to vector<128x256xf32>
    %add3A_2009 = arith.addf %add3A_2008, %mul3A_2006 : vector<128x256xf32>
    %slice3A_2010 = vector.extract_strided_slice %dot_general3A_5 {offsets = [0, 256], sizes = [128, 256], strides = [1, 1]} : vector<128x2304xf32> to vector<128x256xf32>
    %get3A_2011 = arith.constant 14 : index
    %get3A_2012 = arith.constant 0 : index
    %get3A_2013 = vector.load %arg3[%get3A_2011, %get3A_2012] : memref<144x256xf32, #tpu.memory_space<vmem>>, vector<1x256xf32>
    %get3A_2014 = vector.shape_cast %get3A_2013 : vector<1x256xf32> to vector<256xf32>
    %get3A_2015 = arith.constant 14 : index
    %get3A_2016 = arith.constant 0 : index
    %get3A_2017 = vector.load %arg4[%get3A_2015, %get3A_2016] : memref<144x256xf32, #tpu.memory_space<vmem>>, vector<1x256xf32>
    %get3A_2018 = vector.shape_cast %get3A_2017 : vector<1x256xf32> to vector<256xf32>
    %get3A_2019 = arith.constant 86 : index
    %get3A_2020 = arith.constant 0 : index
    %get3A_2021 = vector.load %arg3[%get3A_2019, %get3A_2020] : memref<144x256xf32, #tpu.memory_space<vmem>>, vector<1x256xf32>
    %get3A_2022 = vector.shape_cast %get3A_2021 : vector<1x256xf32> to vector<256xf32>
    %get3A_2023 = arith.constant 86 : index
    %get3A_2024 = arith.constant 0 : index
    %get3A_2025 = vector.load %arg4[%get3A_2023, %get3A_2024] : memref<144x256xf32, #tpu.memory_space<vmem>>, vector<1x256xf32>
    %get3A_2026 = vector.shape_cast %get3A_2025 : vector<1x256xf32> to vector<256xf32>
    %sub3A_2027 = arith.subf %get3A_2022, %get3A_2014 : vector<256xf32>
    %broadcast_in_dim3A_2028 = vector.shape_cast %sub3A_2027 : vector<256xf32> to vector<1x256xf32>
    %mul3A_2029 = vector.broadcast %broadcast_in_dim3A_2028 : vector<1x256xf32> to vector<128x256xf32>
    %mul3A_2030 = arith.mulf %slice3A_2010, %mul3A_2029 : vector<128x256xf32>
    %broadcast_in_dim3A_2031 = vector.shape_cast %get3A_2014 : vector<256xf32> to vector<1x256xf32>
    %add3A_2032 = vector.broadcast %broadcast_in_dim3A_2031 : vector<1x256xf32> to vector<128x256xf32>
    %add3A_2033 = arith.addf %add3A_2032, %mul3A_2030 : vector<128x256xf32>
    %sub3A_2034 = arith.subf %get3A_2026, %get3A_2018 : vector<256xf32>
    %broadcast_in_dim3A_2035 = vector.shape_cast %sub3A_2034 : vector<256xf32> to vector<1x256xf32>
    %mul3A_2036 = vector.broadcast %broadcast_in_dim3A_2035 : vector<1x256xf32> to vector<128x256xf32>
    %mul3A_2037 = arith.mulf %slice3A_2010, %mul3A_2036 : vector<128x256xf32>
    %broadcast_in_dim3A_2038 = vector.shape_cast %get3A_2018 : vector<256xf32> to vector<1x256xf32>
    %add3A_2039 = vector.broadcast %broadcast_in_dim3A_2038 : vector<1x256xf32> to vector<128x256xf32>
    %add3A_2040 = arith.addf %add3A_2039, %mul3A_2037 : vector<128x256xf32>
    %mul3A_2041 = arith.mulf %add3A_2002, %add3A_2033 : vector<128x256xf32>
    %mul3A_2042 = arith.mulf %add3A_2009, %add3A_2040 : vector<128x256xf32>
    %sub3A_2043 = arith.subf %mul3A_2041, %mul3A_2042 : vector<128x256xf32>
    %mul3A_2044 = arith.mulf %add3A_2002, %add3A_2040 : vector<128x256xf32>
    %mul3A_2045 = arith.mulf %add3A_2009, %add3A_2033 : vector<128x256xf32>
    %add3A_2046 = arith.addf %mul3A_2044, %mul3A_2045 : vector<128x256xf32>
    %slice3A_2047 = vector.extract_strided_slice %dot_general3A_5 {offsets = [0, 512], sizes = [128, 256], strides = [1, 1]} : vector<128x2304xf32> to vector<128x256xf32>
    %get3A_2048 = arith.constant 22 : index
    %get3A_2049 = arith.constant 0 : index
    %get3A_2050 = vector.load %arg3[%get3A_2048, %get3A_2049] : memref<144x256xf32, #tpu.memory_space<vmem>>, vector<1x256xf32>
    %get3A_2051 = vector.shape_cast %get3A_2050 : vector<1x256xf32> to vector<256xf32>
    %get3A_2052 = arith.constant 22 : index
    %get3A_2053 = arith.constant 0 : index
    %get3A_2054 = vector.load %arg4[%get3A_2052, %get3A_2053] : memref<144x256xf32, #tpu.memory_space<vmem>>, vector<1x256xf32>
    %get3A_2055 = vector.shape_cast %get3A_2054 : vector<1x256xf32> to vector<256xf32>
    %get3A_2056 = arith.constant 94 : index
    %get3A_2057 = arith.constant 0 : index
    %get3A_2058 = vector.load %arg3[%get3A_2056, %get3A_2057] : memref<144x256xf32, #tpu.memory_space<vmem>>, vector<1x256xf32>
    %get3A_2059 = vector.shape_cast %get3A_2058 : vector<1x256xf32> to vector<256xf32>
    %get3A_2060 = arith.constant 94 : index
    %get3A_2061 = arith.constant 0 : index
    %get3A_2062 = vector.load %arg4[%get3A_2060, %get3A_2061] : memref<144x256xf32, #tpu.memory_space<vmem>>, vector<1x256xf32>
    %get3A_2063 = vector.shape_cast %get3A_2062 : vector<1x256xf32> to vector<256xf32>
    %sub3A_2064 = arith.subf %get3A_2059, %get3A_2051 : vector<256xf32>
    %broadcast_in_dim3A_2065 = vector.shape_cast %sub3A_2064 : vector<256xf32> to vector<1x256xf32>
    %mul3A_2066 = vector.broadcast %broadcast_in_dim3A_2065 : vector<1x256xf32> to vector<128x256xf32>
    %mul3A_2067 = arith.mulf %slice3A_2047, %mul3A_2066 : vector<128x256xf32>
    %broadcast_in_dim3A_2068 = vector.shape_cast %get3A_2051 : vector<256xf32> to vector<1x256xf32>
    %add3A_2069 = vector.broadcast %broadcast_in_dim3A_2068 : vector<1x256xf32> to vector<128x256xf32>
    %add3A_2070 = arith.addf %add3A_2069, %mul3A_2067 : vector<128x256xf32>
    %sub3A_2071 = arith.subf %get3A_2063, %get3A_2055 : vector<256xf32>
    %broadcast_in_dim3A_2072 = vector.shape_cast %sub3A_2071 : vector<256xf32> to vector<1x256xf32>
    %mul3A_2073 = vector.broadcast %broadcast_in_dim3A_2072 : vector<1x256xf32> to vector<128x256xf32>
    %mul3A_2074 = arith.mulf %slice3A_2047, %mul3A_2073 : vector<128x256xf32>
    %broadcast_in_dim3A_2075 = vector.shape_cast %get3A_2055 : vector<256xf32> to vector<1x256xf32>
    %add3A_2076 = vector.broadcast %broadcast_in_dim3A_2075 : vector<1x256xf32> to vector<128x256xf32>
    %add3A_2077 = arith.addf %add3A_2076, %mul3A_2074 : vector<128x256xf32>
    %mul3A_2078 = arith.mulf %sub3A_2043, %add3A_2070 : vector<128x256xf32>
    %mul3A_2079 = arith.mulf %add3A_2046, %add3A_2077 : vector<128x256xf32>
    %sub3A_2080 = arith.subf %mul3A_2078, %mul3A_2079 : vector<128x256xf32>
    %mul3A_2081 = arith.mulf %sub3A_2043, %add3A_2077 : vector<128x256xf32>
    %mul3A_2082 = arith.mulf %add3A_2046, %add3A_2070 : vector<128x256xf32>
    %add3A_2083 = arith.addf %mul3A_2081, %mul3A_2082 : vector<128x256xf32>
    %slice3A_2084 = vector.extract_strided_slice %dot_general3A_5 {offsets = [0, 768], sizes = [128, 256], strides = [1, 1]} : vector<128x2304xf32> to vector<128x256xf32>
    %get3A_2085 = arith.constant 30 : index
    %get3A_2086 = arith.constant 0 : index
    %get3A_2087 = vector.load %arg3[%get3A_2085, %get3A_2086] : memref<144x256xf32, #tpu.memory_space<vmem>>, vector<1x256xf32>
    %get3A_2088 = vector.shape_cast %get3A_2087 : vector<1x256xf32> to vector<256xf32>
    %get3A_2089 = arith.constant 30 : index
    %get3A_2090 = arith.constant 0 : index
    %get3A_2091 = vector.load %arg4[%get3A_2089, %get3A_2090] : memref<144x256xf32, #tpu.memory_space<vmem>>, vector<1x256xf32>
    %get3A_2092 = vector.shape_cast %get3A_2091 : vector<1x256xf32> to vector<256xf32>
    %get3A_2093 = arith.constant 102 : index
    %get3A_2094 = arith.constant 0 : index
    %get3A_2095 = vector.load %arg3[%get3A_2093, %get3A_2094] : memref<144x256xf32, #tpu.memory_space<vmem>>, vector<1x256xf32>
    %get3A_2096 = vector.shape_cast %get3A_2095 : vector<1x256xf32> to vector<256xf32>
    %get3A_2097 = arith.constant 102 : index
    %get3A_2098 = arith.constant 0 : index
    %get3A_2099 = vector.load %arg4[%get3A_2097, %get3A_2098] : memref<144x256xf32, #tpu.memory_space<vmem>>, vector<1x256xf32>
    %get3A_2100 = vector.shape_cast %get3A_2099 : vector<1x256xf32> to vector<256xf32>
    %sub3A_2101 = arith.subf %get3A_2096, %get3A_2088 : vector<256xf32>
    %broadcast_in_dim3A_2102 = vector.shape_cast %sub3A_2101 : vector<256xf32> to vector<1x256xf32>
    %mul3A_2103 = vector.broadcast %broadcast_in_dim3A_2102 : vector<1x256xf32> to vector<128x256xf32>
    %mul3A_2104 = arith.mulf %slice3A_2084, %mul3A_2103 : vector<128x256xf32>
    %broadcast_in_dim3A_2105 = vector.shape_cast %get3A_2088 : vector<256xf32> to vector<1x256xf32>
    %add3A_2106 = vector.broadcast %broadcast_in_dim3A_2105 : vector<1x256xf32> to vector<128x256xf32>
    %add3A_2107 = arith.addf %add3A_2106, %mul3A_2104 : vector<128x256xf32>
    %sub3A_2108 = arith.subf %get3A_2100, %get3A_2092 : vector<256xf32>
    %broadcast_in_dim3A_2109 = vector.shape_cast %sub3A_2108 : vector<256xf32> to vector<1x256xf32>
    %mul3A_2110 = vector.broadcast %broadcast_in_dim3A_2109 : vector<1x256xf32> to vector<128x256xf32>
    %mul3A_2111 = arith.mulf %slice3A_2084, %mul3A_2110 : vector<128x256xf32>
    %broadcast_in_dim3A_2112 = vector.shape_cast %get3A_2092 : vector<256xf32> to vector<1x256xf32>
    %add3A_2113 = vector.broadcast %broadcast_in_dim3A_2112 : vector<1x256xf32> to vector<128x256xf32>
    %add3A_2114 = arith.addf %add3A_2113, %mul3A_2111 : vector<128x256xf32>
    %mul3A_2115 = arith.mulf %sub3A_2080, %add3A_2107 : vector<128x256xf32>
    %mul3A_2116 = arith.mulf %add3A_2083, %add3A_2114 : vector<128x256xf32>
    %sub3A_2117 = arith.subf %mul3A_2115, %mul3A_2116 : vector<128x256xf32>
    %mul3A_2118 = arith.mulf %sub3A_2080, %add3A_2114 : vector<128x256xf32>
    %mul3A_2119 = arith.mulf %add3A_2083, %add3A_2107 : vector<128x256xf32>
    %add3A_2120 = arith.addf %mul3A_2118, %mul3A_2119 : vector<128x256xf32>
    %slice3A_2121 = vector.extract_strided_slice %dot_general3A_5 {offsets = [0, 1024], sizes = [128, 256], strides = [1, 1]} : vector<128x2304xf32> to vector<128x256xf32>
    %get3A_2122 = arith.constant 38 : index
    %get3A_2123 = arith.constant 0 : index
    %get3A_2124 = vector.load %arg3[%get3A_2122, %get3A_2123] : memref<144x256xf32, #tpu.memory_space<vmem>>, vector<1x256xf32>
    %get3A_2125 = vector.shape_cast %get3A_2124 : vector<1x256xf32> to vector<256xf32>
    %get3A_2126 = arith.constant 38 : index
    %get3A_2127 = arith.constant 0 : index
    %get3A_2128 = vector.load %arg4[%get3A_2126, %get3A_2127] : memref<144x256xf32, #tpu.memory_space<vmem>>, vector<1x256xf32>
    %get3A_2129 = vector.shape_cast %get3A_2128 : vector<1x256xf32> to vector<256xf32>
    %get3A_2130 = arith.constant 110 : index
    %get3A_2131 = arith.constant 0 : index
    %get3A_2132 = vector.load %arg3[%get3A_2130, %get3A_2131] : memref<144x256xf32, #tpu.memory_space<vmem>>, vector<1x256xf32>
    %get3A_2133 = vector.shape_cast %get3A_2132 : vector<1x256xf32> to vector<256xf32>
    %get3A_2134 = arith.constant 110 : index
    %get3A_2135 = arith.constant 0 : index
    %get3A_2136 = vector.load %arg4[%get3A_2134, %get3A_2135] : memref<144x256xf32, #tpu.memory_space<vmem>>, vector<1x256xf32>
    %get3A_2137 = vector.shape_cast %get3A_2136 : vector<1x256xf32> to vector<256xf32>
    %sub3A_2138 = arith.subf %get3A_2133, %get3A_2125 : vector<256xf32>
    %broadcast_in_dim3A_2139 = vector.shape_cast %sub3A_2138 : vector<256xf32> to vector<1x256xf32>
    %mul3A_2140 = vector.broadcast %broadcast_in_dim3A_2139 : vector<1x256xf32> to vector<128x256xf32>
    %mul3A_2141 = arith.mulf %slice3A_2121, %mul3A_2140 : vector<128x256xf32>
    %broadcast_in_dim3A_2142 = vector.shape_cast %get3A_2125 : vector<256xf32> to vector<1x256xf32>
    %add3A_2143 = vector.broadcast %broadcast_in_dim3A_2142 : vector<1x256xf32> to vector<128x256xf32>
    %add3A_2144 = arith.addf %add3A_2143, %mul3A_2141 : vector<128x256xf32>
    %sub3A_2145 = arith.subf %get3A_2137, %get3A_2129 : vector<256xf32>
    %broadcast_in_dim3A_2146 = vector.shape_cast %sub3A_2145 : vector<256xf32> to vector<1x256xf32>
    %mul3A_2147 = vector.broadcast %broadcast_in_dim3A_2146 : vector<1x256xf32> to vector<128x256xf32>
    %mul3A_2148 = arith.mulf %slice3A_2121, %mul3A_2147 : vector<128x256xf32>
    %broadcast_in_dim3A_2149 = vector.shape_cast %get3A_2129 : vector<256xf32> to vector<1x256xf32>
    %add3A_2150 = vector.broadcast %broadcast_in_dim3A_2149 : vector<1x256xf32> to vector<128x256xf32>
    %add3A_2151 = arith.addf %add3A_2150, %mul3A_2148 : vector<128x256xf32>
    %mul3A_2152 = arith.mulf %sub3A_2117, %add3A_2144 : vector<128x256xf32>
    %mul3A_2153 = arith.mulf %add3A_2120, %add3A_2151 : vector<128x256xf32>
    %sub3A_2154 = arith.subf %mul3A_2152, %mul3A_2153 : vector<128x256xf32>
    %mul3A_2155 = arith.mulf %sub3A_2117, %add3A_2151 : vector<128x256xf32>
    %mul3A_2156 = arith.mulf %add3A_2120, %add3A_2144 : vector<128x256xf32>
    %add3A_2157 = arith.addf %mul3A_2155, %mul3A_2156 : vector<128x256xf32>
    %slice3A_2158 = vector.extract_strided_slice %dot_general3A_5 {offsets = [0, 1280], sizes = [128, 256], strides = [1, 1]} : vector<128x2304xf32> to vector<128x256xf32>
    %get3A_2159 = arith.constant 46 : index
    %get3A_2160 = arith.constant 0 : index
    %get3A_2161 = vector.load %arg3[%get3A_2159, %get3A_2160] : memref<144x256xf32, #tpu.memory_space<vmem>>, vector<1x256xf32>
    %get3A_2162 = vector.shape_cast %get3A_2161 : vector<1x256xf32> to vector<256xf32>
    %get3A_2163 = arith.constant 46 : index
    %get3A_2164 = arith.constant 0 : index
    %get3A_2165 = vector.load %arg4[%get3A_2163, %get3A_2164] : memref<144x256xf32, #tpu.memory_space<vmem>>, vector<1x256xf32>
    %get3A_2166 = vector.shape_cast %get3A_2165 : vector<1x256xf32> to vector<256xf32>
    %get3A_2167 = arith.constant 118 : index
    %get3A_2168 = arith.constant 0 : index
    %get3A_2169 = vector.load %arg3[%get3A_2167, %get3A_2168] : memref<144x256xf32, #tpu.memory_space<vmem>>, vector<1x256xf32>
    %get3A_2170 = vector.shape_cast %get3A_2169 : vector<1x256xf32> to vector<256xf32>
    %get3A_2171 = arith.constant 118 : index
    %get3A_2172 = arith.constant 0 : index
    %get3A_2173 = vector.load %arg4[%get3A_2171, %get3A_2172] : memref<144x256xf32, #tpu.memory_space<vmem>>, vector<1x256xf32>
    %get3A_2174 = vector.shape_cast %get3A_2173 : vector<1x256xf32> to vector<256xf32>
    %sub3A_2175 = arith.subf %get3A_2170, %get3A_2162 : vector<256xf32>
    %broadcast_in_dim3A_2176 = vector.shape_cast %sub3A_2175 : vector<256xf32> to vector<1x256xf32>
    %mul3A_2177 = vector.broadcast %broadcast_in_dim3A_2176 : vector<1x256xf32> to vector<128x256xf32>
    %mul3A_2178 = arith.mulf %slice3A_2158, %mul3A_2177 : vector<128x256xf32>
    %broadcast_in_dim3A_2179 = vector.shape_cast %get3A_2162 : vector<256xf32> to vector<1x256xf32>
    %add3A_2180 = vector.broadcast %broadcast_in_dim3A_2179 : vector<1x256xf32> to vector<128x256xf32>
    %add3A_2181 = arith.addf %add3A_2180, %mul3A_2178 : vector<128x256xf32>
    %sub3A_2182 = arith.subf %get3A_2174, %get3A_2166 : vector<256xf32>
    %broadcast_in_dim3A_2183 = vector.shape_cast %sub3A_2182 : vector<256xf32> to vector<1x256xf32>
    %mul3A_2184 = vector.broadcast %broadcast_in_dim3A_2183 : vector<1x256xf32> to vector<128x256xf32>
    %mul3A_2185 = arith.mulf %slice3A_2158, %mul3A_2184 : vector<128x256xf32>
    %broadcast_in_dim3A_2186 = vector.shape_cast %get3A_2166 : vector<256xf32> to vector<1x256xf32>
    %add3A_2187 = vector.broadcast %broadcast_in_dim3A_2186 : vector<1x256xf32> to vector<128x256xf32>
    %add3A_2188 = arith.addf %add3A_2187, %mul3A_2185 : vector<128x256xf32>
    %mul3A_2189 = arith.mulf %sub3A_2154, %add3A_2181 : vector<128x256xf32>
    %mul3A_2190 = arith.mulf %add3A_2157, %add3A_2188 : vector<128x256xf32>
    %sub3A_2191 = arith.subf %mul3A_2189, %mul3A_2190 : vector<128x256xf32>
    %mul3A_2192 = arith.mulf %sub3A_2154, %add3A_2188 : vector<128x256xf32>
    %mul3A_2193 = arith.mulf %add3A_2157, %add3A_2181 : vector<128x256xf32>
    %add3A_2194 = arith.addf %mul3A_2192, %mul3A_2193 : vector<128x256xf32>
    %slice3A_2195 = vector.extract_strided_slice %dot_general3A_5 {offsets = [0, 1536], sizes = [128, 256], strides = [1, 1]} : vector<128x2304xf32> to vector<128x256xf32>
    %get3A_2196 = arith.constant 54 : index
    %get3A_2197 = arith.constant 0 : index
    %get3A_2198 = vector.load %arg3[%get3A_2196, %get3A_2197] : memref<144x256xf32, #tpu.memory_space<vmem>>, vector<1x256xf32>
    %get3A_2199 = vector.shape_cast %get3A_2198 : vector<1x256xf32> to vector<256xf32>
    %get3A_2200 = arith.constant 54 : index
    %get3A_2201 = arith.constant 0 : index
    %get3A_2202 = vector.load %arg4[%get3A_2200, %get3A_2201] : memref<144x256xf32, #tpu.memory_space<vmem>>, vector<1x256xf32>
    %get3A_2203 = vector.shape_cast %get3A_2202 : vector<1x256xf32> to vector<256xf32>
    %get3A_2204 = arith.constant 126 : index
    %get3A_2205 = arith.constant 0 : index
    %get3A_2206 = vector.load %arg3[%get3A_2204, %get3A_2205] : memref<144x256xf32, #tpu.memory_space<vmem>>, vector<1x256xf32>
    %get3A_2207 = vector.shape_cast %get3A_2206 : vector<1x256xf32> to vector<256xf32>
    %get3A_2208 = arith.constant 126 : index
    %get3A_2209 = arith.constant 0 : index
    %get3A_2210 = vector.load %arg4[%get3A_2208, %get3A_2209] : memref<144x256xf32, #tpu.memory_space<vmem>>, vector<1x256xf32>
    %get3A_2211 = vector.shape_cast %get3A_2210 : vector<1x256xf32> to vector<256xf32>
    %sub3A_2212 = arith.subf %get3A_2207, %get3A_2199 : vector<256xf32>
    %broadcast_in_dim3A_2213 = vector.shape_cast %sub3A_2212 : vector<256xf32> to vector<1x256xf32>
    %mul3A_2214 = vector.broadcast %broadcast_in_dim3A_2213 : vector<1x256xf32> to vector<128x256xf32>
    %mul3A_2215 = arith.mulf %slice3A_2195, %mul3A_2214 : vector<128x256xf32>
    %broadcast_in_dim3A_2216 = vector.shape_cast %get3A_2199 : vector<256xf32> to vector<1x256xf32>
    %add3A_2217 = vector.broadcast %broadcast_in_dim3A_2216 : vector<1x256xf32> to vector<128x256xf32>
    %add3A_2218 = arith.addf %add3A_2217, %mul3A_2215 : vector<128x256xf32>
    %sub3A_2219 = arith.subf %get3A_2211, %get3A_2203 : vector<256xf32>
    %broadcast_in_dim3A_2220 = vector.shape_cast %sub3A_2219 : vector<256xf32> to vector<1x256xf32>
    %mul3A_2221 = vector.broadcast %broadcast_in_dim3A_2220 : vector<1x256xf32> to vector<128x256xf32>
    %mul3A_2222 = arith.mulf %slice3A_2195, %mul3A_2221 : vector<128x256xf32>
    %broadcast_in_dim3A_2223 = vector.shape_cast %get3A_2203 : vector<256xf32> to vector<1x256xf32>
    %add3A_2224 = vector.broadcast %broadcast_in_dim3A_2223 : vector<1x256xf32> to vector<128x256xf32>
    %add3A_2225 = arith.addf %add3A_2224, %mul3A_2222 : vector<128x256xf32>
    %mul3A_2226 = arith.mulf %sub3A_2191, %add3A_2218 : vector<128x256xf32>
    %mul3A_2227 = arith.mulf %add3A_2194, %add3A_2225 : vector<128x256xf32>
    %sub3A_2228 = arith.subf %mul3A_2226, %mul3A_2227 : vector<128x256xf32>
    %mul3A_2229 = arith.mulf %sub3A_2191, %add3A_2225 : vector<128x256xf32>
    %mul3A_2230 = arith.mulf %add3A_2194, %add3A_2218 : vector<128x256xf32>
    %add3A_2231 = arith.addf %mul3A_2229, %mul3A_2230 : vector<128x256xf32>
    %slice3A_2232 = vector.extract_strided_slice %dot_general3A_5 {offsets = [0, 1792], sizes = [128, 256], strides = [1, 1]} : vector<128x2304xf32> to vector<128x256xf32>
    %get3A_2233 = arith.constant 62 : index
    %get3A_2234 = arith.constant 0 : index
    %get3A_2235 = vector.load %arg3[%get3A_2233, %get3A_2234] : memref<144x256xf32, #tpu.memory_space<vmem>>, vector<1x256xf32>
    %get3A_2236 = vector.shape_cast %get3A_2235 : vector<1x256xf32> to vector<256xf32>
    %get3A_2237 = arith.constant 62 : index
    %get3A_2238 = arith.constant 0 : index
    %get3A_2239 = vector.load %arg4[%get3A_2237, %get3A_2238] : memref<144x256xf32, #tpu.memory_space<vmem>>, vector<1x256xf32>
    %get3A_2240 = vector.shape_cast %get3A_2239 : vector<1x256xf32> to vector<256xf32>
    %get3A_2241 = arith.constant 134 : index
    %get3A_2242 = arith.constant 0 : index
    %get3A_2243 = vector.load %arg3[%get3A_2241, %get3A_2242] : memref<144x256xf32, #tpu.memory_space<vmem>>, vector<1x256xf32>
    %get3A_2244 = vector.shape_cast %get3A_2243 : vector<1x256xf32> to vector<256xf32>
    %get3A_2245 = arith.constant 134 : index
    %get3A_2246 = arith.constant 0 : index
    %get3A_2247 = vector.load %arg4[%get3A_2245, %get3A_2246] : memref<144x256xf32, #tpu.memory_space<vmem>>, vector<1x256xf32>
    %get3A_2248 = vector.shape_cast %get3A_2247 : vector<1x256xf32> to vector<256xf32>
    %sub3A_2249 = arith.subf %get3A_2244, %get3A_2236 : vector<256xf32>
    %broadcast_in_dim3A_2250 = vector.shape_cast %sub3A_2249 : vector<256xf32> to vector<1x256xf32>
    %mul3A_2251 = vector.broadcast %broadcast_in_dim3A_2250 : vector<1x256xf32> to vector<128x256xf32>
    %mul3A_2252 = arith.mulf %slice3A_2232, %mul3A_2251 : vector<128x256xf32>
    %broadcast_in_dim3A_2253 = vector.shape_cast %get3A_2236 : vector<256xf32> to vector<1x256xf32>
    %add3A_2254 = vector.broadcast %broadcast_in_dim3A_2253 : vector<1x256xf32> to vector<128x256xf32>
    %add3A_2255 = arith.addf %add3A_2254, %mul3A_2252 : vector<128x256xf32>
    %sub3A_2256 = arith.subf %get3A_2248, %get3A_2240 : vector<256xf32>
    %broadcast_in_dim3A_2257 = vector.shape_cast %sub3A_2256 : vector<256xf32> to vector<1x256xf32>
    %mul3A_2258 = vector.broadcast %broadcast_in_dim3A_2257 : vector<1x256xf32> to vector<128x256xf32>
    %mul3A_2259 = arith.mulf %slice3A_2232, %mul3A_2258 : vector<128x256xf32>
    %broadcast_in_dim3A_2260 = vector.shape_cast %get3A_2240 : vector<256xf32> to vector<1x256xf32>
    %add3A_2261 = vector.broadcast %broadcast_in_dim3A_2260 : vector<1x256xf32> to vector<128x256xf32>
    %add3A_2262 = arith.addf %add3A_2261, %mul3A_2259 : vector<128x256xf32>
    %mul3A_2263 = arith.mulf %sub3A_2228, %add3A_2255 : vector<128x256xf32>
    %mul3A_2264 = arith.mulf %add3A_2231, %add3A_2262 : vector<128x256xf32>
    %sub3A_2265 = arith.subf %mul3A_2263, %mul3A_2264 : vector<128x256xf32>
    %mul3A_2266 = arith.mulf %sub3A_2228, %add3A_2262 : vector<128x256xf32>
    %mul3A_2267 = arith.mulf %add3A_2231, %add3A_2255 : vector<128x256xf32>
    %add3A_2268 = arith.addf %mul3A_2266, %mul3A_2267 : vector<128x256xf32>
    %slice3A_2269 = vector.extract_strided_slice %dot_general3A_5 {offsets = [0, 2048], sizes = [128, 256], strides = [1, 1]} : vector<128x2304xf32> to vector<128x256xf32>
    %get3A_2270 = arith.constant 70 : index
    %get3A_2271 = arith.constant 0 : index
    %get3A_2272 = vector.load %arg3[%get3A_2270, %get3A_2271] : memref<144x256xf32, #tpu.memory_space<vmem>>, vector<1x256xf32>
    %get3A_2273 = vector.shape_cast %get3A_2272 : vector<1x256xf32> to vector<256xf32>
    %get3A_2274 = arith.constant 70 : index
    %get3A_2275 = arith.constant 0 : index
    %get3A_2276 = vector.load %arg4[%get3A_2274, %get3A_2275] : memref<144x256xf32, #tpu.memory_space<vmem>>, vector<1x256xf32>
    %get3A_2277 = vector.shape_cast %get3A_2276 : vector<1x256xf32> to vector<256xf32>
    %get3A_2278 = arith.constant 142 : index
    %get3A_2279 = arith.constant 0 : index
    %get3A_2280 = vector.load %arg3[%get3A_2278, %get3A_2279] : memref<144x256xf32, #tpu.memory_space<vmem>>, vector<1x256xf32>
    %get3A_2281 = vector.shape_cast %get3A_2280 : vector<1x256xf32> to vector<256xf32>
    %get3A_2282 = arith.constant 142 : index
    %get3A_2283 = arith.constant 0 : index
    %get3A_2284 = vector.load %arg4[%get3A_2282, %get3A_2283] : memref<144x256xf32, #tpu.memory_space<vmem>>, vector<1x256xf32>
    %get3A_2285 = vector.shape_cast %get3A_2284 : vector<1x256xf32> to vector<256xf32>
    %sub3A_2286 = arith.subf %get3A_2281, %get3A_2273 : vector<256xf32>
    %broadcast_in_dim3A_2287 = vector.shape_cast %sub3A_2286 : vector<256xf32> to vector<1x256xf32>
    %mul3A_2288 = vector.broadcast %broadcast_in_dim3A_2287 : vector<1x256xf32> to vector<128x256xf32>
    %mul3A_2289 = arith.mulf %slice3A_2269, %mul3A_2288 : vector<128x256xf32>
    %broadcast_in_dim3A_2290 = vector.shape_cast %get3A_2273 : vector<256xf32> to vector<1x256xf32>
    %add3A_2291 = vector.broadcast %broadcast_in_dim3A_2290 : vector<1x256xf32> to vector<128x256xf32>
    %add3A_2292 = arith.addf %add3A_2291, %mul3A_2289 : vector<128x256xf32>
    %sub3A_2293 = arith.subf %get3A_2285, %get3A_2277 : vector<256xf32>
    %broadcast_in_dim3A_2294 = vector.shape_cast %sub3A_2293 : vector<256xf32> to vector<1x256xf32>
    %mul3A_2295 = vector.broadcast %broadcast_in_dim3A_2294 : vector<1x256xf32> to vector<128x256xf32>
    %mul3A_2296 = arith.mulf %slice3A_2269, %mul3A_2295 : vector<128x256xf32>
    %broadcast_in_dim3A_2297 = vector.shape_cast %get3A_2277 : vector<256xf32> to vector<1x256xf32>
    %add3A_2298 = vector.broadcast %broadcast_in_dim3A_2297 : vector<1x256xf32> to vector<128x256xf32>
    %add3A_2299 = arith.addf %add3A_2298, %mul3A_2296 : vector<128x256xf32>
    %mul3A_2300 = arith.mulf %sub3A_2265, %add3A_2292 : vector<128x256xf32>
    %mul3A_2301 = arith.mulf %add3A_2268, %add3A_2299 : vector<128x256xf32>
    %sub3A_2302 = arith.subf %mul3A_2300, %mul3A_2301 : vector<128x256xf32>
    %mul3A_2303 = arith.mulf %sub3A_2265, %add3A_2299 : vector<128x256xf32>
    %mul3A_2304 = arith.mulf %add3A_2268, %add3A_2292 : vector<128x256xf32>
    %add3A_2305 = arith.addf %mul3A_2303, %mul3A_2304 : vector<128x256xf32>
    %add3A_2306 = arith.addf %add3A_1977, %sub3A_2302 : vector<128x256xf32>
    %add3A_2307 = arith.addf %add3A_1978, %add3A_2305 : vector<128x256xf32>
    %slice3A_2308 = vector.extract_strided_slice %dot_general3A_5 {offsets = [0, 0], sizes = [128, 256], strides = [1, 1]} : vector<128x2304xf32> to vector<128x256xf32>
    %get3A_2309 = arith.constant 7 : index
    %get3A_2310 = arith.constant 0 : index
    %get3A_2311 = vector.load %arg3[%get3A_2309, %get3A_2310] : memref<144x256xf32, #tpu.memory_space<vmem>>, vector<1x256xf32>
    %get3A_2312 = vector.shape_cast %get3A_2311 : vector<1x256xf32> to vector<256xf32>
    %get3A_2313 = arith.constant 7 : index
    %get3A_2314 = arith.constant 0 : index
    %get3A_2315 = vector.load %arg4[%get3A_2313, %get3A_2314] : memref<144x256xf32, #tpu.memory_space<vmem>>, vector<1x256xf32>
    %get3A_2316 = vector.shape_cast %get3A_2315 : vector<1x256xf32> to vector<256xf32>
    %get3A_2317 = arith.constant 79 : index
    %get3A_2318 = arith.constant 0 : index
    %get3A_2319 = vector.load %arg3[%get3A_2317, %get3A_2318] : memref<144x256xf32, #tpu.memory_space<vmem>>, vector<1x256xf32>
    %get3A_2320 = vector.shape_cast %get3A_2319 : vector<1x256xf32> to vector<256xf32>
    %get3A_2321 = arith.constant 79 : index
    %get3A_2322 = arith.constant 0 : index
    %get3A_2323 = vector.load %arg4[%get3A_2321, %get3A_2322] : memref<144x256xf32, #tpu.memory_space<vmem>>, vector<1x256xf32>
    %get3A_2324 = vector.shape_cast %get3A_2323 : vector<1x256xf32> to vector<256xf32>
    %sub3A_2325 = arith.subf %get3A_2320, %get3A_2312 : vector<256xf32>
    %broadcast_in_dim3A_2326 = vector.shape_cast %sub3A_2325 : vector<256xf32> to vector<1x256xf32>
    %mul3A_2327 = vector.broadcast %broadcast_in_dim3A_2326 : vector<1x256xf32> to vector<128x256xf32>
    %mul3A_2328 = arith.mulf %slice3A_2308, %mul3A_2327 : vector<128x256xf32>
    %broadcast_in_dim3A_2329 = vector.shape_cast %get3A_2312 : vector<256xf32> to vector<1x256xf32>
    %add3A_2330 = vector.broadcast %broadcast_in_dim3A_2329 : vector<1x256xf32> to vector<128x256xf32>
    %add3A_2331 = arith.addf %add3A_2330, %mul3A_2328 : vector<128x256xf32>
    %sub3A_2332 = arith.subf %get3A_2324, %get3A_2316 : vector<256xf32>
    %broadcast_in_dim3A_2333 = vector.shape_cast %sub3A_2332 : vector<256xf32> to vector<1x256xf32>
    %mul3A_2334 = vector.broadcast %broadcast_in_dim3A_2333 : vector<1x256xf32> to vector<128x256xf32>
    %mul3A_2335 = arith.mulf %slice3A_2308, %mul3A_2334 : vector<128x256xf32>
    %broadcast_in_dim3A_2336 = vector.shape_cast %get3A_2316 : vector<256xf32> to vector<1x256xf32>
    %add3A_2337 = vector.broadcast %broadcast_in_dim3A_2336 : vector<1x256xf32> to vector<128x256xf32>
    %add3A_2338 = arith.addf %add3A_2337, %mul3A_2335 : vector<128x256xf32>
    %slice3A_2339 = vector.extract_strided_slice %dot_general3A_5 {offsets = [0, 256], sizes = [128, 256], strides = [1, 1]} : vector<128x2304xf32> to vector<128x256xf32>
    %get3A_2340 = arith.constant 15 : index
    %get3A_2341 = arith.constant 0 : index
    %get3A_2342 = vector.load %arg3[%get3A_2340, %get3A_2341] : memref<144x256xf32, #tpu.memory_space<vmem>>, vector<1x256xf32>
    %get3A_2343 = vector.shape_cast %get3A_2342 : vector<1x256xf32> to vector<256xf32>
    %get3A_2344 = arith.constant 15 : index
    %get3A_2345 = arith.constant 0 : index
    %get3A_2346 = vector.load %arg4[%get3A_2344, %get3A_2345] : memref<144x256xf32, #tpu.memory_space<vmem>>, vector<1x256xf32>
    %get3A_2347 = vector.shape_cast %get3A_2346 : vector<1x256xf32> to vector<256xf32>
    %get3A_2348 = arith.constant 87 : index
    %get3A_2349 = arith.constant 0 : index
    %get3A_2350 = vector.load %arg3[%get3A_2348, %get3A_2349] : memref<144x256xf32, #tpu.memory_space<vmem>>, vector<1x256xf32>
    %get3A_2351 = vector.shape_cast %get3A_2350 : vector<1x256xf32> to vector<256xf32>
    %get3A_2352 = arith.constant 87 : index
    %get3A_2353 = arith.constant 0 : index
    %get3A_2354 = vector.load %arg4[%get3A_2352, %get3A_2353] : memref<144x256xf32, #tpu.memory_space<vmem>>, vector<1x256xf32>
    %get3A_2355 = vector.shape_cast %get3A_2354 : vector<1x256xf32> to vector<256xf32>
    %sub3A_2356 = arith.subf %get3A_2351, %get3A_2343 : vector<256xf32>
    %broadcast_in_dim3A_2357 = vector.shape_cast %sub3A_2356 : vector<256xf32> to vector<1x256xf32>
    %mul3A_2358 = vector.broadcast %broadcast_in_dim3A_2357 : vector<1x256xf32> to vector<128x256xf32>
    %mul3A_2359 = arith.mulf %slice3A_2339, %mul3A_2358 : vector<128x256xf32>
    %broadcast_in_dim3A_2360 = vector.shape_cast %get3A_2343 : vector<256xf32> to vector<1x256xf32>
    %add3A_2361 = vector.broadcast %broadcast_in_dim3A_2360 : vector<1x256xf32> to vector<128x256xf32>
    %add3A_2362 = arith.addf %add3A_2361, %mul3A_2359 : vector<128x256xf32>
    %sub3A_2363 = arith.subf %get3A_2355, %get3A_2347 : vector<256xf32>
    %broadcast_in_dim3A_2364 = vector.shape_cast %sub3A_2363 : vector<256xf32> to vector<1x256xf32>
    %mul3A_2365 = vector.broadcast %broadcast_in_dim3A_2364 : vector<1x256xf32> to vector<128x256xf32>
    %mul3A_2366 = arith.mulf %slice3A_2339, %mul3A_2365 : vector<128x256xf32>
    %broadcast_in_dim3A_2367 = vector.shape_cast %get3A_2347 : vector<256xf32> to vector<1x256xf32>
    %add3A_2368 = vector.broadcast %broadcast_in_dim3A_2367 : vector<1x256xf32> to vector<128x256xf32>
    %add3A_2369 = arith.addf %add3A_2368, %mul3A_2366 : vector<128x256xf32>
    %mul3A_2370 = arith.mulf %add3A_2331, %add3A_2362 : vector<128x256xf32>
    %mul3A_2371 = arith.mulf %add3A_2338, %add3A_2369 : vector<128x256xf32>
    %sub3A_2372 = arith.subf %mul3A_2370, %mul3A_2371 : vector<128x256xf32>
    %mul3A_2373 = arith.mulf %add3A_2331, %add3A_2369 : vector<128x256xf32>
    %mul3A_2374 = arith.mulf %add3A_2338, %add3A_2362 : vector<128x256xf32>
    %add3A_2375 = arith.addf %mul3A_2373, %mul3A_2374 : vector<128x256xf32>
    %slice3A_2376 = vector.extract_strided_slice %dot_general3A_5 {offsets = [0, 512], sizes = [128, 256], strides = [1, 1]} : vector<128x2304xf32> to vector<128x256xf32>
    %get3A_2377 = arith.constant 23 : index
    %get3A_2378 = arith.constant 0 : index
    %get3A_2379 = vector.load %arg3[%get3A_2377, %get3A_2378] : memref<144x256xf32, #tpu.memory_space<vmem>>, vector<1x256xf32>
    %get3A_2380 = vector.shape_cast %get3A_2379 : vector<1x256xf32> to vector<256xf32>
    %get3A_2381 = arith.constant 23 : index
    %get3A_2382 = arith.constant 0 : index
    %get3A_2383 = vector.load %arg4[%get3A_2381, %get3A_2382] : memref<144x256xf32, #tpu.memory_space<vmem>>, vector<1x256xf32>
    %get3A_2384 = vector.shape_cast %get3A_2383 : vector<1x256xf32> to vector<256xf32>
    %get3A_2385 = arith.constant 95 : index
    %get3A_2386 = arith.constant 0 : index
    %get3A_2387 = vector.load %arg3[%get3A_2385, %get3A_2386] : memref<144x256xf32, #tpu.memory_space<vmem>>, vector<1x256xf32>
    %get3A_2388 = vector.shape_cast %get3A_2387 : vector<1x256xf32> to vector<256xf32>
    %get3A_2389 = arith.constant 95 : index
    %get3A_2390 = arith.constant 0 : index
    %get3A_2391 = vector.load %arg4[%get3A_2389, %get3A_2390] : memref<144x256xf32, #tpu.memory_space<vmem>>, vector<1x256xf32>
    %get3A_2392 = vector.shape_cast %get3A_2391 : vector<1x256xf32> to vector<256xf32>
    %sub3A_2393 = arith.subf %get3A_2388, %get3A_2380 : vector<256xf32>
    %broadcast_in_dim3A_2394 = vector.shape_cast %sub3A_2393 : vector<256xf32> to vector<1x256xf32>
    %mul3A_2395 = vector.broadcast %broadcast_in_dim3A_2394 : vector<1x256xf32> to vector<128x256xf32>
    %mul3A_2396 = arith.mulf %slice3A_2376, %mul3A_2395 : vector<128x256xf32>
    %broadcast_in_dim3A_2397 = vector.shape_cast %get3A_2380 : vector<256xf32> to vector<1x256xf32>
    %add3A_2398 = vector.broadcast %broadcast_in_dim3A_2397 : vector<1x256xf32> to vector<128x256xf32>
    %add3A_2399 = arith.addf %add3A_2398, %mul3A_2396 : vector<128x256xf32>
    %sub3A_2400 = arith.subf %get3A_2392, %get3A_2384 : vector<256xf32>
    %broadcast_in_dim3A_2401 = vector.shape_cast %sub3A_2400 : vector<256xf32> to vector<1x256xf32>
    %mul3A_2402 = vector.broadcast %broadcast_in_dim3A_2401 : vector<1x256xf32> to vector<128x256xf32>
    %mul3A_2403 = arith.mulf %slice3A_2376, %mul3A_2402 : vector<128x256xf32>
    %broadcast_in_dim3A_2404 = vector.shape_cast %get3A_2384 : vector<256xf32> to vector<1x256xf32>
    %add3A_2405 = vector.broadcast %broadcast_in_dim3A_2404 : vector<1x256xf32> to vector<128x256xf32>
    %add3A_2406 = arith.addf %add3A_2405, %mul3A_2403 : vector<128x256xf32>
    %mul3A_2407 = arith.mulf %sub3A_2372, %add3A_2399 : vector<128x256xf32>
    %mul3A_2408 = arith.mulf %add3A_2375, %add3A_2406 : vector<128x256xf32>
    %sub3A_2409 = arith.subf %mul3A_2407, %mul3A_2408 : vector<128x256xf32>
    %mul3A_2410 = arith.mulf %sub3A_2372, %add3A_2406 : vector<128x256xf32>
    %mul3A_2411 = arith.mulf %add3A_2375, %add3A_2399 : vector<128x256xf32>
    %add3A_2412 = arith.addf %mul3A_2410, %mul3A_2411 : vector<128x256xf32>
    %slice3A_2413 = vector.extract_strided_slice %dot_general3A_5 {offsets = [0, 768], sizes = [128, 256], strides = [1, 1]} : vector<128x2304xf32> to vector<128x256xf32>
    %get3A_2414 = arith.constant 31 : index
    %get3A_2415 = arith.constant 0 : index
    %get3A_2416 = vector.load %arg3[%get3A_2414, %get3A_2415] : memref<144x256xf32, #tpu.memory_space<vmem>>, vector<1x256xf32>
    %get3A_2417 = vector.shape_cast %get3A_2416 : vector<1x256xf32> to vector<256xf32>
    %get3A_2418 = arith.constant 31 : index
    %get3A_2419 = arith.constant 0 : index
    %get3A_2420 = vector.load %arg4[%get3A_2418, %get3A_2419] : memref<144x256xf32, #tpu.memory_space<vmem>>, vector<1x256xf32>
    %get3A_2421 = vector.shape_cast %get3A_2420 : vector<1x256xf32> to vector<256xf32>
    %get3A_2422 = arith.constant 103 : index
    %get3A_2423 = arith.constant 0 : index
    %get3A_2424 = vector.load %arg3[%get3A_2422, %get3A_2423] : memref<144x256xf32, #tpu.memory_space<vmem>>, vector<1x256xf32>
    %get3A_2425 = vector.shape_cast %get3A_2424 : vector<1x256xf32> to vector<256xf32>
    %get3A_2426 = arith.constant 103 : index
    %get3A_2427 = arith.constant 0 : index
    %get3A_2428 = vector.load %arg4[%get3A_2426, %get3A_2427] : memref<144x256xf32, #tpu.memory_space<vmem>>, vector<1x256xf32>
    %get3A_2429 = vector.shape_cast %get3A_2428 : vector<1x256xf32> to vector<256xf32>
    %sub3A_2430 = arith.subf %get3A_2425, %get3A_2417 : vector<256xf32>
    %broadcast_in_dim3A_2431 = vector.shape_cast %sub3A_2430 : vector<256xf32> to vector<1x256xf32>
    %mul3A_2432 = vector.broadcast %broadcast_in_dim3A_2431 : vector<1x256xf32> to vector<128x256xf32>
    %mul3A_2433 = arith.mulf %slice3A_2413, %mul3A_2432 : vector<128x256xf32>
    %broadcast_in_dim3A_2434 = vector.shape_cast %get3A_2417 : vector<256xf32> to vector<1x256xf32>
    %add3A_2435 = vector.broadcast %broadcast_in_dim3A_2434 : vector<1x256xf32> to vector<128x256xf32>
    %add3A_2436 = arith.addf %add3A_2435, %mul3A_2433 : vector<128x256xf32>
    %sub3A_2437 = arith.subf %get3A_2429, %get3A_2421 : vector<256xf32>
    %broadcast_in_dim3A_2438 = vector.shape_cast %sub3A_2437 : vector<256xf32> to vector<1x256xf32>
    %mul3A_2439 = vector.broadcast %broadcast_in_dim3A_2438 : vector<1x256xf32> to vector<128x256xf32>
    %mul3A_2440 = arith.mulf %slice3A_2413, %mul3A_2439 : vector<128x256xf32>
    %broadcast_in_dim3A_2441 = vector.shape_cast %get3A_2421 : vector<256xf32> to vector<1x256xf32>
    %add3A_2442 = vector.broadcast %broadcast_in_dim3A_2441 : vector<1x256xf32> to vector<128x256xf32>
    %add3A_2443 = arith.addf %add3A_2442, %mul3A_2440 : vector<128x256xf32>
    %mul3A_2444 = arith.mulf %sub3A_2409, %add3A_2436 : vector<128x256xf32>
    %mul3A_2445 = arith.mulf %add3A_2412, %add3A_2443 : vector<128x256xf32>
    %sub3A_2446 = arith.subf %mul3A_2444, %mul3A_2445 : vector<128x256xf32>
    %mul3A_2447 = arith.mulf %sub3A_2409, %add3A_2443 : vector<128x256xf32>
    %mul3A_2448 = arith.mulf %add3A_2412, %add3A_2436 : vector<128x256xf32>
    %add3A_2449 = arith.addf %mul3A_2447, %mul3A_2448 : vector<128x256xf32>
    %slice3A_2450 = vector.extract_strided_slice %dot_general3A_5 {offsets = [0, 1024], sizes = [128, 256], strides = [1, 1]} : vector<128x2304xf32> to vector<128x256xf32>
    %get3A_2451 = arith.constant 39 : index
    %get3A_2452 = arith.constant 0 : index
    %get3A_2453 = vector.load %arg3[%get3A_2451, %get3A_2452] : memref<144x256xf32, #tpu.memory_space<vmem>>, vector<1x256xf32>
    %get3A_2454 = vector.shape_cast %get3A_2453 : vector<1x256xf32> to vector<256xf32>
    %get3A_2455 = arith.constant 39 : index
    %get3A_2456 = arith.constant 0 : index
    %get3A_2457 = vector.load %arg4[%get3A_2455, %get3A_2456] : memref<144x256xf32, #tpu.memory_space<vmem>>, vector<1x256xf32>
    %get3A_2458 = vector.shape_cast %get3A_2457 : vector<1x256xf32> to vector<256xf32>
    %get3A_2459 = arith.constant 111 : index
    %get3A_2460 = arith.constant 0 : index
    %get3A_2461 = vector.load %arg3[%get3A_2459, %get3A_2460] : memref<144x256xf32, #tpu.memory_space<vmem>>, vector<1x256xf32>
    %get3A_2462 = vector.shape_cast %get3A_2461 : vector<1x256xf32> to vector<256xf32>
    %get3A_2463 = arith.constant 111 : index
    %get3A_2464 = arith.constant 0 : index
    %get3A_2465 = vector.load %arg4[%get3A_2463, %get3A_2464] : memref<144x256xf32, #tpu.memory_space<vmem>>, vector<1x256xf32>
    %get3A_2466 = vector.shape_cast %get3A_2465 : vector<1x256xf32> to vector<256xf32>
    %sub3A_2467 = arith.subf %get3A_2462, %get3A_2454 : vector<256xf32>
    %broadcast_in_dim3A_2468 = vector.shape_cast %sub3A_2467 : vector<256xf32> to vector<1x256xf32>
    %mul3A_2469 = vector.broadcast %broadcast_in_dim3A_2468 : vector<1x256xf32> to vector<128x256xf32>
    %mul3A_2470 = arith.mulf %slice3A_2450, %mul3A_2469 : vector<128x256xf32>
    %broadcast_in_dim3A_2471 = vector.shape_cast %get3A_2454 : vector<256xf32> to vector<1x256xf32>
    %add3A_2472 = vector.broadcast %broadcast_in_dim3A_2471 : vector<1x256xf32> to vector<128x256xf32>
    %add3A_2473 = arith.addf %add3A_2472, %mul3A_2470 : vector<128x256xf32>
    %sub3A_2474 = arith.subf %get3A_2466, %get3A_2458 : vector<256xf32>
    %broadcast_in_dim3A_2475 = vector.shape_cast %sub3A_2474 : vector<256xf32> to vector<1x256xf32>
    %mul3A_2476 = vector.broadcast %broadcast_in_dim3A_2475 : vector<1x256xf32> to vector<128x256xf32>
    %mul3A_2477 = arith.mulf %slice3A_2450, %mul3A_2476 : vector<128x256xf32>
    %broadcast_in_dim3A_2478 = vector.shape_cast %get3A_2458 : vector<256xf32> to vector<1x256xf32>
    %add3A_2479 = vector.broadcast %broadcast_in_dim3A_2478 : vector<1x256xf32> to vector<128x256xf32>
    %add3A_2480 = arith.addf %add3A_2479, %mul3A_2477 : vector<128x256xf32>
    %mul3A_2481 = arith.mulf %sub3A_2446, %add3A_2473 : vector<128x256xf32>
    %mul3A_2482 = arith.mulf %add3A_2449, %add3A_2480 : vector<128x256xf32>
    %sub3A_2483 = arith.subf %mul3A_2481, %mul3A_2482 : vector<128x256xf32>
    %mul3A_2484 = arith.mulf %sub3A_2446, %add3A_2480 : vector<128x256xf32>
    %mul3A_2485 = arith.mulf %add3A_2449, %add3A_2473 : vector<128x256xf32>
    %add3A_2486 = arith.addf %mul3A_2484, %mul3A_2485 : vector<128x256xf32>
    %slice3A_2487 = vector.extract_strided_slice %dot_general3A_5 {offsets = [0, 1280], sizes = [128, 256], strides = [1, 1]} : vector<128x2304xf32> to vector<128x256xf32>
    %get3A_2488 = arith.constant 47 : index
    %get3A_2489 = arith.constant 0 : index
    %get3A_2490 = vector.load %arg3[%get3A_2488, %get3A_2489] : memref<144x256xf32, #tpu.memory_space<vmem>>, vector<1x256xf32>
    %get3A_2491 = vector.shape_cast %get3A_2490 : vector<1x256xf32> to vector<256xf32>
    %get3A_2492 = arith.constant 47 : index
    %get3A_2493 = arith.constant 0 : index
    %get3A_2494 = vector.load %arg4[%get3A_2492, %get3A_2493] : memref<144x256xf32, #tpu.memory_space<vmem>>, vector<1x256xf32>
    %get3A_2495 = vector.shape_cast %get3A_2494 : vector<1x256xf32> to vector<256xf32>
    %get3A_2496 = arith.constant 119 : index
    %get3A_2497 = arith.constant 0 : index
    %get3A_2498 = vector.load %arg3[%get3A_2496, %get3A_2497] : memref<144x256xf32, #tpu.memory_space<vmem>>, vector<1x256xf32>
    %get3A_2499 = vector.shape_cast %get3A_2498 : vector<1x256xf32> to vector<256xf32>
    %get3A_2500 = arith.constant 119 : index
    %get3A_2501 = arith.constant 0 : index
    %get3A_2502 = vector.load %arg4[%get3A_2500, %get3A_2501] : memref<144x256xf32, #tpu.memory_space<vmem>>, vector<1x256xf32>
    %get3A_2503 = vector.shape_cast %get3A_2502 : vector<1x256xf32> to vector<256xf32>
    %sub3A_2504 = arith.subf %get3A_2499, %get3A_2491 : vector<256xf32>
    %broadcast_in_dim3A_2505 = vector.shape_cast %sub3A_2504 : vector<256xf32> to vector<1x256xf32>
    %mul3A_2506 = vector.broadcast %broadcast_in_dim3A_2505 : vector<1x256xf32> to vector<128x256xf32>
    %mul3A_2507 = arith.mulf %slice3A_2487, %mul3A_2506 : vector<128x256xf32>
    %broadcast_in_dim3A_2508 = vector.shape_cast %get3A_2491 : vector<256xf32> to vector<1x256xf32>
    %add3A_2509 = vector.broadcast %broadcast_in_dim3A_2508 : vector<1x256xf32> to vector<128x256xf32>
    %add3A_2510 = arith.addf %add3A_2509, %mul3A_2507 : vector<128x256xf32>
    %sub3A_2511 = arith.subf %get3A_2503, %get3A_2495 : vector<256xf32>
    %broadcast_in_dim3A_2512 = vector.shape_cast %sub3A_2511 : vector<256xf32> to vector<1x256xf32>
    %mul3A_2513 = vector.broadcast %broadcast_in_dim3A_2512 : vector<1x256xf32> to vector<128x256xf32>
    %mul3A_2514 = arith.mulf %slice3A_2487, %mul3A_2513 : vector<128x256xf32>
    %broadcast_in_dim3A_2515 = vector.shape_cast %get3A_2495 : vector<256xf32> to vector<1x256xf32>
    %add3A_2516 = vector.broadcast %broadcast_in_dim3A_2515 : vector<1x256xf32> to vector<128x256xf32>
    %add3A_2517 = arith.addf %add3A_2516, %mul3A_2514 : vector<128x256xf32>
    %mul3A_2518 = arith.mulf %sub3A_2483, %add3A_2510 : vector<128x256xf32>
    %mul3A_2519 = arith.mulf %add3A_2486, %add3A_2517 : vector<128x256xf32>
    %sub3A_2520 = arith.subf %mul3A_2518, %mul3A_2519 : vector<128x256xf32>
    %mul3A_2521 = arith.mulf %sub3A_2483, %add3A_2517 : vector<128x256xf32>
    %mul3A_2522 = arith.mulf %add3A_2486, %add3A_2510 : vector<128x256xf32>
    %add3A_2523 = arith.addf %mul3A_2521, %mul3A_2522 : vector<128x256xf32>
    %slice3A_2524 = vector.extract_strided_slice %dot_general3A_5 {offsets = [0, 1536], sizes = [128, 256], strides = [1, 1]} : vector<128x2304xf32> to vector<128x256xf32>
    %get3A_2525 = arith.constant 55 : index
    %get3A_2526 = arith.constant 0 : index
    %get3A_2527 = vector.load %arg3[%get3A_2525, %get3A_2526] : memref<144x256xf32, #tpu.memory_space<vmem>>, vector<1x256xf32>
    %get3A_2528 = vector.shape_cast %get3A_2527 : vector<1x256xf32> to vector<256xf32>
    %get3A_2529 = arith.constant 55 : index
    %get3A_2530 = arith.constant 0 : index
    %get3A_2531 = vector.load %arg4[%get3A_2529, %get3A_2530] : memref<144x256xf32, #tpu.memory_space<vmem>>, vector<1x256xf32>
    %get3A_2532 = vector.shape_cast %get3A_2531 : vector<1x256xf32> to vector<256xf32>
    %get3A_2533 = arith.constant 127 : index
    %get3A_2534 = arith.constant 0 : index
    %get3A_2535 = vector.load %arg3[%get3A_2533, %get3A_2534] : memref<144x256xf32, #tpu.memory_space<vmem>>, vector<1x256xf32>
    %get3A_2536 = vector.shape_cast %get3A_2535 : vector<1x256xf32> to vector<256xf32>
    %get3A_2537 = arith.constant 127 : index
    %get3A_2538 = arith.constant 0 : index
    %get3A_2539 = vector.load %arg4[%get3A_2537, %get3A_2538] : memref<144x256xf32, #tpu.memory_space<vmem>>, vector<1x256xf32>
    %get3A_2540 = vector.shape_cast %get3A_2539 : vector<1x256xf32> to vector<256xf32>
    %sub3A_2541 = arith.subf %get3A_2536, %get3A_2528 : vector<256xf32>
    %broadcast_in_dim3A_2542 = vector.shape_cast %sub3A_2541 : vector<256xf32> to vector<1x256xf32>
    %mul3A_2543 = vector.broadcast %broadcast_in_dim3A_2542 : vector<1x256xf32> to vector<128x256xf32>
    %mul3A_2544 = arith.mulf %slice3A_2524, %mul3A_2543 : vector<128x256xf32>
    %broadcast_in_dim3A_2545 = vector.shape_cast %get3A_2528 : vector<256xf32> to vector<1x256xf32>
    %add3A_2546 = vector.broadcast %broadcast_in_dim3A_2545 : vector<1x256xf32> to vector<128x256xf32>
    %add3A_2547 = arith.addf %add3A_2546, %mul3A_2544 : vector<128x256xf32>
    %sub3A_2548 = arith.subf %get3A_2540, %get3A_2532 : vector<256xf32>
    %broadcast_in_dim3A_2549 = vector.shape_cast %sub3A_2548 : vector<256xf32> to vector<1x256xf32>
    %mul3A_2550 = vector.broadcast %broadcast_in_dim3A_2549 : vector<1x256xf32> to vector<128x256xf32>
    %mul3A_2551 = arith.mulf %slice3A_2524, %mul3A_2550 : vector<128x256xf32>
    %broadcast_in_dim3A_2552 = vector.shape_cast %get3A_2532 : vector<256xf32> to vector<1x256xf32>
    %add3A_2553 = vector.broadcast %broadcast_in_dim3A_2552 : vector<1x256xf32> to vector<128x256xf32>
    %add3A_2554 = arith.addf %add3A_2553, %mul3A_2551 : vector<128x256xf32>
    %mul3A_2555 = arith.mulf %sub3A_2520, %add3A_2547 : vector<128x256xf32>
    %mul3A_2556 = arith.mulf %add3A_2523, %add3A_2554 : vector<128x256xf32>
    %sub3A_2557 = arith.subf %mul3A_2555, %mul3A_2556 : vector<128x256xf32>
    %mul3A_2558 = arith.mulf %sub3A_2520, %add3A_2554 : vector<128x256xf32>
    %mul3A_2559 = arith.mulf %add3A_2523, %add3A_2547 : vector<128x256xf32>
    %add3A_2560 = arith.addf %mul3A_2558, %mul3A_2559 : vector<128x256xf32>
    %slice3A_2561 = vector.extract_strided_slice %dot_general3A_5 {offsets = [0, 1792], sizes = [128, 256], strides = [1, 1]} : vector<128x2304xf32> to vector<128x256xf32>
    %get3A_2562 = arith.constant 63 : index
    %get3A_2563 = arith.constant 0 : index
    %get3A_2564 = vector.load %arg3[%get3A_2562, %get3A_2563] : memref<144x256xf32, #tpu.memory_space<vmem>>, vector<1x256xf32>
    %get3A_2565 = vector.shape_cast %get3A_2564 : vector<1x256xf32> to vector<256xf32>
    %get3A_2566 = arith.constant 63 : index
    %get3A_2567 = arith.constant 0 : index
    %get3A_2568 = vector.load %arg4[%get3A_2566, %get3A_2567] : memref<144x256xf32, #tpu.memory_space<vmem>>, vector<1x256xf32>
    %get3A_2569 = vector.shape_cast %get3A_2568 : vector<1x256xf32> to vector<256xf32>
    %get3A_2570 = arith.constant 135 : index
    %get3A_2571 = arith.constant 0 : index
    %get3A_2572 = vector.load %arg3[%get3A_2570, %get3A_2571] : memref<144x256xf32, #tpu.memory_space<vmem>>, vector<1x256xf32>
    %get3A_2573 = vector.shape_cast %get3A_2572 : vector<1x256xf32> to vector<256xf32>
    %get3A_2574 = arith.constant 135 : index
    %get3A_2575 = arith.constant 0 : index
    %get3A_2576 = vector.load %arg4[%get3A_2574, %get3A_2575] : memref<144x256xf32, #tpu.memory_space<vmem>>, vector<1x256xf32>
    %get3A_2577 = vector.shape_cast %get3A_2576 : vector<1x256xf32> to vector<256xf32>
    %sub3A_2578 = arith.subf %get3A_2573, %get3A_2565 : vector<256xf32>
    %broadcast_in_dim3A_2579 = vector.shape_cast %sub3A_2578 : vector<256xf32> to vector<1x256xf32>
    %mul3A_2580 = vector.broadcast %broadcast_in_dim3A_2579 : vector<1x256xf32> to vector<128x256xf32>
    %mul3A_2581 = arith.mulf %slice3A_2561, %mul3A_2580 : vector<128x256xf32>
    %broadcast_in_dim3A_2582 = vector.shape_cast %get3A_2565 : vector<256xf32> to vector<1x256xf32>
    %add3A_2583 = vector.broadcast %broadcast_in_dim3A_2582 : vector<1x256xf32> to vector<128x256xf32>
    %add3A_2584 = arith.addf %add3A_2583, %mul3A_2581 : vector<128x256xf32>
    %sub3A_2585 = arith.subf %get3A_2577, %get3A_2569 : vector<256xf32>
    %broadcast_in_dim3A_2586 = vector.shape_cast %sub3A_2585 : vector<256xf32> to vector<1x256xf32>
    %mul3A_2587 = vector.broadcast %broadcast_in_dim3A_2586 : vector<1x256xf32> to vector<128x256xf32>
    %mul3A_2588 = arith.mulf %slice3A_2561, %mul3A_2587 : vector<128x256xf32>
    %broadcast_in_dim3A_2589 = vector.shape_cast %get3A_2569 : vector<256xf32> to vector<1x256xf32>
    %add3A_2590 = vector.broadcast %broadcast_in_dim3A_2589 : vector<1x256xf32> to vector<128x256xf32>
    %add3A_2591 = arith.addf %add3A_2590, %mul3A_2588 : vector<128x256xf32>
    %mul3A_2592 = arith.mulf %sub3A_2557, %add3A_2584 : vector<128x256xf32>
    %mul3A_2593 = arith.mulf %add3A_2560, %add3A_2591 : vector<128x256xf32>
    %sub3A_2594 = arith.subf %mul3A_2592, %mul3A_2593 : vector<128x256xf32>
    %mul3A_2595 = arith.mulf %sub3A_2557, %add3A_2591 : vector<128x256xf32>
    %mul3A_2596 = arith.mulf %add3A_2560, %add3A_2584 : vector<128x256xf32>
    %add3A_2597 = arith.addf %mul3A_2595, %mul3A_2596 : vector<128x256xf32>
    %slice3A_2598 = vector.extract_strided_slice %dot_general3A_5 {offsets = [0, 2048], sizes = [128, 256], strides = [1, 1]} : vector<128x2304xf32> to vector<128x256xf32>
    %get3A_2599 = arith.constant 71 : index
    %get3A_2600 = arith.constant 0 : index
    %get3A_2601 = vector.load %arg3[%get3A_2599, %get3A_2600] : memref<144x256xf32, #tpu.memory_space<vmem>>, vector<1x256xf32>
    %get3A_2602 = vector.shape_cast %get3A_2601 : vector<1x256xf32> to vector<256xf32>
    %get3A_2603 = arith.constant 71 : index
    %get3A_2604 = arith.constant 0 : index
    %get3A_2605 = vector.load %arg4[%get3A_2603, %get3A_2604] : memref<144x256xf32, #tpu.memory_space<vmem>>, vector<1x256xf32>
    %get3A_2606 = vector.shape_cast %get3A_2605 : vector<1x256xf32> to vector<256xf32>
    %get3A_2607 = arith.constant 143 : index
    %get3A_2608 = arith.constant 0 : index
    %get3A_2609 = vector.load %arg3[%get3A_2607, %get3A_2608] : memref<144x256xf32, #tpu.memory_space<vmem>>, vector<1x256xf32>
    %get3A_2610 = vector.shape_cast %get3A_2609 : vector<1x256xf32> to vector<256xf32>
    %get3A_2611 = arith.constant 143 : index
    %get3A_2612 = arith.constant 0 : index
    %get3A_2613 = vector.load %arg4[%get3A_2611, %get3A_2612] : memref<144x256xf32, #tpu.memory_space<vmem>>, vector<1x256xf32>
    %get3A_2614 = vector.shape_cast %get3A_2613 : vector<1x256xf32> to vector<256xf32>
    %sub3A_2615 = arith.subf %get3A_2610, %get3A_2602 : vector<256xf32>
    %broadcast_in_dim3A_2616 = vector.shape_cast %sub3A_2615 : vector<256xf32> to vector<1x256xf32>
    %mul3A_2617 = vector.broadcast %broadcast_in_dim3A_2616 : vector<1x256xf32> to vector<128x256xf32>
    %mul3A_2618 = arith.mulf %slice3A_2598, %mul3A_2617 : vector<128x256xf32>
    %broadcast_in_dim3A_2619 = vector.shape_cast %get3A_2602 : vector<256xf32> to vector<1x256xf32>
    %add3A_2620 = vector.broadcast %broadcast_in_dim3A_2619 : vector<1x256xf32> to vector<128x256xf32>
    %add3A_2621 = arith.addf %add3A_2620, %mul3A_2618 : vector<128x256xf32>
    %sub3A_2622 = arith.subf %get3A_2614, %get3A_2606 : vector<256xf32>
    %broadcast_in_dim3A_2623 = vector.shape_cast %sub3A_2622 : vector<256xf32> to vector<1x256xf32>
    %mul3A_2624 = vector.broadcast %broadcast_in_dim3A_2623 : vector<1x256xf32> to vector<128x256xf32>
    %mul3A_2625 = arith.mulf %slice3A_2598, %mul3A_2624 : vector<128x256xf32>
    %broadcast_in_dim3A_2626 = vector.shape_cast %get3A_2606 : vector<256xf32> to vector<1x256xf32>
    %add3A_2627 = vector.broadcast %broadcast_in_dim3A_2626 : vector<1x256xf32> to vector<128x256xf32>
    %add3A_2628 = arith.addf %add3A_2627, %mul3A_2625 : vector<128x256xf32>
    %mul3A_2629 = arith.mulf %sub3A_2594, %add3A_2621 : vector<128x256xf32>
    %mul3A_2630 = arith.mulf %add3A_2597, %add3A_2628 : vector<128x256xf32>
    %sub3A_2631 = arith.subf %mul3A_2629, %mul3A_2630 : vector<128x256xf32>
    %mul3A_2632 = arith.mulf %sub3A_2594, %add3A_2628 : vector<128x256xf32>
    %mul3A_2633 = arith.mulf %add3A_2597, %add3A_2621 : vector<128x256xf32>
    %add3A_2634 = arith.addf %mul3A_2632, %mul3A_2633 : vector<128x256xf32>
    %add3A_2635 = arith.addf %add3A_2306, %sub3A_2631 : vector<128x256xf32>
    %add3A_2636 = arith.addf %add3A_2307, %add3A_2634 : vector<128x256xf32>
    %reduce_sum3A = arith.constant dense<0.000000e+00> : vector<128xf32>
    %reduce_sum3A_2637 = vector.multi_reduction <add>, %add3A_2635, %reduce_sum3A [1] : vector<128x256xf32> to vector<128xf32>
    %reshape3A = vector.shape_cast %reduce_sum3A_2637 : vector<128xf32> to vector<1x1x128xf32>
    %swap3A = arith.constant 0 : index
    %swap3A_2638 = arith.constant 0 : index
    %swap3A_2639 = arith.constant 0 : index
    %swap3A_2640 = vector.load %arg5[%swap3A, %swap3A_2638, %swap3A_2639] : memref<1x1x128xf32, #tpu.memory_space<vmem>>, vector<1x1x128xf32>
    tpu.vector_store %arg5[%swap3A, %swap3A_2638, %swap3A_2639], %reshape3A {strides = array<i32>} : memref<1x1x128xf32, #tpu.memory_space<vmem>>, vector<1x1x128xf32>,
    %reduce_sum3A_2641 = arith.constant dense<0.000000e+00> : vector<128xf32>
    %reduce_sum3A_2642 = vector.multi_reduction <add>, %add3A_2636, %reduce_sum3A_2641 [1] : vector<128x256xf32> to vector<128xf32>
    %reshape3A_2643 = vector.shape_cast %reduce_sum3A_2642 : vector<128xf32> to vector<1x1x128xf32>
    %swap3A_2644 = arith.constant 0 : index
    %swap3A_2645 = arith.constant 0 : index
    %swap3A_2646 = arith.constant 0 : index
    %swap3A_2647 = vector.load %arg6[%swap3A_2644, %swap3A_2645, %swap3A_2646] : memref<1x1x128xf32, #tpu.memory_space<vmem>>, vector<1x1x128xf32>
    tpu.vector_store %arg6[%swap3A_2644, %swap3A_2645, %swap3A_2646], %reshape3A_2643 {strides = array<i32>} : memref<1x1x128xf32, #tpu.memory_space<vmem>>, vector<1x1x128xf32>,
    return
  }
  func.func @transform_0(%arg0: i32) -> (i32, i32) {
    %mul3A = arith.constant 0 : i32
    %mul3A_0 = arith.muli %arg0, %mul3A : i32
    %c0_i32 = arith.constant 0 : i32
    return %arg0, %mul3A_0 : i32, i32
  }
  func.func @transform_1(%arg0: i32) -> (i32, i32) {
    %mul3A = arith.constant 0 : i32
    %mul3A_0 = arith.muli %arg0, %mul3A : i32
    %mul3A_1 = arith.constant 0 : i32
    %mul3A_2 = arith.muli %arg0, %mul3A_1 : i32
    %c0_i32 = arith.constant 0 : i32
    return %mul3A_0, %mul3A_2 : i32, i32
  }
  func.func @transform_2(%arg0: i32) -> (i32, i32) {
    %mul3A = arith.constant 0 : i32
    %mul3A_0 = arith.muli %arg0, %mul3A : i32
    %mul3A_1 = arith.constant 0 : i32
    %mul3A_2 = arith.muli %arg0, %mul3A_1 : i32
    %c0_i32 = arith.constant 0 : i32
    return %mul3A_0, %mul3A_2 : i32, i32
  }
  func.func @transform_3(%arg0: i32) -> (i32, i32) {
    %mul3A = arith.constant 0 : i32
    %mul3A_0 = arith.muli %arg0, %mul3A : i32
    %mul3A_1 = arith.constant 0 : i32
    %mul3A_2 = arith.muli %arg0, %mul3A_1 : i32
    %c0_i32 = arith.constant 0 : i32
    return %mul3A_0, %mul3A_2 : i32, i32
  }
  func.func @transform_4(%arg0: i32) -> (i32, i32, i32) {
    %mul3A = arith.constant 0 : i32
    %mul3A_0 = arith.muli %arg0, %mul3A : i32
    %mul3A_1 = arith.constant 0 : i32
    %mul3A_2 = arith.muli %arg0, %mul3A_1 : i32
    %c0_i32 = arith.constant 0 : i32
    return %arg0, %mul3A_0, %mul3A_2 : i32, i32, i32
  }
  func.func @transform_5(%arg0: i32) -> (i32, i32, i32) {
    %mul3A = arith.constant 0 : i32
    %mul3A_0 = arith.muli %arg0, %mul3A : i32
    %mul3A_1 = arith.constant 0 : i32
    %mul3A_2 = arith.muli %arg0, %mul3A_1 : i32
    %c0_i32 = arith.constant 0 : i32
    return %arg0, %mul3A_0, %mul3A_2 : i32, i32, i32
  }
}

</mosaic_0001>

<sc_bundles>
// kernel: _run.4.cloned.1.call-start
scs
__scs_entry_jumppad:
0x0: {  	(pc) =	sbr.rel $0x88, $3  }
0x1: {  	(tag) =	ssettag $0x0;
	lr =	simm.s32 $0x1  }
0x2: {  	[smem:$0x3F9E] =	sst lr;
	_ =	strace $0xD0000000  }
0x3: {  	_ = 	snop  }
0x4: {  	_ = 	snop  }
0x5: {  	_ = 	snop  }
0x6: {  	_ = 	snop  }
0x7: {  	_ = 	snop  }
__scs_overlays_trampoline_lowered:
0x8: {  	[smem:$0x3FAD] =	sst s0  }
0x9: {  	[smem:$0x3FAE] =	sst s1  }
0xa: {  	[smem:$0x3FAF] =	sst s2  }
0xb: {  	[smem:$0x3FB0] =	sst s3  }
0xc: {  	[smem:$0x3FB1] =	sst s4  }
0xd: {  	[smem:$0x3FB2] =	sst s5  }
0xe: {  	[smem:$0x3FB3] =	sst s6  }
0xf: {  	[smem:$0x3FB4] =	sst s7  }
0x10: {  	[smem:$0x3FB5] =	sst s8  }
0x11: {  	[smem:$0x3FB6] =	sst s9;
	s0 =	simm.s32 @!p0 $0x0  }
0x12: {  	s1 =	sld [smem:$0x3F9C];
	s0 =	simm.s32 @p0 $0x1  }
0x13: {  	[smem:$0x3FB7] =	sst s0;
	s0 =	simm.s32 @!p1 $0x0  }
0x14: {  	s2 =	sld [smem:$0x3F9B];
	s0 =	simm.s32 @p1 $0x1  }
0x15: {  	[smem:$0x3FB8] =	sst s0;
	s0 =	simm.s32 @!p2 $0x0  }
0x16: {  	s3 =	sld [smem:$0x3FDB];
	s0 =	simm.s32 @p2 $0x1  }
0x17: {  	s4 =	simm.s32 $0x1BF5;
	[smem:$0x3FBA] =	sst s0  }
0x18: {  	s0 =	sld [smem:$0x3F9D];
	_ =	swait.ge [sflag:s4], $0x0  }
0x19: {  	s7 =	sld [smem:$0x3F9E]  }
0x1a: {  	s8 =	sadd.s32 $0xFFFFE003, lr  }
0x1b: {  	s9 =	sadd.s32 $0xFFFFFEF7, lr;
	s5 =	simm.s32 $0xFFFFFFFF;
	p2 =	slt.u32 s8, $0xFFFFF086  }
0x1c: {  	p1 =	slt.u32 s9, $0xF7A;
	s5 =	simm.s32 @!p2 $0x0  }
0x1d: {  	s5 =	simm.s32 @p1 $0x1;
	p0 =	seq.s32 s7, s2  }
0x1e: {  	s7 =	smul.u32 @!p0 $0xF7A, s2;
	p2 =	seq.s32 @!p0 s5, $0x0  }
0x1f: {  	s9 =	smul.u32 $0xF7A, s1;
	s8 =	simm.s32 @!p0 $0x1BF5;
	p2 =	por !p2, p0  }
0x20: {  	[sflag:s8] =	ssyncset.s32 @!p0 $0xFFFFF086;
	s6 =	sadd.s32 @!p0 s3, s7;
	s7 =	simm.s32 @!p0 $0x108  }
0x21: {  	s3 =	sadd.s32 s3, s9;
	s6 =	sadd.s32 @!p0 $0x88, s6;
	s7 =	simm.s32 @p2 $0x1082  }
0x22: {  	[simem:s7], [sflag:s8] =	dma.local @!p0 [hbm:s6], $0xF7A  }
0x23: {  	s9 =	sor.u32 $0xD0000000, s2;
	s6 =	simm.s32 $0x108;
	_ =	swait.ge @!p0 [sflag:s8], $0x0  }
0x24: {  	s3 =	sadd.s32 $0x88, s3;
	s6 =	simm.s32 @!p1 $0x1082;
	[sflag:s4] =	ssyncset.s32 $0xFFFFF086  }
0x25: {  	[simem:s6], [sflag:s4] =	dma.local [hbm:s3], $0xF7A  }
0x26: {  	[smem:$0x3F9E] =	sst s1;
	(tag) =	ssettag s2;
	_ =	strace s9  }
0x27: {  	s1 =	sld [smem:$0x3FAE]  }
0x28: {  	s2 =	sld [smem:$0x3FAF]  }
0x29: {  	s4 =	sld [smem:$0x3FB1]  }
0x2a: {  	p0 =	seq.s32 s5, $0x0;
	s5 =	sld [smem:$0x3FB2]  }
0x2b: {  	s6 =	sld [smem:$0x3FB3]  }
0x2c: {  	s7 =	sld [smem:$0x3FB4]  }
0x2d: {  	s3 =	simm.s32 $0x108;
	s8 =	sld [smem:$0x3FB5]  }
0x2e: {  	s3 =	simm.s32 @!p0 $0x1082;
	s9 =	sld [smem:$0x3FB6]  }
0x2f: {  	lr =	sadd.s32 s0, s3;
	s0 =	sld [smem:$0x3FAD]  }
0x30: {  	s3 =	sld [smem:$0x3FB0]  }
0x31: {  	[smem:$0x3FB9] =	sst s10  }
0x32: {  	s10 =	sld [smem:$0x3FB7];
	_ =	sdelay $0x3  }
0x33: {  	p0 =	seq.s32 s10, $0x1;
	s10 =	sld [smem:$0x3FB9];
	_ =	sdelay $0x3  }
0x34: {  	[smem:$0x3FB9] =	sst s10  }
0x35: {  	s10 =	sld [smem:$0x3FB8];
	_ =	sdelay $0x3  }
0x36: {  	p1 =	seq.s32 s10, $0x1;
	s10 =	sld [smem:$0x3FB9];
	_ =	sdelay $0x3  }
0x37: {  	[smem:$0x3FB9] =	sst s10  }
0x38: {  	s10 =	sld [smem:$0x3FBA]  }
0x39: {  	_ = 	snop;
	(pc) =	sbr.ind lr, $3  }
0x3a: {  	_ = 	snop  }
0x3b: {  	_ = 	snop  }
0x3c: {  	p2 =	seq.s32 s10, $0x1;
	s10 =	sld [smem:$0x3FB9]  }
0x3d: {  	_ =	shalt  }
0x3e: {  	_ =	shalt  }
0x3f: {  	_ =	shalt  }
0x40: {  	_ =	shalt  }
0x41: {  	_ =	shalt  }
0x42: {  	_ =	shalt  }
0x43: {  	_ =	shalt  }
0x44: {  	_ =	shalt  }
0x45: {  	_ =	shalt  }
0x46: {  	_ =	shalt  }
0x47: {  	_ =	shalt  }
0x48: {  	_ =	shalt  }
0x49: {  	_ =	shalt  }
0x4a: {  	_ =	shalt  }
0x4b: {  	_ =	shalt  }
0x4c: {  	_ =	shalt  }
0x4d: {  	_ =	shalt  }
0x4e: {  	_ =	shalt  }
0x4f: {  	_ =	shalt  }
0x50: {  	_ =	shalt  }
0x51: {  	_ =	shalt  }
0x52: {  	_ =	shalt  }
0x53: {  	_ =	shalt  }
0x54: {  	_ =	shalt  }
0x55: {  	_ =	shalt  }
0x56: {  	_ =	shalt  }
0x57: {  	_ =	shalt  }
0x58: {  	_ =	shalt  }
0x59: {  	_ =	shalt  }
0x5a: {  	_ =	shalt  }
0x5b: {  	_ =	shalt  }
0x5c: {  	_ =	shalt  }
0x5d: {  	_ =	shalt  }
0x5e: {  	_ =	shalt  }
0x5f: {  	_ =	shalt  }
0x60: {  	_ =	shalt  }
0x61: {  	_ =	shalt  }
0x62: {  	_ =	shalt  }
0x63: {  	_ =	shalt  }
0x64: {  	_ =	shalt  }
0x65: {  	_ =	shalt  }
0x66: {  	_ =	shalt  }
0x67: {  	_ =	shalt  }
0x68: {  	_ =	shalt  }
0x69: {  	_ =	shalt  }
0x6a: {  	_ =	shalt  }
0x6b: {  	_ =	shalt  }
0x6c: {  	_ =	shalt  }
0x6d: {  	_ =	shalt  }
0x6e: {  	_ =	shalt  }
0x6f: {  	_ =	shalt  }
0x70: {  	_ =	shalt  }
0x71: {  	_ =	shalt  }
0x72: {  	_ =	shalt  }
0x73: {  	_ =	shalt  }
0x74: {  	_ =	shalt  }
0x75: {  	_ =	shalt  }
0x76: {  	_ =	shalt  }
0x77: {  	_ =	shalt  }
0x78: {  	_ =	shalt  }
0x79: {  	_ =	shalt  }
0x7a: {  	_ =	shalt  }
0x7b: {  	_ =	shalt  }
0x7c: {  	_ =	shalt  }
0x7d: {  	_ =	shalt  }
0x7e: {  	_ =	shalt  }
0x7f: {  	_ =	shalt  }
0x80: {  	_ =	shalt  }
0x81: {  	_ =	shalt  }
0x82: {  	_ =	shalt  }
0x83: {  	_ =	shalt  }
0x84: {  	_ =	shalt  }
0x85: {  	_ =	shalt  }
0x86: {  	_ =	shalt  }
0x87: {  	_ =	shalt  }
.Lfunc_end0:
.L_simem_size_0:
called_computation_lowered:
.L_overlay_start_0:
0x88: {  	s2 =	sld [smem:$0x3FD9]  }
0x89: {  	s3 =	sld [smem:$0x3FFE];
	_ =	sdelay $0x1  }
0x8a: {  	s1 =	srdreg.scid  }
0x8b: {  	s0 =	sand.u32 $0x1, s1  }
0x8c: {  	s16 =	sshll.u32 s0, $0xA;
	s2 =	sadd.s32 s3, s2  }
0x8d: {  	s2 =	sadd.s32 s2, s16  }
0x8e: {  	[smem:$0x3FC5] =	sst s2  }
0x8f: {  	_ = 	snop  }
0x90: {  	(tm) =	ssettm $0x1  }
0x91: {  	s17 =	sld [smem:$0x3FFB];
	_ =	sdelay $0x3  }
0x92: {  	_ =	strace s17  }
0x93: {  	s2 =	sld [smem:$0x3FFC];
	_ =	sdelay $0x3  }
0x94: {  	_ =	strace s2  }
0x95: {  	s2 =	sld [smem:$0x3FFD];
	_ =	sdelay $0x3  }
0x96: {  	_ =	strace s2  }
0x97: {  	_ =	strace $0x8FFFFFFF  }
0x98: {  	s18 =	sld [smem:$0x3FDB];
	_ =	sdelay $0x1  }
0x99: {  	s19 =	simm.s32 $_scs_section_size  }
0x9a: {  	s4 =	simm.s32 $_size__tile_overlayer_lowered;
	s5 =	simm.s32 $_tile_overlayer_lowered  }
0x9b: {  	s22 =	simm.s32 $0x1BFF;
	s21 =	sshll.u32 s5, $0x1;
	s2 =	sadd.s32 s19, s18  }
0x9c: {  	s6 =	simm.s32 $0x0;
	s20 =	sshll.u32 s4, $0x1;
	s4 =	sadd.s32 s21, s2  }
0x9d: {  	[timem:s6], [sflag:s22] =	dma.local [hbm:s4], s20  }
0x9e: {  	_ =	swait.ge [sflag:s22], s20  }
0x9f: {  	s3 =	ssub.s32 $0x0, s20;
	[sflag:s22] =	ssyncset.done $0x0  }
0xa0: {  	[sflag:s22] =	ssyncadd.s32 s3;
	_ =	sdelay $0x1  }
0xa1: {  	s23 =	simm.s32 $0x1B8B  }
0xa2: {  	_ =	swait.ge [sflag:s23], $0x1  }
0xa3: {  	[sflag:s23] =	ssyncset.done $0x0  }
0xa4: {  	s25 =	simm.s32 $0x1B8E;
	s24 =	sld [smem:$0x3FFE];
	[sflag:s23] =	ssyncadd.s32 $0xFFFFFFFF  }
0xa5: {  	s26 =	simm.s32 $execute0_lowered;
	[smem:$0x3FD2] =	sst s25  }
0xa6: {  	s4 =	sshll.u32 s26, $0x1;
	_ =	strace $0x80000046;
	[dreg:$0x1] =	wrdreg $0xFFFFFFFF  }
0xa7: {  	s28 =	simm.s32 $_size_execute0_lowered;
	s2 =	sadd.s32 s2, s4;
	[dreg:$0x0] =	wrdreg $0x0  }
0xa8: {  	s4 =	sshll.u32 s28, $0x1;
	[dreg:$0x2] =	wrdreg s2  }
0xa9: {  	[dreg:$0x3] =	wrdreg s4  }
0xaa: {  	[dreg:$0x4] =	wrdreg $0xC0  }
0xab: {  	_ =	task [dreg:s6], $0x5FFFF  }
0xac: {  	[dreg:$0x1] =	wrdreg $0xFFFFFFFF  }
0xad: {  	[dreg:$0x0] =	wrdreg $0x60  }
0xae: {  	[dreg:$0x2] =	wrdreg s24  }
0xaf: {  	[dreg:$0x3] =	wrdreg $0x9  }
0xb0: {  	_ =	task.clear_ibuf [dreg:s6], $0x4FFFF;
	_ =	strace $0x90000046  }
0xb1: {  	s29 =	simm.s32 $0x9;
	_ =	strace $0x80000048  }
0xb2: {  	_ =	swait.ge [sflag:s29], $0x1  }
0xb3: {  	[sflag:s29] =	ssyncadd.s32 $0xFFFFFFFF  }
0xb4: {  	_ =	strace $0x90000048  }
0xb5: {  	_ =	sfence  }
0xb6: {  	s30 =	sld [smem:$0x0];
	_ =	sdelay $0x2  }
0xb7: {  	s31 =	sshll.u32 s1, $0xD;
	s1 =	sshrl.u32 s1, $0x2  }
0xb8: {  	s3 =	sand.u32 $0x4000, s31;
	s1 =	sadd.s32 s1, s30  }
0xb9: {  	s0 =	sor.u32 s3, s0;
	s1 =	sshll.u32 s1, $0x11  }
0xba: {  	s0 =	sor.u32 s1, s0  }
0xbb: {  	s0 =	sadd.s32 $0x8F2B, s0  }
0xbc: {  	[sflag:s0] =	ssyncadd.remote.s32 $0x1  }
0xbd: {  	_ =	sfence.sel $0xFFFF  }
0xbe: {  	[dreg:$0x0] =	wrdreg $0xFFFFFFFF;
	(pc) =	sbr.abs _section_cstart, $3  }
0xbf: {  	[dreg:$0x1] =	wrdreg $0xFFFFFFFF  }
0xc0: {  	_ =	task.clear_ibuf [dreg:s6], $0x2FFFF;
	_ =	strace $0x9FFFFFFF  }
0xc1: {  	(tm) =	ssettm $0x7FFFFFFF  }
tec
execute0_lowered:
.L_overlay_start_1:
0x0: {  	(tag) =	ssettag $0x1  }
0x1: {  	s6 =	rddreg [dreg:$0x0];
	s2 =	srdreg.scid  }
0x2: {  	s0 =	rddreg [dreg:$0x1];
	s1 =	stileid.u32  }
0x3: {  	s11 =	simm.s32 $0x400;
	s12 =	simm.s32 $0xD00;
	s13 =	simm.s32 $0x9D00  }
0x4: {  	s14 =	simm.s32 $0x12D00;
	s15 =	simm.s32 $0x12D80;
	s16 =	simm.s32 $0x0  }
0x5: {  	s5 =	sand.u32 $0x1, s2;
	s2 =	simm.s32 $0x0;
	s3 =	sshll.u32 s1, $0x8  }
0x6: {  	s4 =	sshll.u32 s5, $0x7;
	[smem:$0x7FF] =	sst s2;
	s9 =	ssub.s32 $0x2, s5  }
0x7: {  	s5 =	sadd.s32 $0x1600, s6;
	s7 =	sor.u32 s4, s3;
	_ =	strace $0x80000047  }
0x8: {  	s3 =	sadd.s32 $0x400, s6;
	s4 =	sadd.s32 $0x2800, s6;
	s31 =	sshrl.u32 s9, $0x1  }
0x9: {  	s8 =	sadd.s32 s7, s6;
	s7 =	sshrl.u32 s7, $0x3;
	s9 =	ssub.s32 s9, s31  }
0xa: {  	s10 =	sadd.s32 s7, s6;
	s6 =	sadd.s32 $0x600, s8;
	s9 =	smax.u32 s9, $0x1  }
0xb: {  	v0 =	vlaneseq.u32;
	s7 =	sadd.s32 $0x3A00, s10;
	s8 =	sadd.s32 $0x3C00, s10;
	s10 =	simm.s32 $0x1  }
.LBB2_1:
0xc: {  	[tilespmem:s2], [sflag:$0x1] =	stream.linear.gather [hbm4b:s6+s2], $0x400, $0x38;
	[tilespmem:$0x12E00] =	vst v63  }
0xd: {  	_ =	swait.ge [sflag:s10], $0x400  }
0xe: {  	[sflag:s10] =	ssyncset.done $0x0  }
0xf: {  	[sflag:s10] =	ssyncadd.s32 $0xFFFFFC00  }
0x10: {  	[tilespmem:s11], [sflag:$0x1] =	stream.linear.gather [hbm4b:s3+s2], $0x900, $0x38;
	[tilespmem:$0x12E00] =	vst v63  }
0x11: {  	_ =	swait.ge [sflag:s10], $0x900  }
0x12: {  	[sflag:s10] =	ssyncset.done $0x0  }
0x13: {  	[sflag:s10] =	ssyncadd.s32 $0xFFFFF700  }
0x14: {  	[tilespmem:s12], [sflag:$0x1] =	stream.linear.gather [hbm4b:s4+s2], $0x9000, $0x38;
	[tilespmem:$0x12E00] =	vst v63  }
0x15: {  	_ =	swait.ge [sflag:s10], $0x9000  }
0x16: {  	[sflag:s10] =	ssyncset.done $0x0  }
0x17: {  	[sflag:s10] =	ssyncadd.s32 $0xFFFF7000  }
0x18: {  	[tilespmem:s13], [sflag:$0x1] =	stream.linear.gather [hbm4b:s5+s2], $0x9000, $0x38;
	[tilespmem:$0x12E00] =	vst v63  }
0x19: {  	_ =	swait.ge [sflag:s10], $0x9000  }
0x1a: {  	[sflag:s10] =	ssyncset.done $0x0  }
0x1b: {  	v1 =	vimm.f32 $0.0e+00;
	v2 =	vimm.f32 $0.0e+00;
	s17 =	simm.s32 $0x0;
	[sflag:s10] =	ssyncadd.s32 $0xFFFF7000  }
.LBB2_2:
0x1c: {  	s18 =	sshll.u32 s17, $0x8  }
0x1d: {  	s19 =	simm.s32 $0x0;
	v5 =	vimm.f32 $0.0e+00;
	v4 =	vimm.f32 $0.0e+00;
	s20 =	simm.s32 $0x0;
	v3 =	vmov s18;
	s18 =	simm.s32 $0x0  }
.LBB2_3:
0x1e: {  	s21 =	sshll.u32 s20, $0x4  }
0x1f: {  	v6 =	vld [tilespmem:s21+$0x400]  }
0x20: {  	s21 =	sand.u32 $0xF0, s21  }
0x21: {  	v7 =	vld [tilespmem:s21+$0x500];
	_ =	sdelay $0x2  }
0x22: {  	v6 =	vadd.s32 v3, v6;
	_ =	sdelay $0x1  }
0x23: {  	v8 =	vld [tilespmem:s21+$0x600];
	v7 =	vadd.s32 v3, v7;
	_ =	sdelay $0x1  }
0x24: {  	v10 =	vld [tilespmem:s21+$0x800]  }
0x25: {  	v6 =	vld.idx.msk [tilespmem:v6+s18+$0x0], $0xffff  }
0x26: {  	v9 =	vld [tilespmem:s21+$0x700]  }
0x27: {  	v8 =	vadd.s32 v3, v8;
	v7 =	vld.idx.msk [tilespmem:v7+s18+$0x0], $0xffff;
	_ =	sdelay $0x2  }
0x28: {  	v10 =	vadd.s32 v3, v10;
	v6 =	vmul.u32 $0x4800, v6;
	_ =	sdelay $0x1  }
0x29: {  	s23 =	sadd.s32 $0x0, s19;
	v9 =	vadd.s32 v3, v9;
	v8 =	vld.idx.msk [tilespmem:v8+s18+$0x0], $0xffff;
	v7 =	vmul.u32 $0x4800, v7;
	v6 =	vor.u32 v0, v6  }
0x2a: {  	v11 =	vadd.s32 s23, v6  }
0x2b: {  	s22 =	sadd.s32 $0x800, s23;
	v13 =	vld [tilespmem:s21+$0x900];
	v7 =	vor.u32 v0, v7  }
0x2c: {  	v12 =	vld.idx.msk [tilespmem:v10+s18+$0x0], $0xffff;
	v10 =	vadd.s32 s22, v7  }
0x2d: {  	v14 =	vld [tilespmem:s21+$0xA00]  }
0x2e: {  	v9 =	vld.idx.msk [tilespmem:v9+s18+$0x0], $0xffff;
	v8 =	vmul.u32 $0x4800, v8  }
0x2f: {  	v15 =	vld.idx.msk [tilespmem:v11+s12+$0x0], $0xffff  }
0x30: {  	s31 =	sadd.s32 $0x1000, s23;
	v8 =	vor.u32 v0, v8;
	v11 =	vld.idx.msk [tilespmem:v11+s13+$0x0], $0xffff  }
0x31: {  	v17 =	vadd.s32 s31, v8;
	v16 =	vld.idx.msk [tilespmem:v10+s12+$0x0], $0xffff  }
0x32: {  	v18 =	vld.idx.msk [tilespmem:v10+s13+$0x0], $0xffff  }
0x33: {  	v19 =	vld [tilespmem:s21+$0xB00];
	v13 =	vadd.s32 v3, v13;
	v9 =	vmul.u32 $0x4800, v9  }
0x34: {  	v20 =	vld [tilespmem:s21+$0xC00]  }
0x35: {  	s24 =	sadd.s32 $0x1800, s23;
	v10 =	vor.u32 v0, v9;
	v9 =	vadd.s32 v3, v14  }
0x36: {  	v14 =	vld.idx.msk [tilespmem:v17+s12+$0x0], $0xffff;
	v21 =	vadd.s32 s24, v10  }
0x37: {  	v12 =	vmul.u32 $0x4800, v12;
	v17 =	vld.idx.msk [tilespmem:v17+s13+$0x0], $0xffff;
	v22 =	vmul.f32 v16, v15;
	v23 =	vmul.f32 v18, v11  }
0x38: {  	v19 =	vadd.s32 v3, v19;
	v13 =	vld.idx.msk [tilespmem:v13+s18+$0x0], $0xffff;
	v15 =	vmul.f32 v18, v15;
	v11 =	vmul.f32 v16, v11  }
0x39: {  	s21 =	sadd.s32 $0x100, s19;
	v12 =	vor.u32 v0, v12;
	v16 =	vadd.s32 v3, v20  }
0x3a: {  	s25 =	sadd.s32 $0x2000, s23;
	v9 =	vld.idx.msk [tilespmem:v9+s18+$0x0], $0xffff;
	v18 =	vadd.s32 s21, v6;
	v20 =	vsub.f32 v22, v23;
	v11 =	vadd.f32 v15, v11  }
0x3b: {  	v15 =	vld.idx.msk [tilespmem:v21+s12+$0x0], $0xffff;
	v22 =	vadd.s32 s25, v12  }
0x3c: {  	v21 =	vld.idx.msk [tilespmem:v21+s13+$0x0], $0xffff;
	v23 =	vmul.f32 v20, v14;
	v24 =	vmul.f32 v17, v11  }
0x3d: {  	s26 =	sadd.s32 $0x800, s21;
	v19 =	vld.idx.msk [tilespmem:v19+s18+$0x0], $0xffff;
	v13 =	vmul.u32 $0x4800, v13;
	v17 =	vmul.f32 v17, v20;
	v11 =	vmul.f32 v11, v14  }
0x3e: {  	v20 =	vadd.s32 s26, v7;
	v16 =	vld.idx.msk [tilespmem:v16+s18+$0x0], $0xffff  }
0x3f: {  	s28 =	sadd.s32 $0x2800, s23;
	v14 =	vor.u32 v0, v13;
	v25 =	vld.idx.msk [tilespmem:v18+s12+$0x0], $0xffff;
	v13 =	vsub.f32 v23, v24;
	v11 =	vadd.f32 v11, v17  }
0x40: {  	v23 =	vadd.s32 s28, v14;
	v17 =	vld.idx.msk [tilespmem:v22+s12+$0x0], $0xffff  }
0x41: {  	v9 =	vmul.u32 $0x4800, v9;
	v22 =	vld.idx.msk [tilespmem:v22+s13+$0x0], $0xffff;
	v24 =	vmul.f32 v13, v15;
	v26 =	vmul.f32 v21, v11  }
0x42: {  	s29 =	sadd.s32 $0x1000, s21;
	v18 =	vld.idx.msk [tilespmem:v18+s13+$0x0], $0xffff;
	v21 =	vmul.f32 v21, v13;
	v11 =	vmul.f32 v11, v15  }
0x43: {  	v27 =	vadd.s32 s29, v8;
	v13 =	vor.u32 v0, v9;
	v15 =	vld.idx.msk [tilespmem:v20+s12+$0x0], $0xffff  }
0x44: {  	s30 =	sadd.s32 $0x3000, s23;
	v9 =	vmul.u32 $0x4800, v19;
	v19 =	vld.idx.msk [tilespmem:v20+s13+$0x0], $0xffff;
	v20 =	vsub.f32 v24, v26;
	v11 =	vadd.f32 v11, v21  }
0x45: {  	s24 =	sadd.s32 $0x1800, s21;
	v24 =	vadd.s32 s30, v13;
	v21 =	vld.idx.msk [tilespmem:v23+s12+$0x0], $0xffff  }
0x46: {  	v30 =	vadd.s32 s24, v10;
	v23 =	vld.idx.msk [tilespmem:v23+s13+$0x0], $0xffff;
	v26 =	vmul.f32 v20, v17;
	v28 =	vmul.f32 v22, v11  }
0x47: {  	s31 =	sadd.s32 $0x3800, s23;
	v9 =	vor.u32 v0, v9;
	v20 =	vmul.f32 v22, v20;
	v11 =	vmul.f32 v11, v17  }
0x48: {  	v16 =	vmul.u32 $0x4800, v16;
	v17 =	vadd.s32 s31, v9;
	v22 =	vld.idx.msk [tilespmem:v27+s12+$0x0], $0xffff;
	v29 =	vmul.f32 v15, v25  }
0x49: {  	v27 =	vld.idx.msk [tilespmem:v27+s13+$0x0], $0xffff;
	v26 =	vsub.f32 v26, v28;
	v28 =	vmul.f32 v19, v18;
	v20 =	vadd.f32 v11, v20  }
0x4a: {  	v11 =	vor.u32 v0, v16;
	v19 =	vmul.f32 v19, v25;
	v15 =	vmul.f32 v15, v18;
	v16 =	vld.idx.msk [tilespmem:v24+s12+$0x0], $0xffff  }
0x4b: {  	v18 =	vld.idx.msk [tilespmem:v24+s13+$0x0], $0xffff;
	v24 =	vsub.f32 v29, v28;
	v25 =	vmul.f32 v26, v21;
	v28 =	vmul.f32 v23, v20  }
0x4c: {  	s22 =	sadd.s32 $0x200, s19;
	s23 =	sadd.s32 $0x4000, s23;
	v15 =	vadd.f32 v19, v15;
	v19 =	vmul.f32 v23, v26;
	v20 =	vmul.f32 v20, v21  }
0x4d: {  	v31 =	vld.idx.msk [tilespmem:v30+s12+$0x0], $0xffff;
	v21 =	vadd.s32 s22, v6;
	v29 =	vadd.s32 s23, v11;
	v23 =	vmul.f32 v24, v22  }
0x4e: {  	v26 =	vld.idx.msk [tilespmem:v17+s12+$0x0], $0xffff;
	v32 =	vmul.f32 v27, v15;
	v25 =	vsub.f32 v25, v28;
	v19 =	vadd.f32 v20, v19  }
0x4f: {  	s25 =	sadd.s32 $0x2000, s21;
	v20 =	vld.idx.msk [tilespmem:v30+s13+$0x0], $0xffff;
	v24 =	vmul.f32 v27, v24;
	v15 =	vmul.f32 v15, v22  }
0x50: {  	v17 =	vld.idx.msk [tilespmem:v17+s13+$0x0], $0xffff;
	v22 =	vadd.s32 s25, v12;
	v27 =	vmul.f32 v25, v16;
	v28 =	vmul.f32 v18, v19  }
0x51: {  	s26 =	sadd.s32 $0x800, s22;
	v18 =	vmul.f32 v18, v25;
	v25 =	vmul.f32 v19, v16;
	v30 =	vsub.f32 v23, v32  }
0x52: {  	v63 =	vadd.s32 s26, v7;
	v24 =	vadd.f32 v15, v24;
	v19 =	vld.idx.msk [tilespmem:v21+s12+$0x0], $0xffff  }
0x53: {  	v16 =	vld.idx.msk [tilespmem:v29+s12+$0x0], $0xffff;
	v27 =	vsub.f32 v27, v28;
	v18 =	vadd.f32 v25, v18;
	v28 =	vmul.f32 v30, v31  }
0x54: {  	s28 =	sadd.s32 $0x2800, s21;
	v15 =	vld.idx.msk [tilespmem:v29+s13+$0x0], $0xffff;
	v34 =	vmul.f32 v20, v24;
	v20 =	vmul.f32 v20, v30  }
0x55: {  	v35 =	vadd.s32 s28, v14;
	v23 =	vld.idx.msk [tilespmem:v22+s12+$0x0], $0xffff;
	v33 =	vmul.f32 v27, v26;
	v36 =	vmul.f32 v17, v18  }
0x56: {  	s29 =	sadd.s32 $0x1000, s22;
	v25 =	vld.idx.msk [tilespmem:v22+s13+$0x0], $0xffff;
	v17 =	vmul.f32 v17, v27;
	v22 =	vmul.f32 v18, v26  }
0x57: {  	v27 =	vld.idx.msk [tilespmem:v21+s13+$0x0], $0xffff;
	v21 =	vmul.f32 v24, v31;
	v18 =	vsub.f32 v33, v36;
	v33 =	vadd.s32 s29, v8  }
0x58: {  	s30 =	sadd.s32 $0x3000, s21;
	v29 =	vld.idx.msk [tilespmem:v63+s12+$0x0], $0xffff;
	v17 =	vadd.f32 v22, v17  }
0x59: {  	v30 =	vld.idx.msk [tilespmem:v63+s13+$0x0], $0xffff;
	v31 =	vsub.f32 v28, v34;
	v28 =	vadd.s32 s30, v13;
	v32 =	vadd.f32 v21, v20  }
0x5a: {  	s31 =	sadd.s32 $0x3800, s21;
	v24 =	vld.idx.msk [tilespmem:v35+s12+$0x0], $0xffff;
	v20 =	vmul.f32 v15, v18;
	v21 =	vmul.f32 v17, v16  }
0x5b: {  	s23 =	simm.s32 $0x300;
	v26 =	vld.idx.msk [tilespmem:v35+s13+$0x0], $0xffff;
	v22 =	vadd.s32 s31, v9;
	v34 =	vmul.f32 v31, v23;
	v35 =	vmul.f32 v25, v32  }
.LBB2_4:
0x5c: {  	p0 =	sne.s32 s23, $0x700;
	v36 =	vld.idx.msk [tilespmem:v33+s12+$0x0], $0xffff;
	s24 =	sadd.s32 $0x1800, s22;
	v25 =	vmul.f32 v25, v31;
	v23 =	vmul.f32 v32, v23;
	v20 =	vadd.f32 v21, v20  }
0x5d: {  	v21 =	vmul.f32 v29, v19;
	v31 =	vld.idx.msk [tilespmem:v33+s13+$0x0], $0xffff;
	v32 =	vadd.s32 s24, v10;
	v33 =	vsub.f32 v34, v35  }
0x5e: {  	s24 =	sadd.s32 s23, s19;
	v34 =	vmul.f32 v30, v27;
	v23 =	vadd.f32 v23, v25;
	v25 =	vld.idx.msk [tilespmem:v28+s12+$0x0], $0xffff;
	v5 =	vadd.f32 v20, v5  }
0x5f: {  	v19 =	vmul.f32 v30, v19;
	v27 =	vmul.f32 v29, v27;
	v20 =	vadd.s32 s24, v6;
	v28 =	vld.idx.msk [tilespmem:v28+s13+$0x0], $0xffff  }
0x60: {  	v21 =	vsub.f32 v21, v34;
	v29 =	vmul.f32 v33, v24;
	v30 =	vmul.f32 v26, v23  }
0x61: {  	s25 =	sadd.s32 $0x4000, s21;
	s21 =	smov.u32 s22;
	s22 =	smov.u32 s24;
	v19 =	vadd.f32 v19, v27;
	v26 =	vmul.f32 v26, v33;
	v23 =	vmul.f32 v23, v24;
	v24 =	vld.idx.msk [tilespmem:v22+s12+$0x0], $0xffff  }
0x62: {  	v18 =	vmul.f32 v18, v16;
	v33 =	vadd.s32 s25, v11;
	v27 =	vmul.f32 v21, v36;
	v34 =	vld.idx.msk [tilespmem:v32+s12+$0x0], $0xffff  }
0x63: {  	s24 =	sadd.s32 $0x2000, s21;
	v16 =	vmul.f32 v31, v19;
	v29 =	vsub.f32 v29, v30;
	v23 =	vadd.f32 v23, v26;
	v32 =	vld.idx.msk [tilespmem:v32+s13+$0x0], $0xffff  }
0x64: {  	v21 =	vmul.f32 v31, v21;
	v26 =	vmul.f32 v19, v36;
	v30 =	vadd.s32 s24, v12;
	v22 =	vld.idx.msk [tilespmem:v22+s13+$0x0], $0xffff  }
0x65: {  	v31 =	vmul.f32 v29, v25;
	v35 =	vmul.f32 v28, v23  }
0x66: {  	s24 =	sadd.s32 $0x800, s22;
	v28 =	vmul.f32 v28, v29;
	v23 =	vmul.f32 v23, v25;
	v19 =	vld.idx.msk [tilespmem:v20+s12+$0x0], $0xffff  }
0x67: {  	v36 =	vadd.s32 s24, v7;
	v37 =	vsub.f32 v27, v16;
	v21 =	vadd.f32 v26, v21;
	v16 =	vld.idx.msk [tilespmem:v33+s12+$0x0], $0xffff  }
0x68: {  	v17 =	vmul.f32 v15, v17;
	s24 =	sadd.s32 $0x2800, s21;
	v26 =	vsub.f32 v31, v35;
	v28 =	vadd.f32 v23, v28;
	v15 =	vld.idx.msk [tilespmem:v33+s13+$0x0], $0xffff  }
0x69: {  	v38 =	vadd.s32 s24, v14;
	v31 =	vmul.f32 v37, v34;
	v35 =	vmul.f32 v32, v21;
	v23 =	vld.idx.msk [tilespmem:v30+s12+$0x0], $0xffff  }
0x6a: {  	v41 =	vsub.f32 v18, v17;
	v39 =	vmul.f32 v26, v24;
	v40 =	vmul.f32 v22, v28;
	v25 =	vld.idx.msk [tilespmem:v30+s13+$0x0], $0xffff  }
0x6b: {  	s24 =	sadd.s32 $0x1000, s22;
	v17 =	vmul.f32 v22, v26;
	v27 =	vld.idx.msk [tilespmem:v20+s13+$0x0], $0xffff;
	v20 =	vmul.f32 v28, v24  }
.Ltmp0:
0x6c: {  	v33 =	vadd.s32 s24, v8;
	v21 =	vmul.f32 v21, v34;
	v22 =	vmul.f32 v32, v37;
	v29 =	vld.idx.msk [tilespmem:v36+s12+$0x0], $0xffff;
	(pc) =	sbr.rel @p0 .LBB2_4-.Ltmp0, $4  }
0x6d: {  	s24 =	sadd.s32 $0x3000, s21;
	v18 =	vsub.f32 v39, v40;
	v30 =	vld.idx.msk [tilespmem:v36+s13+$0x0], $0xffff;
	v17 =	vadd.f32 v20, v17  }
0x6e: {  	v31 =	vsub.f32 v31, v35;
	v32 =	vadd.f32 v21, v22;
	v28 =	vadd.s32 s24, v13;
	v24 =	vld.idx.msk [tilespmem:v38+s12+$0x0], $0xffff  }
0x6f: {  	v4 =	vadd.f32 v41, v4;
	s24 =	sadd.s32 $0x3800, s21;
	v20 =	vmul.f32 v15, v18;
	v26 =	vld.idx.msk [tilespmem:v38+s13+$0x0], $0xffff;
	v21 =	vmul.f32 v17, v16  }
0x70: {  	s23 =	sadd.s32 $0x100, s23;
	v22 =	vadd.s32 s24, v9;
	v34 =	vmul.f32 v31, v23;
	v35 =	vmul.f32 v25, v32  }
0x71: {  	_ =	sdelay $0x2  }
0x72: {  	s23 =	sadd.s32 $0x1800, s22  }
0x73: {  	v6 =	vld.idx.msk [tilespmem:v33+s12+$0x0], $0xffff;
	v7 =	vadd.s32 s23, v10  }
0x74: {  	v8 =	vld.idx.msk [tilespmem:v33+s13+$0x0], $0xffff  }
0x75: {  	v45 =	vmul.f32 v29, v19;
	v46 =	vmul.f32 v30, v27  }
0x76: {  	v48 =	vmul.f32 v29, v27;
	v47 =	vmul.f32 v30, v19  }
0x77: {  	s26 =	sadd.s32 $0x2000, s22;
	v10 =	vsub.f32 v45, v46  }
0x78: {  	v12 =	vadd.s32 s26, v12;
	v19 =	vadd.f32 v47, v48;
	v49 =	vld.idx.msk [tilespmem:v7+s12+$0x0], $0xffff  }
0x79: {  	v50 =	vmul.f32 v10, v6;
	v10 =	vmul.f32 v8, v10;
	v7 =	vld.idx.msk [tilespmem:v7+s13+$0x0], $0xffff  }
0x7a: {  	v8 =	vmul.f32 v8, v19;
	v6 =	vmul.f32 v19, v6;
	_ =	sdelay $0x1  }
0x7b: {  	s28 =	sadd.s32 $0x2800, s22;
	v8 =	vsub.f32 v50, v8;
	v6 =	vadd.f32 v6, v10  }
0x7c: {  	v51 =	vmul.f32 v25, v31;
	v52 =	vmul.f32 v32, v23;
	v14 =	vadd.s32 s28, v14;
	v53 =	vld.idx.msk [tilespmem:v12+s12+$0x0], $0xffff  }
0x7d: {  	v54 =	vsub.f32 v34, v35;
	v12 =	vld.idx.msk [tilespmem:v12+s13+$0x0], $0xffff;
	v29 =	vmul.f32 v8, v49;
	v55 =	vmul.f32 v7, v6  }
0x7e: {  	v10 =	vadd.f32 v52, v51;
	v7 =	vmul.f32 v7, v8;
	v6 =	vmul.f32 v6, v49  }
0x7f: {  	v56 =	vld.idx.msk [tilespmem:v28+s12+$0x0], $0xffff;
	v57 =	vmul.f32 v54, v24  }
0x80: {  	v58 =	vld.idx.msk [tilespmem:v28+s13+$0x0], $0xffff;
	s29 =	sadd.s32 $0x3000, s22;
	v59 =	vmul.f32 v26, v10;
	v29 =	vsub.f32 v29, v55;
	v6 =	vadd.f32 v6, v7  }
0x81: {  	v13 =	vadd.s32 s29, v13;
	v60 =	vld.idx.msk [tilespmem:v14+s12+$0x0], $0xffff;
	v10 =	vmul.f32 v10, v24;
	v7 =	vmul.f32 v26, v54  }
0x82: {  	v14 =	vld.idx.msk [tilespmem:v14+s13+$0x0], $0xffff;
	v19 =	vsub.f32 v57, v59;
	v61 =	vmul.f32 v29, v53;
	v62 =	vmul.f32 v12, v6  }
0x83: {  	s21 =	sadd.s32 $0x4000, s21;
	v63 =	vmul.f32 v12, v29;
	v6 =	vmul.f32 v6, v53  }
0x84: {  	v32 =	vld.idx.msk [tilespmem:v22+s12+$0x0], $0xffff;
	v33 =	vadd.s32 s21, v11;
	v28 =	vmul.f32 v19, v56;
	v7 =	vadd.f32 v10, v7  }
0x85: {  	s30 =	sadd.s32 $0x3800, s22;
	v34 =	vld.idx.msk [tilespmem:v22+s13+$0x0], $0xffff;
	v36 =	vmul.f32 v58, v19;
	v25 =	vsub.f32 v61, v62;
	v6 =	vadd.f32 v6, v63  }
0x86: {  	v37 =	vadd.s32 s30, v9;
	v38 =	vld.idx.msk [tilespmem:v13+s12+$0x0], $0xffff;
	v35 =	vmul.f32 v58, v7;
	v7 =	vmul.f32 v7, v56  }
0x87: {  	v13 =	vld.idx.msk [tilespmem:v13+s13+$0x0], $0xffff;
	v39 =	vmul.f32 v25, v60;
	v40 =	vmul.f32 v14, v6  }
0x88: {  	v14 =	vmul.f32 v14, v25;
	v6 =	vmul.f32 v6, v60  }
0x89: {  	v41 =	vsub.f32 v28, v35;
	v7 =	vadd.f32 v7, v36  }
0x8a: {  	s31 =	sadd.s32 $0x4000, s22;
	v15 =	vmul.f32 v15, v17;
	v42 =	vld.idx.msk [tilespmem:v33+s13+$0x0], $0xffff;
	v19 =	vsub.f32 v39, v40;
	v6 =	vadd.f32 v6, v14  }
0x8b: {  	v46 =	vadd.s32 s31, v11;
	v45 =	vld.idx.msk [tilespmem:v37+s12+$0x0], $0xffff;
	v43 =	vmul.f32 v41, v32;
	v44 =	vmul.f32 v34, v7  }
0x8c: {  	v8 =	vld.idx.msk [tilespmem:v37+s13+$0x0], $0xffff;
	v47 =	vmul.f32 v19, v38;
	v48 =	vmul.f32 v13, v6  }
0x8d: {  	v13 =	vmul.f32 v13, v19;
	v6 =	vmul.f32 v6, v38  }
0x8e: {  	v50 =	vld.idx.msk [tilespmem:v33+s12+$0x0], $0xffff;
	v49 =	vmul.f32 v18, v16;
	v51 =	vmul.f32 v34, v41;
	v14 =	vsub.f32 v43, v44  }
0x8f: {  	v7 =	vmul.f32 v7, v32;
	v52 =	vsub.f32 v47, v48;
	v6 =	vadd.f32 v6, v13  }
0x90: {  	v11 =	vld.idx.msk [tilespmem:v46+s13+$0x0], $0xffff;
	v9 =	vsub.f32 v49, v15;
	v54 =	vmul.f32 v42, v14  }
0x91: {  	v55 =	vld.idx.msk [tilespmem:v46+s12+$0x0], $0xffff;
	v7 =	vadd.f32 v7, v51;
	v56 =	vmul.f32 v52, v45;
	v57 =	vmul.f32 v8, v6  }
0x92: {  	v53 =	vadd.f32 v21, v20;
	v8 =	vmul.f32 v8, v52;
	v6 =	vmul.f32 v6, v45  }
0x93: {  	v4 =	vadd.f32 v9, v4;
	v58 =	vmul.f32 v7, v50;
	v59 =	vmul.f32 v14, v50  }
0x94: {  	v7 =	vmul.f32 v42, v7;
	v60 =	vsub.f32 v56, v57;
	v6 =	vadd.f32 v6, v8  }
0x95: {  	s20 =	sadd.s32 $0x1, s20;
	v5 =	vadd.f32 v53, v5;
	v61 =	vadd.f32 v58, v54  }
0x96: {  	p0 =	sne.s32 s20, $0x10;
	v7 =	vsub.f32 v59, v7;
	v62 =	vmul.f32 v11, v60;
	v63 =	vmul.f32 v6, v55  }
.Ltmp1:
0x97: {  	v10 =	vmul.f32 v60, v55;
	v6 =	vmul.f32 v11, v6;
	(pc) =	sbr.rel @p0 .LBB2_3-.Ltmp1, $3  }
0x98: {  	v5 =	vadd.f32 v61, v5;
	v4 =	vadd.f32 v7, v4  }
0x99: {  	v7 =	vadd.f32 v63, v62;
	v6 =	vsub.f32 v10, v6;
	_ =	sdelay $0x1  }
0x9a: {  	s19 =	sadd.s32 $0x10, s19;
	v5 =	vadd.f32 v7, v5;
	v4 =	vadd.f32 v6, v4  }
0x9b: {  	_ = 	snop  }
0x9c: {  	(xrf2) =	vadd.scan.msk.f32 $0xffff, v4  }
0x9d: {  	(xrf2) =	vadd.scan.msk.f32 $0xffff, v5;
	_ =	sdelay $0x6  }
0x9e: {  	v63 =	vmov s17;
	s17 =	sadd.s32 $0x1, s17  }
0x9f: {  	p0 =	sne.s32 s17, $0x4  }
.Ltmp2:
0xa0: {  	v3, _, _ =	vpop (xrf2);
	(pc) =	sbr.rel @p0 .LBB2_2-.Ltmp2, $4  }
0xa1: {  	v5, _, _ =	vpop (xrf2)  }
0xa2: {  	v3 =	vbroadcast v3, $0xF;
	v5 =	vbroadcast v5, $0xF  }
0xa3: {  	vm0 =	veq.s32 v63, v0  }
0xa4: {  	v2 =	vsel vm0, v3, v2;
	v1 =	vsel vm0, v5, v1  }
0xa5: {  	[tilespmem:$0x12D00] =	vst v2  }
0xa6: {  	[tilespmem:$0x12D80] =	vst v1  }
0xa7: {  	[hbm4b:s7+s2] =	stream.linear.scatter [tilespmem:s14], [sflag:$0x1], $0x80, $0x38;
	[tilespmem:$0x12E00] =	vst v63  }
0xa8: {  	s16 =	sadd.s32 $0x1, s16;
	_ =	swait.ge [sflag:s10], $0x80  }
0xa9: {  	p0 =	sne.s32 s16, s9;
	[sflag:s10] =	ssyncset.done $0x0  }
.Ltmp3:
0xaa: {  	[sflag:s10] =	ssyncadd.s32 $0xFFFFFF80;
	(pc) =	sbr.rel @p0 .LBB2_1-.Ltmp3, $4  }
0xab: {  	[hbm4b:s8+s2] =	stream.linear.scatter [tilespmem:s15], [sflag:$0x1], $0x80, $0x38;
	[tilespmem:$0x12E00] =	vst v63  }
0xac: {  	_ =	swait.ge [sflag:s10], $0x80  }
0xad: {  	[sflag:s10] =	ssyncset.done $0x0  }
0xae: {  	[sflag:s10] =	ssyncadd.s32 $0xFFFFFF80  }
0xaf: {  	_ =	sfence.sel $0x180000  }
0xb0: {  	[bflag:$0x0] =	sbarrier.arrive $0xFFFF  }
0xb1: {  	p0 =	sne.s32 s1, $0x0;
	_ =	strace $0x90000047  }
0xb2: {  	s0 =	sadd.s32 @!p0 $0x100000, s0;
	[bflag:$0x2] =	sbarrier.arrive $0xFFFF  }
0xb3: {  	[sflag:s0] =	ssyncadd.tile.s32 @!p0 $0x1;
	_ =	shalt  }
.Lfunc_end2:
_tile_overlayer_lowered:
.L_overlay_start_2:
0xb4: {  	(tag) =	ssettag $0x2  }
0xb5: {  	s0 =	rddreg [dreg:$0x0];
	s2 =	stileid.u32  }
0xb6: {  	s1 =	rddreg [dreg:$0x1];
	p0 =	sne.s32 s2, $0x0  }
0xb7: {  	s3 =	rddreg [dreg:$0x2];
	[bflag:$0x3] =	sbarrier.arrive $0xFFFF;
	s2 =	simm.s32 @!p0 $0x1C01  }
0xb8: {  	[timem:s3], [sflag:s2] =	dma.local @!p0 [hbm:s0], s1  }
0xb9: {  	s0 =	simm.s32 @!p0 $0x1  }
0xba: {  	_ =	swait.ge @!p0 [sflag:s0], s1  }
0xbb: {  	s1 =	ssub.s32 @!p0 $0x0, s1;
	[sflag:s0] =	ssyncset.done @!p0 $0x0  }
0xbc: {  	[sflag:s0] =	ssyncadd.s32 @!p0 s1  }
0xbd: {  	[bflag:$0x3] =	sbarrier.arrive $0xFFFF  }
0xbe: {  	_ =	shalt  }

</sc_bundles>
